<compile_context>
chip_gen: v7x
topology: tpu7x:2x2x1
jax: 0.10.2.dev20260603
libtpu: 0.0.44.dev20260713+nightly
codegen_flags: <defaults>
</compile_context>

<pallas_src>
import functools

import jax
import jax.numpy as jnp
from jax import lax
from jax.experimental import pallas as pl
from jax.experimental.pallas import tpu as pltpu
from jax.experimental.pallas import tpu_sc as plsc

N = 10000
E = 320000
D_IN, HID, OUT = 128, 64, 128

NC, NS, LANES = 2, 16, 16
NW = NC * NS
BLK = 128
NBLK = 80
EPW = NBLK * BLK
E_PAD = NW * EPW
N_PAD = 10240
RPS = N_PAD // NS
CNT_W = 16
ZR = 128

TC_BLK = 1000

_PERM = [32 * (q // 32) + (q % 32) // 2 + 16 * (q % 2) for q in range(HID)]


NBUF = 4


def _seg_body(with_counts, *refs):
    if with_counts:
        (vals, srcs, dsts, out, cnt_out,
         src_v, dst_v, bf0, bf1, bf2, bf3, f0, f1, f2, f3, hist_v, zero_v,
         acc_sh, sem_i, g0, g1, g2, g3, s0, s1, s2, s3) = refs
    else:
        (vals, srcs, dsts, out,
         src_v, dst_v, bf0, bf1, bf2, bf3, f0, f1, f2, f3, zero_v,
         acc_sh, sem_i, g0, g1, g2, g3, s0, s1, s2, s3) = refs
    bf = [bf0, bf1, bf2, bf3]
    f32 = [f0, f1, f2, f3]
    gsem = [g0, g1, g2, g3]
    ssem = [s0, s1, s2, s3]
    c = lax.axis_index("c")
    s = lax.axis_index("s")
    wid = s * NC + c

    pltpu.async_copy(srcs.at[wid], src_v, sem_i)
    pltpu.async_copy(dsts.at[wid], dst_v, sem_i)

    zvec = jnp.zeros((LANES,), jnp.float32)

    @pl.loop(0, ZR)
    def _(i):
        for j in range(0, HID, LANES):
            zero_v[i, pl.ds(j, LANES)] = zvec

    if with_counts:
        @pl.loop(0, N_PAD, step=LANES)
        def _(i):
            hist_v[pl.ds(i, LANES)] = zvec

    for k in range(RPS // ZR):
        r0 = s * RPS + k * ZR
        pltpu.sync_copy(zero_v, acc_sh.at[pl.ds(r0, ZR)])
    plsc.subcore_barrier()

    pltpu.make_async_copy(srcs.at[0], src_v, sem_i).wait()
    pltpu.make_async_copy(dsts.at[0], dst_v, sem_i).wait()

    def fire(g, buf, sem):
        pltpu.async_copy(vals.at[src_v.at[g]], buf, sem)

    def drain(buf, sem):
        pltpu.make_async_copy(vals.at[pl.ds(0, BLK)], buf, sem).wait()

    def convert(bf_buf, f32_buf):
        @plsc.parallel_loop(0, BLK, unroll=4)
        def _(r):
            for j in range(0, HID, 2 * LANES):
                pair = bf_buf[r, pl.ds(j, 2 * LANES)]
                lo, hi = plsc.unpack(pair, format=plsc.PackFormat.INTERLEAVED,
                                     preferred_element_type=jnp.float32)
                f32_buf[r, pl.ds(j, LANES)] = lo
                f32_buf[r, pl.ds(j + LANES, LANES)] = hi

    def sc_fire(g, f32_buf, sem):
        pltpu.async_copy(f32_buf, acc_sh.at[dst_v.at[g]], sem, add=True)

    def sc_drain(f32_buf, sem):
        pltpu.make_async_copy(out.at[0].at[pl.ds(0, BLK)], f32_buf, sem).wait()

    ones16 = jnp.ones((LANES,), jnp.float32)

    def count(g):
        if with_counts:
            for j in range(0, BLK, LANES):
                idx = dst_v[g, pl.ds(j, LANES)]
                plsc.addupdate_scatter(hist_v, [idx], ones16)

    for k in range(NBUF - 1):
        fire(k, bf[k], gsem[k])

    @pl.loop(0, NBLK, step=NBUF)
    def _(g):
        for k in range(NBUF):
            blk_id = g + k
            drain(bf[k], gsem[k])

            @pl.when(blk_id >= NBUF)
            def _():
                sc_drain(f32[k], ssem[k])
            convert(bf[k], f32[k])
            sc_fire(blk_id, f32[k], ssem[k])
            count(blk_id)

            @pl.when(blk_id + NBUF - 1 < NBLK)
            def _():
                fire(blk_id + NBUF - 1, bf[(k + NBUF - 1) % NBUF],
                     gsem[(k + NBUF - 1) % NBUF])

    for k in range(NBUF):
        sc_drain(f32[k], ssem[k])

    if with_counts:
        pltpu.sync_copy(hist_v, cnt_out.at[c].at[s])

    plsc.subcore_barrier()

    r0 = s * RPS
    pltpu.sync_copy(acc_sh.at[pl.ds(r0, RPS)], out.at[c].at[pl.ds(r0, RPS)])


def _make_seg(with_counts):
    mesh = plsc.VectorSubcoreMesh(core_axis_name="c", subcore_axis_name="s")
    out_type = [jax.ShapeDtypeStruct((NC, N_PAD, HID), jnp.float32)]
    scratch = [
        pltpu.VMEM((NBLK, BLK), jnp.int32),
        pltpu.VMEM((NBLK, BLK), jnp.int32),
    ]
    scratch += [pltpu.VMEM((BLK, HID), jnp.bfloat16) for _ in range(NBUF)]
    scratch += [pltpu.VMEM((BLK, HID), jnp.float32) for _ in range(NBUF)]
    if with_counts:
        out_type.append(jax.ShapeDtypeStruct((NC, NS, N_PAD), jnp.float32))
        scratch.append(pltpu.VMEM((N_PAD,), jnp.float32))
    scratch += [
        pltpu.VMEM((ZR, HID), jnp.float32),
        pltpu.VMEM_SHARED((N_PAD, HID), jnp.float32),
    ]
    scratch += [pltpu.SemaphoreType.DMA] * (1 + 2 * NBUF)
    return pl.kernel(
        functools.partial(_seg_body, with_counts),
        out_type=out_type if with_counts else out_type[0],
        mesh=mesh,
        scratch_types=scratch,
        compiler_params=pltpu.CompilerParams(use_tc_tiling_on_sc=False,
                                             needs_layout_passes=False),
    )


_seg_with_counts = _make_seg(True)
_seg_plain = _make_seg(False)


def _interleave_cols(a):
    r = a.shape[0]
    g = a.reshape(r, HID // 32, 2, 16)
    g = jnp.swapaxes(g, 2, 3)
    return g.reshape(r, HID).astype(jnp.bfloat16)


def _tc1_body(x_ref, w_ref, b_ref, y_ref, xr_ref):
    prod = jnp.dot(x_ref[...], w_ref[...], preferred_element_type=jnp.float32)
    y_ref[...] = _interleave_cols(prod[:, :HID])
    xr_ref[...] = prod[:, HID:] + b_ref[...]


def _tc2_body(s0_ref, s1_ref, c_ref, xr_ref, h_ref, hb_ref, inv_ref):
    cnt = jnp.sum(c_ref[...], axis=1)
    inv = (1.0 / jnp.maximum(cnt, 1.0))[:, None]
    aggr = (s0_ref[0] + s1_ref[0]) * inv
    h = jnp.maximum(aggr + xr_ref[...], 0.0)
    h_ref[...] = h
    hb_ref[...] = _interleave_cols(h)
    inv_ref[...] = jnp.broadcast_to(inv, (TC_BLK, CNT_W))


def _tc3_body(s0_ref, s1_ref, inv_ref, h_ref, w_ref, b_ref, out_ref):
    aggr = (s0_ref[0] + s1_ref[0]) * inv_ref[:, 0:1]
    z = jnp.concatenate([aggr, h_ref[...]], axis=1)
    out_ref[...] = jnp.dot(z, w_ref[...], preferred_element_type=jnp.float32) + b_ref[...]


def _row_spec(width):
    return pl.BlockSpec((TC_BLK, width), lambda i: (i, 0))


def _full_spec(shape):
    return pl.BlockSpec(shape, lambda i: tuple(0 for _ in shape))


_GRID = N // TC_BLK

_tc1 = pl.pallas_call(
    _tc1_body,
    grid=(_GRID,),
    in_specs=[_row_spec(D_IN), _full_spec((D_IN, 2 * HID)), _full_spec((1, HID))],
    out_specs=[_row_spec(HID), _row_spec(HID)],
    out_shape=[jax.ShapeDtypeStruct((N, HID), jnp.bfloat16),
               jax.ShapeDtypeStruct((N, HID), jnp.float32)],
)

def _part_spec(core):
    return pl.BlockSpec((1, TC_BLK, HID), lambda i, c=core: (c, i, 0))


_tc2 = pl.pallas_call(
    _tc2_body,
    grid=(_GRID,),
    in_specs=[_part_spec(0), _part_spec(1), _row_spec(NW), _row_spec(HID)],
    out_specs=[_row_spec(HID), _row_spec(HID), _row_spec(CNT_W)],
    out_shape=[jax.ShapeDtypeStruct((N, HID), jnp.float32),
               jax.ShapeDtypeStruct((N, HID), jnp.bfloat16),
               jax.ShapeDtypeStruct((N, CNT_W), jnp.float32)],
)

_tc3 = pl.pallas_call(
    _tc3_body,
    grid=(_GRID,),
    in_specs=[_part_spec(0), _part_spec(1), _row_spec(CNT_W), _row_spec(HID),
              _full_spec((2 * HID, OUT)), _full_spec((1, OUT))],
    out_specs=_row_spec(OUT),
    out_shape=jax.ShapeDtypeStruct((N, OUT), jnp.float32),
)


def kernel(x, edge_index, W1_l, b1, W1_r, W2_l, b2, W2_r):
    w1 = jnp.concatenate([W1_l.T, W1_r.T], axis=1)
    w2 = jnp.concatenate([W2_l.T, W2_r.T], axis=0)
    pad = E_PAD - E
    srcs = jnp.concatenate([edge_index[0], jnp.zeros((pad,), jnp.int32)])
    dsts = jnp.concatenate([edge_index[1], jnp.full((pad,), N, jnp.int32)])
    srcs = srcs.reshape(NW, NBLK, BLK)
    dsts = dsts.reshape(NW, NBLK, BLK)
    y1b, xr1 = _tc1(x, w1, b1[None, :])
    s1p, cntp = _seg_with_counts(y1b, srcs, dsts)
    cnt_t = cntp.reshape(NW, N_PAD)[:, :N].T
    h, hb, inv = _tc2(s1p, s1p, cnt_t, xr1)
    s2p = _seg_plain(hb, srcs, dsts)
    out = _tc3(s2p, s2p, inv, h, w2, b2[None, :])
    return out

# --- scband reference (transcript-rebuilt; emitter-appended) ---
"""Pipeline reference for scband-sage-35442070127065 (READ-ONLY COPY).

The authoritative reference and input builder live on the scoring server;
editing this copy changes nothing except your own understanding.
"""

import jax, jax.numpy as jnp
import numpy as np

N = 10000
E = 320000
D_IN, HID, OUT = 128, 64, 128


def setup_inputs(seed: int = 0) -> dict:
    key = jax.random.key(seed)
    ks = jax.random.split(key, 9)
    x = jax.random.normal(ks[0], (N, D_IN), dtype=jnp.float32)
    edge_index = jax.random.randint(ks[1], (2, E), 0, N, dtype=jnp.int32)
    s1 = 1.0 / np.sqrt(D_IN)
    s2 = 1.0 / np.sqrt(HID)
    W1_l = jax.random.uniform(ks[2], (HID, D_IN), jnp.float32, -s1, s1)
    b1 = jax.random.uniform(ks[3], (HID,), jnp.float32, -s1, s1)
    W1_r = jax.random.uniform(ks[4], (HID, D_IN), jnp.float32, -s1, s1)
    W2_l = jax.random.uniform(ks[5], (OUT, HID), jnp.float32, -s2, s2)
    b2 = jax.random.uniform(ks[6], (OUT,), jnp.float32, -s2, s2)
    W2_r = jax.random.uniform(ks[7], (OUT, HID), jnp.float32, -s2, s2)
    return {"x": x, "edge_index": edge_index, "W1_l": W1_l, "b1": b1, "W1_r": W1_r, "W2_l": W2_l, "b2": b2, "W2_r": W2_r}


def _sage_conv(x, src, dst, W_l, b, W_r):
    # message = x[src]; mean-aggregate at dst; out = lin_l(aggr) + lin_r(x)
    msgs = jnp.take(x, src, axis=0)
    sums = jax.ops.segment_sum(msgs, dst, num_segments=N)
    cnt = jax.ops.segment_sum(jnp.ones((src.shape[0], 1), x.dtype), dst, num_segments=N)
    aggr = sums / jnp.maximum(cnt, 1.0)
    return aggr @ W_l.T + b + x @ W_r.T


def reference(x, edge_index, W1_l, b1, W1_r, W2_l, b2, W2_r):
    src = edge_index[0]
    dst = edge_index[1]
    h = _sage_conv(x, src, dst, W1_l, b1, W1_r)
    h = jax.nn.relu(h)
    h = _sage_conv(h, src, dst, W2_l, b2, W2_r)
    return h

if __name__ == "__main__":
    import jax
    _d = setup_inputs()
    print(jax.jit(kernel)(*tuple(_d.values())))

</pallas_src>

<mosaic_0001>
#map = affine_map<(d0, d1) -> (0, 0)>
#map1 = affine_map<(d0, d1) -> (0, 0, 0)>
module attributes {stable_mosaic.version = 14 : i64} {
  func.func @_seg_body(%arg0: i32, %arg1: i32, %arg2: memref<10000x64xbf16, #tpu.memory_space<hbm>>, %arg3: memref<32x80x128xi32, #tpu.memory_space<hbm>>, %arg4: memref<32x80x128xi32, #tpu.memory_space<hbm>>, %arg5: memref<2x10240x64xf32, #tpu.memory_space<hbm>>, %arg6: memref<80x128xi32, #tpu.memory_space<vmem>>, %arg7: memref<80x128xi32, #tpu.memory_space<vmem>>, %arg8: memref<128x64xbf16, #tpu.memory_space<vmem>>, %arg9: memref<128x64xbf16, #tpu.memory_space<vmem>>, %arg10: memref<128x64xbf16, #tpu.memory_space<vmem>>, %arg11: memref<128x64xbf16, #tpu.memory_space<vmem>>, %arg12: memref<128x64xf32, #tpu.memory_space<vmem>>, %arg13: memref<128x64xf32, #tpu.memory_space<vmem>>, %arg14: memref<128x64xf32, #tpu.memory_space<vmem>>, %arg15: memref<128x64xf32, #tpu.memory_space<vmem>>, %arg16: memref<128x64xf32, #tpu.memory_space<vmem>>, %arg17: memref<10240x64xf32, #tpu.memory_space<vmem_shared>>, %arg18: memref<!tpu.dma_semaphore, #tpu.memory_space<semaphore_mem>>, %arg19: memref<!tpu.dma_semaphore, #tpu.memory_space<semaphore_mem>>, %arg20: memref<!tpu.dma_semaphore, #tpu.memory_space<semaphore_mem>>, %arg21: memref<!tpu.dma_semaphore, #tpu.memory_space<semaphore_mem>>, %arg22: memref<!tpu.dma_semaphore, #tpu.memory_space<semaphore_mem>>, %arg23: memref<!tpu.dma_semaphore, #tpu.memory_space<semaphore_mem>>, %arg24: memref<!tpu.dma_semaphore, #tpu.memory_space<semaphore_mem>>, %arg25: memref<!tpu.dma_semaphore, #tpu.memory_space<semaphore_mem>>, %arg26: memref<!tpu.dma_semaphore, #tpu.memory_space<semaphore_mem>>) attributes {dimension_semantics = [#tpu.dimension_semantics<core_parallel>, #tpu.dimension_semantics<subcore_parallel>], iteration_bounds = array<i64: 2, 16>, scalar_prefetch = 0 : i64, scratch_operands = 21 : i64, tpu.core_type = #tpu.core_type<sc_vector_subcore>, window_params = [{transform_indices = #map}, {transform_indices = #map1}, {transform_indices = #map1}, {transform_indices = #map1}]} {
    %mul3A = arith.constant 2 : i32
    %mul3A_0 = arith.muli %arg1, %mul3A : i32
    %add3A = arith.addi %mul3A_0, %arg0 : i32
    %dma_start3A = arith.constant 0 : i32
    %dma_start3A_1 = arith.constant 0 : i32
    %dma_start3A_2 = tpu.memref_slice %arg3[%add3A, %dma_start3A, %dma_start3A_1] : memref<32x80x128xi32, #tpu.memory_space<hbm>> -> memref<1x80x128xi32, #tpu.memory_space<hbm>>
    %dma_start3A_3 = tpu.memref_squeeze %dma_start3A_2 : memref<1x80x128xi32, #tpu.memory_space<hbm>> -> memref<80x128xi32, #tpu.memory_space<hbm>>
    %dma_start3A_4 = arith.constant 0 : i32
    %dma_start3A_5 = arith.constant 0 : i32
    %dma_start3A_6 = tpu.memref_slice %arg3[%add3A, %dma_start3A_4, %dma_start3A_5] : memref<32x80x128xi32, #tpu.memory_space<hbm>> -> memref<1x80x128xi32, #tpu.memory_space<hbm>>
    %dma_start3A_7 = tpu.memref_squeeze %dma_start3A_6 : memref<1x80x128xi32, #tpu.memory_space<hbm>> -> memref<80x128xi32, #tpu.memory_space<hbm>>
    tpu.enqueue_dma source(%dma_start3A_7 : memref<80x128xi32, #tpu.memory_space<hbm>>) target(%arg6 : memref<80x128xi32, #tpu.memory_space<vmem>>) target_semaphore(%arg18 : memref<!tpu.dma_semaphore, #tpu.memory_space<semaphore_mem>>)
    %dma_start3A_8 = arith.constant 0 : i32
    %dma_start3A_9 = arith.constant 0 : i32
    %dma_start3A_10 = tpu.memref_slice %arg4[%add3A, %dma_start3A_8, %dma_start3A_9] : memref<32x80x128xi32, #tpu.memory_space<hbm>> -> memref<1x80x128xi32, #tpu.memory_space<hbm>>
    %dma_start3A_11 = tpu.memref_squeeze %dma_start3A_10 : memref<1x80x128xi32, #tpu.memory_space<hbm>> -> memref<80x128xi32, #tpu.memory_space<hbm>>
    %dma_start3A_12 = arith.constant 0 : i32
    %dma_start3A_13 = arith.constant 0 : i32
    %dma_start3A_14 = tpu.memref_slice %arg4[%add3A, %dma_start3A_12, %dma_start3A_13] : memref<32x80x128xi32, #tpu.memory_space<hbm>> -> memref<1x80x128xi32, #tpu.memory_space<hbm>>
    %dma_start3A_15 = tpu.memref_squeeze %dma_start3A_14 : memref<1x80x128xi32, #tpu.memory_space<hbm>> -> memref<80x128xi32, #tpu.memory_space<hbm>>
    tpu.enqueue_dma source(%dma_start3A_15 : memref<80x128xi32, #tpu.memory_space<hbm>>) target(%arg7 : memref<80x128xi32, #tpu.memory_space<vmem>>) target_semaphore(%arg18 : memref<!tpu.dma_semaphore, #tpu.memory_space<semaphore_mem>>)
    %broadcast_in_dim3A = arith.constant 0.000000e+00 : f32
    %broadcast_in_dim3A_16 = vector.broadcast %broadcast_in_dim3A : f32 to vector<16xf32>
    %scan3A = arith.constant 0 : i32
    %scan3A_17 = arith.constant 128 : i32
    %scan3A_18 = arith.addi %scan3A, %scan3A_17 : i32
    %scan3A_19 = arith.constant 1 : i32
    scf.for %scan3A_149 = %scan3A to %scan3A_18 step %scan3A_19  : i32 {
      %mul3A_150 = arith.constant 1 : i32
      %mul3A_151 = arith.muli %scan3A_149, %mul3A_150 : i32
      %add3A_152 = arith.constant 0 : i32
      %add3A_153 = arith.addi %add3A_152, %mul3A_151 : i32
      %swap3A = arith.index_cast %add3A_153 : i32 to index
      %swap3A_154 = arith.constant 0 : index
      %swap3A_155 = tpu.vector_load %arg16[%swap3A, %swap3A_154] {strides = array<i32>} : memref<128x64xf32, #tpu.memory_space<vmem>>, vector<16xf32>,
      tpu.vector_store %arg16[%swap3A, %swap3A_154], %broadcast_in_dim3A_16 {strides = array<i32>} : memref<128x64xf32, #tpu.memory_space<vmem>>, vector<16xf32>,
      %swap3A_156 = arith.index_cast %add3A_153 : i32 to index
      %swap3A_157 = arith.constant 16 : index
      %swap3A_158 = tpu.vector_load %arg16[%swap3A_156, %swap3A_157] {strides = array<i32>} : memref<128x64xf32, #tpu.memory_space<vmem>>, vector<16xf32>,
      tpu.vector_store %arg16[%swap3A_156, %swap3A_157], %broadcast_in_dim3A_16 {strides = array<i32>} : memref<128x64xf32, #tpu.memory_space<vmem>>, vector<16xf32>,
      %swap3A_159 = arith.index_cast %add3A_153 : i32 to index
      %swap3A_160 = arith.constant 32 : index
      %swap3A_161 = tpu.vector_load %arg16[%swap3A_159, %swap3A_160] {strides = array<i32>} : memref<128x64xf32, #tpu.memory_space<vmem>>, vector<16xf32>,
      tpu.vector_store %arg16[%swap3A_159, %swap3A_160], %broadcast_in_dim3A_16 {strides = array<i32>} : memref<128x64xf32, #tpu.memory_space<vmem>>, vector<16xf32>,
      %swap3A_162 = arith.index_cast %add3A_153 : i32 to index
      %swap3A_163 = arith.constant 48 : index
      %swap3A_164 = tpu.vector_load %arg16[%swap3A_162, %swap3A_163] {strides = array<i32>} : memref<128x64xf32, #tpu.memory_space<vmem>>, vector<16xf32>,
      tpu.vector_store %arg16[%swap3A_162, %swap3A_163], %broadcast_in_dim3A_16 {strides = array<i32>} : memref<128x64xf32, #tpu.memory_space<vmem>>, vector<16xf32>,
    }
    %scan3A_20 = arith.constant 128 : i32
    %mul3A_21 = arith.constant 640 : i32
    %mul3A_22 = arith.muli %arg1, %mul3A_21 : i32
    %add3A_23 = arith.constant 0 : i32
    %add3A_24 = arith.addi %mul3A_22, %add3A_23 : i32
    "tpu.region"() ({
      %run_scoped3A = tpu.sem_alloc : memref<!tpu.dma_semaphore, #tpu.memory_space<semaphore_mem>>
      %dma_start3A_149 = arith.constant 0 : i32
      %dma_start3A_150 = tpu.memref_slice %arg17[%add3A_24, %dma_start3A_149] : memref<10240x64xf32, #tpu.memory_space<vmem_shared>> -> memref<128x64xf32, #tpu.memory_space<vmem_shared>>
      %dma_start3A_151 = arith.constant 0 : i32
      %dma_start3A_152 = tpu.memref_slice %arg17[%add3A_24, %dma_start3A_151] : memref<10240x64xf32, #tpu.memory_space<vmem_shared>> -> memref<128x64xf32, #tpu.memory_space<vmem_shared>>
      tpu.enqueue_dma source(%arg16 : memref<128x64xf32, #tpu.memory_space<vmem>>) target(%dma_start3A_152 : memref<128x64xf32, #tpu.memory_space<vmem_shared>>) target_semaphore(%run_scoped3A : memref<!tpu.dma_semaphore, #tpu.memory_space<semaphore_mem>>)
      %dma_wait3A_153 = arith.constant 0 : i32
      %dma_wait3A_154 = tpu.memref_slice %arg17[%add3A_24, %dma_wait3A_153] : memref<10240x64xf32, #tpu.memory_space<vmem_shared>> -> memref<128x64xf32, #tpu.memory_space<vmem_shared>>
      %dma_wait3A_155 = arith.constant 0 : i32
      %dma_wait3A_156 = tpu.memref_slice %arg17[%add3A_24, %dma_wait3A_155] : memref<10240x64xf32, #tpu.memory_space<vmem_shared>> -> memref<128x64xf32, #tpu.memory_space<vmem_shared>>
      tpu.wait_dma2 semaphore(%run_scoped3A : memref<!tpu.dma_semaphore, #tpu.memory_space<semaphore_mem>>) src(%arg16 : memref<128x64xf32, #tpu.memory_space<vmem>>) dst(%dma_wait3A_156 : memref<128x64xf32, #tpu.memory_space<vmem_shared>>)
      tpu.yield
    }) : () -> ()
    %mul3A_25 = arith.constant 640 : i32
    %mul3A_26 = arith.muli %arg1, %mul3A_25 : i32
    %add3A_27 = arith.constant 128 : i32
    %add3A_28 = arith.addi %mul3A_26, %add3A_27 : i32
    "tpu.region"() ({
      %run_scoped3A = tpu.sem_alloc : memref<!tpu.dma_semaphore, #tpu.memory_space<semaphore_mem>>
      %dma_start3A_149 = arith.constant 0 : i32
      %dma_start3A_150 = tpu.memref_slice %arg17[%add3A_28, %dma_start3A_149] : memref<10240x64xf32, #tpu.memory_space<vmem_shared>> -> memref<128x64xf32, #tpu.memory_space<vmem_shared>>
      %dma_start3A_151 = arith.constant 0 : i32
      %dma_start3A_152 = tpu.memref_slice %arg17[%add3A_28, %dma_start3A_151] : memref<10240x64xf32, #tpu.memory_space<vmem_shared>> -> memref<128x64xf32, #tpu.memory_space<vmem_shared>>
      tpu.enqueue_dma source(%arg16 : memref<128x64xf32, #tpu.memory_space<vmem>>) target(%dma_start3A_152 : memref<128x64xf32, #tpu.memory_space<vmem_shared>>) target_semaphore(%run_scoped3A : memref<!tpu.dma_semaphore, #tpu.memory_space<semaphore_mem>>)
      %dma_wait3A_153 = arith.constant 0 : i32
      %dma_wait3A_154 = tpu.memref_slice %arg17[%add3A_28, %dma_wait3A_153] : memref<10240x64xf32, #tpu.memory_space<vmem_shared>> -> memref<128x64xf32, #tpu.memory_space<vmem_shared>>
      %dma_wait3A_155 = arith.constant 0 : i32
      %dma_wait3A_156 = tpu.memref_slice %arg17[%add3A_28, %dma_wait3A_155] : memref<10240x64xf32, #tpu.memory_space<vmem_shared>> -> memref<128x64xf32, #tpu.memory_space<vmem_shared>>
      tpu.wait_dma2 semaphore(%run_scoped3A : memref<!tpu.dma_semaphore, #tpu.memory_space<semaphore_mem>>) src(%arg16 : memref<128x64xf32, #tpu.memory_space<vmem>>) dst(%dma_wait3A_156 : memref<128x64xf32, #tpu.memory_space<vmem_shared>>)
      tpu.yield
    }) : () -> ()
    %mul3A_29 = arith.constant 640 : i32
    %mul3A_30 = arith.muli %arg1, %mul3A_29 : i32
    %add3A_31 = arith.constant 256 : i32
    %add3A_32 = arith.addi %mul3A_30, %add3A_31 : i32
    "tpu.region"() ({
      %run_scoped3A = tpu.sem_alloc : memref<!tpu.dma_semaphore, #tpu.memory_space<semaphore_mem>>
      %dma_start3A_149 = arith.constant 0 : i32
      %dma_start3A_150 = tpu.memref_slice %arg17[%add3A_32, %dma_start3A_149] : memref<10240x64xf32, #tpu.memory_space<vmem_shared>> -> memref<128x64xf32, #tpu.memory_space<vmem_shared>>
      %dma_start3A_151 = arith.constant 0 : i32
      %dma_start3A_152 = tpu.memref_slice %arg17[%add3A_32, %dma_start3A_151] : memref<10240x64xf32, #tpu.memory_space<vmem_shared>> -> memref<128x64xf32, #tpu.memory_space<vmem_shared>>
      tpu.enqueue_dma source(%arg16 : memref<128x64xf32, #tpu.memory_space<vmem>>) target(%dma_start3A_152 : memref<128x64xf32, #tpu.memory_space<vmem_shared>>) target_semaphore(%run_scoped3A : memref<!tpu.dma_semaphore, #tpu.memory_space<semaphore_mem>>)
      %dma_wait3A_153 = arith.constant 0 : i32
      %dma_wait3A_154 = tpu.memref_slice %arg17[%add3A_32, %dma_wait3A_153] : memref<10240x64xf32, #tpu.memory_space<vmem_shared>> -> memref<128x64xf32, #tpu.memory_space<vmem_shared>>
      %dma_wait3A_155 = arith.constant 0 : i32
      %dma_wait3A_156 = tpu.memref_slice %arg17[%add3A_32, %dma_wait3A_155] : memref<10240x64xf32, #tpu.memory_space<vmem_shared>> -> memref<128x64xf32, #tpu.memory_space<vmem_shared>>
      tpu.wait_dma2 semaphore(%run_scoped3A : memref<!tpu.dma_semaphore, #tpu.memory_space<semaphore_mem>>) src(%arg16 : memref<128x64xf32, #tpu.memory_space<vmem>>) dst(%dma_wait3A_156 : memref<128x64xf32, #tpu.memory_space<vmem_shared>>)
      tpu.yield
    }) : () -> ()
    %mul3A_33 = arith.constant 640 : i32
    %mul3A_34 = arith.muli %arg1, %mul3A_33 : i32
    %add3A_35 = arith.constant 384 : i32
    %add3A_36 = arith.addi %mul3A_34, %add3A_35 : i32
    "tpu.region"() ({
      %run_scoped3A = tpu.sem_alloc : memref<!tpu.dma_semaphore, #tpu.memory_space<semaphore_mem>>
      %dma_start3A_149 = arith.constant 0 : i32
      %dma_start3A_150 = tpu.memref_slice %arg17[%add3A_36, %dma_start3A_149] : memref<10240x64xf32, #tpu.memory_space<vmem_shared>> -> memref<128x64xf32, #tpu.memory_space<vmem_shared>>
      %dma_start3A_151 = arith.constant 0 : i32
      %dma_start3A_152 = tpu.memref_slice %arg17[%add3A_36, %dma_start3A_151] : memref<10240x64xf32, #tpu.memory_space<vmem_shared>> -> memref<128x64xf32, #tpu.memory_space<vmem_shared>>
      tpu.enqueue_dma source(%arg16 : memref<128x64xf32, #tpu.memory_space<vmem>>) target(%dma_start3A_152 : memref<128x64xf32, #tpu.memory_space<vmem_shared>>) target_semaphore(%run_scoped3A : memref<!tpu.dma_semaphore, #tpu.memory_space<semaphore_mem>>)
      %dma_wait3A_153 = arith.constant 0 : i32
      %dma_wait3A_154 = tpu.memref_slice %arg17[%add3A_36, %dma_wait3A_153] : memref<10240x64xf32, #tpu.memory_space<vmem_shared>> -> memref<128x64xf32, #tpu.memory_space<vmem_shared>>
      %dma_wait3A_155 = arith.constant 0 : i32
      %dma_wait3A_156 = tpu.memref_slice %arg17[%add3A_36, %dma_wait3A_155] : memref<10240x64xf32, #tpu.memory_space<vmem_shared>> -> memref<128x64xf32, #tpu.memory_space<vmem_shared>>
      tpu.wait_dma2 semaphore(%run_scoped3A : memref<!tpu.dma_semaphore, #tpu.memory_space<semaphore_mem>>) src(%arg16 : memref<128x64xf32, #tpu.memory_space<vmem>>) dst(%dma_wait3A_156 : memref<128x64xf32, #tpu.memory_space<vmem_shared>>)
      tpu.yield
    }) : () -> ()
    %mul3A_37 = arith.constant 640 : i32
    %mul3A_38 = arith.muli %arg1, %mul3A_37 : i32
    %add3A_39 = arith.constant 512 : i32
    %add3A_40 = arith.addi %mul3A_38, %add3A_39 : i32
    "tpu.region"() ({
      %run_scoped3A = tpu.sem_alloc : memref<!tpu.dma_semaphore, #tpu.memory_space<semaphore_mem>>
      %dma_start3A_149 = arith.constant 0 : i32
      %dma_start3A_150 = tpu.memref_slice %arg17[%add3A_40, %dma_start3A_149] : memref<10240x64xf32, #tpu.memory_space<vmem_shared>> -> memref<128x64xf32, #tpu.memory_space<vmem_shared>>
      %dma_start3A_151 = arith.constant 0 : i32
      %dma_start3A_152 = tpu.memref_slice %arg17[%add3A_40, %dma_start3A_151] : memref<10240x64xf32, #tpu.memory_space<vmem_shared>> -> memref<128x64xf32, #tpu.memory_space<vmem_shared>>
      tpu.enqueue_dma source(%arg16 : memref<128x64xf32, #tpu.memory_space<vmem>>) target(%dma_start3A_152 : memref<128x64xf32, #tpu.memory_space<vmem_shared>>) target_semaphore(%run_scoped3A : memref<!tpu.dma_semaphore, #tpu.memory_space<semaphore_mem>>)
      %dma_wait3A_153 = arith.constant 0 : i32
      %dma_wait3A_154 = tpu.memref_slice %arg17[%add3A_40, %dma_wait3A_153] : memref<10240x64xf32, #tpu.memory_space<vmem_shared>> -> memref<128x64xf32, #tpu.memory_space<vmem_shared>>
      %dma_wait3A_155 = arith.constant 0 : i32
      %dma_wait3A_156 = tpu.memref_slice %arg17[%add3A_40, %dma_wait3A_155] : memref<10240x64xf32, #tpu.memory_space<vmem_shared>> -> memref<128x64xf32, #tpu.memory_space<vmem_shared>>
      tpu.wait_dma2 semaphore(%run_scoped3A : memref<!tpu.dma_semaphore, #tpu.memory_space<semaphore_mem>>) src(%arg16 : memref<128x64xf32, #tpu.memory_space<vmem>>) dst(%dma_wait3A_156 : memref<128x64xf32, #tpu.memory_space<vmem_shared>>)
      tpu.yield
    }) : () -> ()
    %barrier3A = arith.constant 0 : index
    tpu.barrier barrier_id(%barrier3A)
    %dma_wait3A = arith.constant 0 : i32
    %dma_wait3A_41 = arith.constant 0 : i32
    %dma_wait3A_42 = arith.constant 0 : i32
    %dma_wait3A_43 = tpu.memref_slice %arg3[%dma_wait3A, %dma_wait3A_41, %dma_wait3A_42] : memref<32x80x128xi32, #tpu.memory_space<hbm>> -> memref<1x80x128xi32, #tpu.memory_space<hbm>>
    %dma_wait3A_44 = tpu.memref_squeeze %dma_wait3A_43 : memref<1x80x128xi32, #tpu.memory_space<hbm>> -> memref<80x128xi32, #tpu.memory_space<hbm>>
    %dma_wait3A_45 = arith.constant 0 : i32
    %dma_wait3A_46 = arith.constant 0 : i32
    %dma_wait3A_47 = tpu.memref_slice %arg3[%dma_wait3A, %dma_wait3A_45, %dma_wait3A_46] : memref<32x80x128xi32, #tpu.memory_space<hbm>> -> memref<1x80x128xi32, #tpu.memory_space<hbm>>
    %dma_wait3A_48 = tpu.memref_squeeze %dma_wait3A_47 : memref<1x80x128xi32, #tpu.memory_space<hbm>> -> memref<80x128xi32, #tpu.memory_space<hbm>>
    tpu.wait_dma2 semaphore(%arg18 : memref<!tpu.dma_semaphore, #tpu.memory_space<semaphore_mem>>) src(%dma_wait3A_48 : memref<80x128xi32, #tpu.memory_space<hbm>>) dst(%arg6 : memref<80x128xi32, #tpu.memory_space<vmem>>)
    %dma_wait3A_49 = arith.constant 0 : i32
    %dma_wait3A_50 = arith.constant 0 : i32
    %dma_wait3A_51 = arith.constant 0 : i32
    %dma_wait3A_52 = tpu.memref_slice %arg4[%dma_wait3A_49, %dma_wait3A_50, %dma_wait3A_51] : memref<32x80x128xi32, #tpu.memory_space<hbm>> -> memref<1x80x128xi32, #tpu.memory_space<hbm>>
    %dma_wait3A_53 = tpu.memref_squeeze %dma_wait3A_52 : memref<1x80x128xi32, #tpu.memory_space<hbm>> -> memref<80x128xi32, #tpu.memory_space<hbm>>
    %dma_wait3A_54 = arith.constant 0 : i32
    %dma_wait3A_55 = arith.constant 0 : i32
    %dma_wait3A_56 = tpu.memref_slice %arg4[%dma_wait3A_49, %dma_wait3A_54, %dma_wait3A_55] : memref<32x80x128xi32, #tpu.memory_space<hbm>> -> memref<1x80x128xi32, #tpu.memory_space<hbm>>
    %dma_wait3A_57 = tpu.memref_squeeze %dma_wait3A_56 : memref<1x80x128xi32, #tpu.memory_space<hbm>> -> memref<80x128xi32, #tpu.memory_space<hbm>>
    tpu.wait_dma2 semaphore(%arg18 : memref<!tpu.dma_semaphore, #tpu.memory_space<semaphore_mem>>) src(%dma_wait3A_57 : memref<80x128xi32, #tpu.memory_space<hbm>>) dst(%arg7 : memref<80x128xi32, #tpu.memory_space<vmem>>)
    %broadcast_in_dim3A_58 = arith.constant 1.000000e+00 : f32
    %broadcast_in_dim3A_59 = vector.broadcast %broadcast_in_dim3A_58 : f32 to vector<16xf32>
    %dma_start3A_60 = arith.constant 0 : i32
    %dma_start3A_61 = arith.constant 0 : i32
    %dma_start3A_62 = tpu.memref_slice %arg6[%dma_start3A_60, %dma_start3A_61] : memref<80x128xi32, #tpu.memory_space<vmem>> -> memref<1x128xi32, #tpu.memory_space<vmem>>
    %dma_start3A_63 = tpu.memref_squeeze %dma_start3A_62 : memref<1x128xi32, #tpu.memory_space<vmem>> -> memref<128xi32, #tpu.memory_space<vmem>>
    %dma_start3A_64 = arith.constant 0 : i32
    %dma_start3A_65 = arith.constant 0 : i32
    %dma_start3A_66 = tpu.memref_slice %arg2[%dma_start3A_64, %dma_start3A_65] : memref<10000x64xbf16, #tpu.memory_space<hbm>> -> memref<10000x64xbf16, #tpu.memory_space<hbm>>
    tpu.enqueue_indirect_dma source(%dma_start3A_66 : memref<10000x64xbf16, #tpu.memory_space<hbm>>) target(%arg8 : memref<128x64xbf16, #tpu.memory_space<vmem>>) offsets(%dma_start3A_63 : memref<128xi32, #tpu.memory_space<vmem>>) semaphore(%arg19 : memref<!tpu.dma_semaphore, #tpu.memory_space<semaphore_mem>>)
    %dma_start3A_67 = arith.constant 1 : i32
    %dma_start3A_68 = arith.constant 0 : i32
    %dma_start3A_69 = tpu.memref_slice %arg6[%dma_start3A_67, %dma_start3A_68] : memref<80x128xi32, #tpu.memory_space<vmem>> -> memref<1x128xi32, #tpu.memory_space<vmem>>
    %dma_start3A_70 = tpu.memref_squeeze %dma_start3A_69 : memref<1x128xi32, #tpu.memory_space<vmem>> -> memref<128xi32, #tpu.memory_space<vmem>>
    %dma_start3A_71 = arith.constant 0 : i32
    %dma_start3A_72 = arith.constant 0 : i32
    %dma_start3A_73 = tpu.memref_slice %arg2[%dma_start3A_71, %dma_start3A_72] : memref<10000x64xbf16, #tpu.memory_space<hbm>> -> memref<10000x64xbf16, #tpu.memory_space<hbm>>
    tpu.enqueue_indirect_dma source(%dma_start3A_73 : memref<10000x64xbf16, #tpu.memory_space<hbm>>) target(%arg9 : memref<128x64xbf16, #tpu.memory_space<vmem>>) offsets(%dma_start3A_70 : memref<128xi32, #tpu.memory_space<vmem>>) semaphore(%arg20 : memref<!tpu.dma_semaphore, #tpu.memory_space<semaphore_mem>>)
    %dma_start3A_74 = arith.constant 2 : i32
    %dma_start3A_75 = arith.constant 0 : i32
    %dma_start3A_76 = tpu.memref_slice %arg6[%dma_start3A_74, %dma_start3A_75] : memref<80x128xi32, #tpu.memory_space<vmem>> -> memref<1x128xi32, #tpu.memory_space<vmem>>
    %dma_start3A_77 = tpu.memref_squeeze %dma_start3A_76 : memref<1x128xi32, #tpu.memory_space<vmem>> -> memref<128xi32, #tpu.memory_space<vmem>>
    %dma_start3A_78 = arith.constant 0 : i32
    %dma_start3A_79 = arith.constant 0 : i32
    %dma_start3A_80 = tpu.memref_slice %arg2[%dma_start3A_78, %dma_start3A_79] : memref<10000x64xbf16, #tpu.memory_space<hbm>> -> memref<10000x64xbf16, #tpu.memory_space<hbm>>
    tpu.enqueue_indirect_dma source(%dma_start3A_80 : memref<10000x64xbf16, #tpu.memory_space<hbm>>) target(%arg10 : memref<128x64xbf16, #tpu.memory_space<vmem>>) offsets(%dma_start3A_77 : memref<128xi32, #tpu.memory_space<vmem>>) semaphore(%arg21 : memref<!tpu.dma_semaphore, #tpu.memory_space<semaphore_mem>>)
    %scan3A_81 = arith.constant 0 : i32
    %scan3A_82 = arith.constant 20 : i32
    %scan3A_83 = arith.addi %scan3A_81, %scan3A_82 : i32
    %scan3A_84 = arith.constant 1 : i32
    scf.for %scan3A_149 = %scan3A_81 to %scan3A_83 step %scan3A_84  : i32 {
      %mul3A_150 = arith.constant 4 : i32
      %mul3A_151 = arith.muli %scan3A_149, %mul3A_150 : i32
      %add3A_152 = arith.constant 0 : i32
      %add3A_153 = arith.addi %add3A_152, %mul3A_151 : i32
      %add3A_154 = arith.constant 0 : i32
      %add3A_155 = arith.addi %add3A_153, %add3A_154 : i32
      %dma_wait3A_156 = arith.constant 0 : i32
      %dma_wait3A_157 = arith.constant 0 : i32
      %dma_wait3A_158 = tpu.memref_slice %arg2[%dma_wait3A_156, %dma_wait3A_157] : memref<10000x64xbf16, #tpu.memory_space<hbm>> -> memref<128x64xbf16, #tpu.memory_space<hbm>>
      %dma_wait3A_159 = arith.constant 0 : i32
      %dma_wait3A_160 = arith.constant 0 : i32
      %dma_wait3A_161 = tpu.memref_slice %arg2[%dma_wait3A_159, %dma_wait3A_160] : memref<10000x64xbf16, #tpu.memory_space<hbm>> -> memref<128x64xbf16, #tpu.memory_space<hbm>>
      tpu.wait_dma2 semaphore(%arg19 : memref<!tpu.dma_semaphore, #tpu.memory_space<semaphore_mem>>) src(%dma_wait3A_161 : memref<128x64xbf16, #tpu.memory_space<hbm>>) dst(%arg8 : memref<128x64xbf16, #tpu.memory_space<vmem>>)
      %ge3A = arith.constant 4 : i32
      %ge3A_162 = arith.cmpi sge, %add3A_155, %ge3A : i32
      %convert_element_type3A = arith.extui %ge3A_162 : i1 to i32
      %cond3A = arith.constant 0 : i32
      %cond3A_163 = arith.cmpi ne, %convert_element_type3A, %cond3A : i32
      scf.if %cond3A_163 {
        %dma_wait3A_272 = arith.constant 0 : i32
        %dma_wait3A_273 = arith.constant 0 : i32
        %dma_wait3A_274 = arith.constant 0 : i32
        %dma_wait3A_275 = tpu.memref_slice %arg5[%dma_wait3A_272, %dma_wait3A_273, %dma_wait3A_274] : memref<2x10240x64xf32, #tpu.memory_space<hbm>> -> memref<1x10240x64xf32, #tpu.memory_space<hbm>>
        %dma_wait3A_276 = tpu.memref_squeeze %dma_wait3A_275 : memref<1x10240x64xf32, #tpu.memory_space<hbm>> -> memref<10240x64xf32, #tpu.memory_space<hbm>>
        %dma_wait3A_277 = arith.constant 0 : i32
        %dma_wait3A_278 = arith.constant 0 : i32
        %dma_wait3A_279 = tpu.memref_slice %dma_wait3A_276[%dma_wait3A_277, %dma_wait3A_278] : memref<10240x64xf32, #tpu.memory_space<hbm>> -> memref<128x64xf32, #tpu.memory_space<hbm>>
        %dma_wait3A_280 = arith.constant 0 : i32
        %dma_wait3A_281 = arith.constant 0 : i32
        %dma_wait3A_282 = tpu.memref_slice %arg5[%dma_wait3A_272, %dma_wait3A_280, %dma_wait3A_281] : memref<2x10240x64xf32, #tpu.memory_space<hbm>> -> memref<1x10240x64xf32, #tpu.memory_space<hbm>>
        %dma_wait3A_283 = tpu.memref_squeeze %dma_wait3A_282 : memref<1x10240x64xf32, #tpu.memory_space<hbm>> -> memref<10240x64xf32, #tpu.memory_space<hbm>>
        %dma_wait3A_284 = arith.constant 0 : i32
        %dma_wait3A_285 = arith.constant 0 : i32
        %dma_wait3A_286 = tpu.memref_slice %dma_wait3A_283[%dma_wait3A_284, %dma_wait3A_285] : memref<10240x64xf32, #tpu.memory_space<hbm>> -> memref<128x64xf32, #tpu.memory_space<hbm>>
        tpu.wait_dma2 semaphore(%arg23 : memref<!tpu.dma_semaphore, #tpu.memory_space<semaphore_mem>>) src(%dma_wait3A_286 : memref<128x64xf32, #tpu.memory_space<hbm>>) dst(%arg12 : memref<128x64xf32, #tpu.memory_space<vmem>>)
      } else {
      }
      %parallel_loop3A = arith.constant 0 : i32
      %parallel_loop3A_164 = arith.constant 128 : i32
      %parallel_loop3A_165 = arith.constant 1 : i32
      scf.for %parallel_loop3A_272 = %parallel_loop3A to %parallel_loop3A_164 step %parallel_loop3A_165  : i32 {
        %parallel_loop3A_273 = arith.index_cast %parallel_loop3A_272 : i32 to index
        %parallel_loop3A_274 = arith.constant 0 : index
        %parallel_loop3A_275 = tpu.vector_load %arg8[%parallel_loop3A_273, %parallel_loop3A_274] {strides = array<i32>} : memref<128x64xbf16, #tpu.memory_space<vmem>>, vector<32xbf16>,
        %parallel_loop3A_276 = tpu.unpack_subelements %parallel_loop3A_275, 0 {pack_format = #tpu.pack_format<interleaved>} : vector<32xbf16> -> vector<16xf32>
        %parallel_loop3A_277 = tpu.unpack_subelements %parallel_loop3A_275, 1 {pack_format = #tpu.pack_format<interleaved>} : vector<32xbf16> -> vector<16xf32>
        %parallel_loop3A_278 = arith.index_cast %parallel_loop3A_272 : i32 to index
        %parallel_loop3A_279 = arith.constant 0 : index
        %parallel_loop3A_280 = tpu.vector_load %arg12[%parallel_loop3A_278, %parallel_loop3A_279] {strides = array<i32>} : memref<128x64xf32, #tpu.memory_space<vmem>>, vector<16xf32>,
        tpu.vector_store %arg12[%parallel_loop3A_278, %parallel_loop3A_279], %parallel_loop3A_276 {strides = array<i32>} : memref<128x64xf32, #tpu.memory_space<vmem>>, vector<16xf32>,
        %parallel_loop3A_281 = arith.index_cast %parallel_loop3A_272 : i32 to index
        %parallel_loop3A_282 = arith.constant 16 : index
        %parallel_loop3A_283 = tpu.vector_load %arg12[%parallel_loop3A_281, %parallel_loop3A_282] {strides = array<i32>} : memref<128x64xf32, #tpu.memory_space<vmem>>, vector<16xf32>,
        tpu.vector_store %arg12[%parallel_loop3A_281, %parallel_loop3A_282], %parallel_loop3A_277 {strides = array<i32>} : memref<128x64xf32, #tpu.memory_space<vmem>>, vector<16xf32>,
        %parallel_loop3A_284 = arith.index_cast %parallel_loop3A_272 : i32 to index
        %parallel_loop3A_285 = arith.constant 32 : index
        %parallel_loop3A_286 = tpu.vector_load %arg8[%parallel_loop3A_284, %parallel_loop3A_285] {strides = array<i32>} : memref<128x64xbf16, #tpu.memory_space<vmem>>, vector<32xbf16>,
        %parallel_loop3A_287 = tpu.unpack_subelements %parallel_loop3A_286, 0 {pack_format = #tpu.pack_format<interleaved>} : vector<32xbf16> -> vector<16xf32>
        %parallel_loop3A_288 = tpu.unpack_subelements %parallel_loop3A_286, 1 {pack_format = #tpu.pack_format<interleaved>} : vector<32xbf16> -> vector<16xf32>
        %parallel_loop3A_289 = arith.index_cast %parallel_loop3A_272 : i32 to index
        %parallel_loop3A_290 = arith.constant 32 : index
        %parallel_loop3A_291 = tpu.vector_load %arg12[%parallel_loop3A_289, %parallel_loop3A_290] {strides = array<i32>} : memref<128x64xf32, #tpu.memory_space<vmem>>, vector<16xf32>,
        tpu.vector_store %arg12[%parallel_loop3A_289, %parallel_loop3A_290], %parallel_loop3A_287 {strides = array<i32>} : memref<128x64xf32, #tpu.memory_space<vmem>>, vector<16xf32>,
        %parallel_loop3A_292 = arith.index_cast %parallel_loop3A_272 : i32 to index
        %parallel_loop3A_293 = arith.constant 48 : index
        %parallel_loop3A_294 = tpu.vector_load %arg12[%parallel_loop3A_292, %parallel_loop3A_293] {strides = array<i32>} : memref<128x64xf32, #tpu.memory_space<vmem>>, vector<16xf32>,
        tpu.vector_store %arg12[%parallel_loop3A_292, %parallel_loop3A_293], %parallel_loop3A_288 {strides = array<i32>} : memref<128x64xf32, #tpu.memory_space<vmem>>, vector<16xf32>,
      } {sc.loop_unroll_factor = 4 : i64, sc.parallel_access}
      %dma_start3A_166 = arith.constant 0 : i32
      %dma_start3A_167 = tpu.memref_slice %arg7[%add3A_155, %dma_start3A_166] : memref<80x128xi32, #tpu.memory_space<vmem>> -> memref<1x128xi32, #tpu.memory_space<vmem>>
      %dma_start3A_168 = tpu.memref_squeeze %dma_start3A_167 : memref<1x128xi32, #tpu.memory_space<vmem>> -> memref<128xi32, #tpu.memory_space<vmem>>
      %dma_start3A_169 = arith.constant 0 : i32
      %dma_start3A_170 = arith.constant 0 : i32
      %dma_start3A_171 = tpu.memref_slice %arg17[%dma_start3A_169, %dma_start3A_170] : memref<10240x64xf32, #tpu.memory_space<vmem_shared>> -> memref<10240x64xf32, #tpu.memory_space<vmem_shared>>
      tpu.enqueue_indirect_dma source(%arg12 : memref<128x64xf32, #tpu.memory_space<vmem>>) target(%dma_start3A_171 : memref<10240x64xf32, #tpu.memory_space<vmem_shared>>) offsets(%dma_start3A_168 : memref<128xi32, #tpu.memory_space<vmem>>) semaphore(%arg23 : memref<!tpu.dma_semaphore, #tpu.memory_space<semaphore_mem>>) {add = true}
      %add3A_172 = arith.constant 4 : i32
      %add3A_173 = arith.addi %add3A_155, %add3A_172 : i32
      %sub3A = arith.constant 1 : i32
      %sub3A_174 = arith.subi %add3A_173, %sub3A : i32
      %lt3A = arith.constant 80 : i32
      %lt3A_175 = arith.cmpi slt, %sub3A_174, %lt3A : i32
      %convert_element_type3A_176 = arith.extui %lt3A_175 : i1 to i32
      %cond3A_177 = arith.constant 0 : i32
      %cond3A_178 = arith.cmpi ne, %convert_element_type3A_176, %cond3A_177 : i32
      scf.if %cond3A_178 {
        %add3A_272 = arith.constant 4 : i32
        %add3A_273 = arith.addi %add3A_155, %add3A_272 : i32
        %sub3A_274 = arith.constant 1 : i32
        %sub3A_275 = arith.subi %add3A_273, %sub3A_274 : i32
        %dma_start3A_276 = arith.constant 0 : i32
        %dma_start3A_277 = tpu.memref_slice %arg6[%sub3A_275, %dma_start3A_276] : memref<80x128xi32, #tpu.memory_space<vmem>> -> memref<1x128xi32, #tpu.memory_space<vmem>>
        %dma_start3A_278 = tpu.memref_squeeze %dma_start3A_277 : memref<1x128xi32, #tpu.memory_space<vmem>> -> memref<128xi32, #tpu.memory_space<vmem>>
        %dma_start3A_279 = arith.constant 0 : i32
        %dma_start3A_280 = arith.constant 0 : i32
        %dma_start3A_281 = tpu.memref_slice %arg2[%dma_start3A_279, %dma_start3A_280] : memref<10000x64xbf16, #tpu.memory_space<hbm>> -> memref<10000x64xbf16, #tpu.memory_space<hbm>>
        tpu.enqueue_indirect_dma source(%dma_start3A_281 : memref<10000x64xbf16, #tpu.memory_space<hbm>>) target(%arg11 : memref<128x64xbf16, #tpu.memory_space<vmem>>) offsets(%dma_start3A_278 : memref<128xi32, #tpu.memory_space<vmem>>) semaphore(%arg22 : memref<!tpu.dma_semaphore, #tpu.memory_space<semaphore_mem>>)
      } else {
      }
      %add3A_179 = arith.constant 1 : i32
      %add3A_180 = arith.addi %add3A_153, %add3A_179 : i32
      %dma_wait3A_181 = arith.constant 0 : i32
      %dma_wait3A_182 = arith.constant 0 : i32
      %dma_wait3A_183 = tpu.memref_slice %arg2[%dma_wait3A_181, %dma_wait3A_182] : memref<10000x64xbf16, #tpu.memory_space<hbm>> -> memref<128x64xbf16, #tpu.memory_space<hbm>>
      %dma_wait3A_184 = arith.constant 0 : i32
      %dma_wait3A_185 = arith.constant 0 : i32
      %dma_wait3A_186 = tpu.memref_slice %arg2[%dma_wait3A_184, %dma_wait3A_185] : memref<10000x64xbf16, #tpu.memory_space<hbm>> -> memref<128x64xbf16, #tpu.memory_space<hbm>>
      tpu.wait_dma2 semaphore(%arg20 : memref<!tpu.dma_semaphore, #tpu.memory_space<semaphore_mem>>) src(%dma_wait3A_186 : memref<128x64xbf16, #tpu.memory_space<hbm>>) dst(%arg9 : memref<128x64xbf16, #tpu.memory_space<vmem>>)
      %ge3A_187 = arith.constant 4 : i32
      %ge3A_188 = arith.cmpi sge, %add3A_180, %ge3A_187 : i32
      %convert_element_type3A_189 = arith.extui %ge3A_188 : i1 to i32
      %cond3A_190 = arith.constant 0 : i32
      %cond3A_191 = arith.cmpi ne, %convert_element_type3A_189, %cond3A_190 : i32
      scf.if %cond3A_191 {
        %dma_wait3A_272 = arith.constant 0 : i32
        %dma_wait3A_273 = arith.constant 0 : i32
        %dma_wait3A_274 = arith.constant 0 : i32
        %dma_wait3A_275 = tpu.memref_slice %arg5[%dma_wait3A_272, %dma_wait3A_273, %dma_wait3A_274] : memref<2x10240x64xf32, #tpu.memory_space<hbm>> -> memref<1x10240x64xf32, #tpu.memory_space<hbm>>
        %dma_wait3A_276 = tpu.memref_squeeze %dma_wait3A_275 : memref<1x10240x64xf32, #tpu.memory_space<hbm>> -> memref<10240x64xf32, #tpu.memory_space<hbm>>
        %dma_wait3A_277 = arith.constant 0 : i32
        %dma_wait3A_278 = arith.constant 0 : i32
        %dma_wait3A_279 = tpu.memref_slice %dma_wait3A_276[%dma_wait3A_277, %dma_wait3A_278] : memref<10240x64xf32, #tpu.memory_space<hbm>> -> memref<128x64xf32, #tpu.memory_space<hbm>>
        %dma_wait3A_280 = arith.constant 0 : i32
        %dma_wait3A_281 = arith.constant 0 : i32
        %dma_wait3A_282 = tpu.memref_slice %arg5[%dma_wait3A_272, %dma_wait3A_280, %dma_wait3A_281] : memref<2x10240x64xf32, #tpu.memory_space<hbm>> -> memref<1x10240x64xf32, #tpu.memory_space<hbm>>
        %dma_wait3A_283 = tpu.memref_squeeze %dma_wait3A_282 : memref<1x10240x64xf32, #tpu.memory_space<hbm>> -> memref<10240x64xf32, #tpu.memory_space<hbm>>
        %dma_wait3A_284 = arith.constant 0 : i32
        %dma_wait3A_285 = arith.constant 0 : i32
        %dma_wait3A_286 = tpu.memref_slice %dma_wait3A_283[%dma_wait3A_284, %dma_wait3A_285] : memref<10240x64xf32, #tpu.memory_space<hbm>> -> memref<128x64xf32, #tpu.memory_space<hbm>>
        tpu.wait_dma2 semaphore(%arg24 : memref<!tpu.dma_semaphore, #tpu.memory_space<semaphore_mem>>) src(%dma_wait3A_286 : memref<128x64xf32, #tpu.memory_space<hbm>>) dst(%arg13 : memref<128x64xf32, #tpu.memory_space<vmem>>)
      } else {
      }
      %parallel_loop3A_192 = arith.constant 0 : i32
      %parallel_loop3A_193 = arith.constant 128 : i32
      %parallel_loop3A_194 = arith.constant 1 : i32
      scf.for %parallel_loop3A_272 = %parallel_loop3A_192 to %parallel_loop3A_193 step %parallel_loop3A_194  : i32 {
        %parallel_loop3A_273 = arith.index_cast %parallel_loop3A_272 : i32 to index
        %parallel_loop3A_274 = arith.constant 0 : index
        %parallel_loop3A_275 = tpu.vector_load %arg9[%parallel_loop3A_273, %parallel_loop3A_274] {strides = array<i32>} : memref<128x64xbf16, #tpu.memory_space<vmem>>, vector<32xbf16>,
        %parallel_loop3A_276 = tpu.unpack_subelements %parallel_loop3A_275, 0 {pack_format = #tpu.pack_format<interleaved>} : vector<32xbf16> -> vector<16xf32>
        %parallel_loop3A_277 = tpu.unpack_subelements %parallel_loop3A_275, 1 {pack_format = #tpu.pack_format<interleaved>} : vector<32xbf16> -> vector<16xf32>
        %parallel_loop3A_278 = arith.index_cast %parallel_loop3A_272 : i32 to index
        %parallel_loop3A_279 = arith.constant 0 : index
        %parallel_loop3A_280 = tpu.vector_load %arg13[%parallel_loop3A_278, %parallel_loop3A_279] {strides = array<i32>} : memref<128x64xf32, #tpu.memory_space<vmem>>, vector<16xf32>,
        tpu.vector_store %arg13[%parallel_loop3A_278, %parallel_loop3A_279], %parallel_loop3A_276 {strides = array<i32>} : memref<128x64xf32, #tpu.memory_space<vmem>>, vector<16xf32>,
        %parallel_loop3A_281 = arith.index_cast %parallel_loop3A_272 : i32 to index
        %parallel_loop3A_282 = arith.constant 16 : index
        %parallel_loop3A_283 = tpu.vector_load %arg13[%parallel_loop3A_281, %parallel_loop3A_282] {strides = array<i32>} : memref<128x64xf32, #tpu.memory_space<vmem>>, vector<16xf32>,
        tpu.vector_store %arg13[%parallel_loop3A_281, %parallel_loop3A_282], %parallel_loop3A_277 {strides = array<i32>} : memref<128x64xf32, #tpu.memory_space<vmem>>, vector<16xf32>,
        %parallel_loop3A_284 = arith.index_cast %parallel_loop3A_272 : i32 to index
        %parallel_loop3A_285 = arith.constant 32 : index
        %parallel_loop3A_286 = tpu.vector_load %arg9[%parallel_loop3A_284, %parallel_loop3A_285] {strides = array<i32>} : memref<128x64xbf16, #tpu.memory_space<vmem>>, vector<32xbf16>,
        %parallel_loop3A_287 = tpu.unpack_subelements %parallel_loop3A_286, 0 {pack_format = #tpu.pack_format<interleaved>} : vector<32xbf16> -> vector<16xf32>
        %parallel_loop3A_288 = tpu.unpack_subelements %parallel_loop3A_286, 1 {pack_format = #tpu.pack_format<interleaved>} : vector<32xbf16> -> vector<16xf32>
        %parallel_loop3A_289 = arith.index_cast %parallel_loop3A_272 : i32 to index
        %parallel_loop3A_290 = arith.constant 32 : index
        %parallel_loop3A_291 = tpu.vector_load %arg13[%parallel_loop3A_289, %parallel_loop3A_290] {strides = array<i32>} : memref<128x64xf32, #tpu.memory_space<vmem>>, vector<16xf32>,
        tpu.vector_store %arg13[%parallel_loop3A_289, %parallel_loop3A_290], %parallel_loop3A_287 {strides = array<i32>} : memref<128x64xf32, #tpu.memory_space<vmem>>, vector<16xf32>,
        %parallel_loop3A_292 = arith.index_cast %parallel_loop3A_272 : i32 to index
        %parallel_loop3A_293 = arith.constant 48 : index
        %parallel_loop3A_294 = tpu.vector_load %arg13[%parallel_loop3A_292, %parallel_loop3A_293] {strides = array<i32>} : memref<128x64xf32, #tpu.memory_space<vmem>>, vector<16xf32>,
        tpu.vector_store %arg13[%parallel_loop3A_292, %parallel_loop3A_293], %parallel_loop3A_288 {strides = array<i32>} : memref<128x64xf32, #tpu.memory_space<vmem>>, vector<16xf32>,
      } {sc.loop_unroll_factor = 4 : i64, sc.parallel_access}
      %dma_start3A_195 = arith.constant 0 : i32
      %dma_start3A_196 = tpu.memref_slice %arg7[%add3A_180, %dma_start3A_195] : memref<80x128xi32, #tpu.memory_space<vmem>> -> memref<1x128xi32, #tpu.memory_space<vmem>>
      %dma_start3A_197 = tpu.memref_squeeze %dma_start3A_196 : memref<1x128xi32, #tpu.memory_space<vmem>> -> memref<128xi32, #tpu.memory_space<vmem>>
      %dma_start3A_198 = arith.constant 0 : i32
      %dma_start3A_199 = arith.constant 0 : i32
      %dma_start3A_200 = tpu.memref_slice %arg17[%dma_start3A_198, %dma_start3A_199] : memref<10240x64xf32, #tpu.memory_space<vmem_shared>> -> memref<10240x64xf32, #tpu.memory_space<vmem_shared>>
      tpu.enqueue_indirect_dma source(%arg13 : memref<128x64xf32, #tpu.memory_space<vmem>>) target(%dma_start3A_200 : memref<10240x64xf32, #tpu.memory_space<vmem_shared>>) offsets(%dma_start3A_197 : memref<128xi32, #tpu.memory_space<vmem>>) semaphore(%arg24 : memref<!tpu.dma_semaphore, #tpu.memory_space<semaphore_mem>>) {add = true}
      %add3A_201 = arith.constant 4 : i32
      %add3A_202 = arith.addi %add3A_180, %add3A_201 : i32
      %sub3A_203 = arith.constant 1 : i32
      %sub3A_204 = arith.subi %add3A_202, %sub3A_203 : i32
      %lt3A_205 = arith.constant 80 : i32
      %lt3A_206 = arith.cmpi slt, %sub3A_204, %lt3A_205 : i32
      %convert_element_type3A_207 = arith.extui %lt3A_206 : i1 to i32
      %cond3A_208 = arith.constant 0 : i32
      %cond3A_209 = arith.cmpi ne, %convert_element_type3A_207, %cond3A_208 : i32
      scf.if %cond3A_209 {
        %add3A_272 = arith.constant 4 : i32
        %add3A_273 = arith.addi %add3A_180, %add3A_272 : i32
        %sub3A_274 = arith.constant 1 : i32
        %sub3A_275 = arith.subi %add3A_273, %sub3A_274 : i32
        %dma_start3A_276 = arith.constant 0 : i32
        %dma_start3A_277 = tpu.memref_slice %arg6[%sub3A_275, %dma_start3A_276] : memref<80x128xi32, #tpu.memory_space<vmem>> -> memref<1x128xi32, #tpu.memory_space<vmem>>
        %dma_start3A_278 = tpu.memref_squeeze %dma_start3A_277 : memref<1x128xi32, #tpu.memory_space<vmem>> -> memref<128xi32, #tpu.memory_space<vmem>>
        %dma_start3A_279 = arith.constant 0 : i32
        %dma_start3A_280 = arith.constant 0 : i32
        %dma_start3A_281 = tpu.memref_slice %arg2[%dma_start3A_279, %dma_start3A_280] : memref<10000x64xbf16, #tpu.memory_space<hbm>> -> memref<10000x64xbf16, #tpu.memory_space<hbm>>
        tpu.enqueue_indirect_dma source(%dma_start3A_281 : memref<10000x64xbf16, #tpu.memory_space<hbm>>) target(%arg8 : memref<128x64xbf16, #tpu.memory_space<vmem>>) offsets(%dma_start3A_278 : memref<128xi32, #tpu.memory_space<vmem>>) semaphore(%arg19 : memref<!tpu.dma_semaphore, #tpu.memory_space<semaphore_mem>>)
      } else {
      }
      %add3A_210 = arith.constant 2 : i32
      %add3A_211 = arith.addi %add3A_153, %add3A_210 : i32
      %dma_wait3A_212 = arith.constant 0 : i32
      %dma_wait3A_213 = arith.constant 0 : i32
      %dma_wait3A_214 = tpu.memref_slice %arg2[%dma_wait3A_212, %dma_wait3A_213] : memref<10000x64xbf16, #tpu.memory_space<hbm>> -> memref<128x64xbf16, #tpu.memory_space<hbm>>
      %dma_wait3A_215 = arith.constant 0 : i32
      %dma_wait3A_216 = arith.constant 0 : i32
      %dma_wait3A_217 = tpu.memref_slice %arg2[%dma_wait3A_215, %dma_wait3A_216] : memref<10000x64xbf16, #tpu.memory_space<hbm>> -> memref<128x64xbf16, #tpu.memory_space<hbm>>
      tpu.wait_dma2 semaphore(%arg21 : memref<!tpu.dma_semaphore, #tpu.memory_space<semaphore_mem>>) src(%dma_wait3A_217 : memref<128x64xbf16, #tpu.memory_space<hbm>>) dst(%arg10 : memref<128x64xbf16, #tpu.memory_space<vmem>>)
      %ge3A_218 = arith.constant 4 : i32
      %ge3A_219 = arith.cmpi sge, %add3A_211, %ge3A_218 : i32
      %convert_element_type3A_220 = arith.extui %ge3A_219 : i1 to i32
      %cond3A_221 = arith.constant 0 : i32
      %cond3A_222 = arith.cmpi ne, %convert_element_type3A_220, %cond3A_221 : i32
      scf.if %cond3A_222 {
        %dma_wait3A_272 = arith.constant 0 : i32
        %dma_wait3A_273 = arith.constant 0 : i32
        %dma_wait3A_274 = arith.constant 0 : i32
        %dma_wait3A_275 = tpu.memref_slice %arg5[%dma_wait3A_272, %dma_wait3A_273, %dma_wait3A_274] : memref<2x10240x64xf32, #tpu.memory_space<hbm>> -> memref<1x10240x64xf32, #tpu.memory_space<hbm>>
        %dma_wait3A_276 = tpu.memref_squeeze %dma_wait3A_275 : memref<1x10240x64xf32, #tpu.memory_space<hbm>> -> memref<10240x64xf32, #tpu.memory_space<hbm>>
        %dma_wait3A_277 = arith.constant 0 : i32
        %dma_wait3A_278 = arith.constant 0 : i32
        %dma_wait3A_279 = tpu.memref_slice %dma_wait3A_276[%dma_wait3A_277, %dma_wait3A_278] : memref<10240x64xf32, #tpu.memory_space<hbm>> -> memref<128x64xf32, #tpu.memory_space<hbm>>
        %dma_wait3A_280 = arith.constant 0 : i32
        %dma_wait3A_281 = arith.constant 0 : i32
        %dma_wait3A_282 = tpu.memref_slice %arg5[%dma_wait3A_272, %dma_wait3A_280, %dma_wait3A_281] : memref<2x10240x64xf32, #tpu.memory_space<hbm>> -> memref<1x10240x64xf32, #tpu.memory_space<hbm>>
        %dma_wait3A_283 = tpu.memref_squeeze %dma_wait3A_282 : memref<1x10240x64xf32, #tpu.memory_space<hbm>> -> memref<10240x64xf32, #tpu.memory_space<hbm>>
        %dma_wait3A_284 = arith.constant 0 : i32
        %dma_wait3A_285 = arith.constant 0 : i32
        %dma_wait3A_286 = tpu.memref_slice %dma_wait3A_283[%dma_wait3A_284, %dma_wait3A_285] : memref<10240x64xf32, #tpu.memory_space<hbm>> -> memref<128x64xf32, #tpu.memory_space<hbm>>
        tpu.wait_dma2 semaphore(%arg25 : memref<!tpu.dma_semaphore, #tpu.memory_space<semaphore_mem>>) src(%dma_wait3A_286 : memref<128x64xf32, #tpu.memory_space<hbm>>) dst(%arg14 : memref<128x64xf32, #tpu.memory_space<vmem>>)
      } else {
      }
      %parallel_loop3A_223 = arith.constant 0 : i32
      %parallel_loop3A_224 = arith.constant 128 : i32
      %parallel_loop3A_225 = arith.constant 1 : i32
      scf.for %parallel_loop3A_272 = %parallel_loop3A_223 to %parallel_loop3A_224 step %parallel_loop3A_225  : i32 {
        %parallel_loop3A_273 = arith.index_cast %parallel_loop3A_272 : i32 to index
        %parallel_loop3A_274 = arith.constant 0 : index
        %parallel_loop3A_275 = tpu.vector_load %arg10[%parallel_loop3A_273, %parallel_loop3A_274] {strides = array<i32>} : memref<128x64xbf16, #tpu.memory_space<vmem>>, vector<32xbf16>,
        %parallel_loop3A_276 = tpu.unpack_subelements %parallel_loop3A_275, 0 {pack_format = #tpu.pack_format<interleaved>} : vector<32xbf16> -> vector<16xf32>
        %parallel_loop3A_277 = tpu.unpack_subelements %parallel_loop3A_275, 1 {pack_format = #tpu.pack_format<interleaved>} : vector<32xbf16> -> vector<16xf32>
        %parallel_loop3A_278 = arith.index_cast %parallel_loop3A_272 : i32 to index
        %parallel_loop3A_279 = arith.constant 0 : index
        %parallel_loop3A_280 = tpu.vector_load %arg14[%parallel_loop3A_278, %parallel_loop3A_279] {strides = array<i32>} : memref<128x64xf32, #tpu.memory_space<vmem>>, vector<16xf32>,
        tpu.vector_store %arg14[%parallel_loop3A_278, %parallel_loop3A_279], %parallel_loop3A_276 {strides = array<i32>} : memref<128x64xf32, #tpu.memory_space<vmem>>, vector<16xf32>,
        %parallel_loop3A_281 = arith.index_cast %parallel_loop3A_272 : i32 to index
        %parallel_loop3A_282 = arith.constant 16 : index
        %parallel_loop3A_283 = tpu.vector_load %arg14[%parallel_loop3A_281, %parallel_loop3A_282] {strides = array<i32>} : memref<128x64xf32, #tpu.memory_space<vmem>>, vector<16xf32>,
        tpu.vector_store %arg14[%parallel_loop3A_281, %parallel_loop3A_282], %parallel_loop3A_277 {strides = array<i32>} : memref<128x64xf32, #tpu.memory_space<vmem>>, vector<16xf32>,
        %parallel_loop3A_284 = arith.index_cast %parallel_loop3A_272 : i32 to index
        %parallel_loop3A_285 = arith.constant 32 : index
        %parallel_loop3A_286 = tpu.vector_load %arg10[%parallel_loop3A_284, %parallel_loop3A_285] {strides = array<i32>} : memref<128x64xbf16, #tpu.memory_space<vmem>>, vector<32xbf16>,
        %parallel_loop3A_287 = tpu.unpack_subelements %parallel_loop3A_286, 0 {pack_format = #tpu.pack_format<interleaved>} : vector<32xbf16> -> vector<16xf32>
        %parallel_loop3A_288 = tpu.unpack_subelements %parallel_loop3A_286, 1 {pack_format = #tpu.pack_format<interleaved>} : vector<32xbf16> -> vector<16xf32>
        %parallel_loop3A_289 = arith.index_cast %parallel_loop3A_272 : i32 to index
        %parallel_loop3A_290 = arith.constant 32 : index
        %parallel_loop3A_291 = tpu.vector_load %arg14[%parallel_loop3A_289, %parallel_loop3A_290] {strides = array<i32>} : memref<128x64xf32, #tpu.memory_space<vmem>>, vector<16xf32>,
        tpu.vector_store %arg14[%parallel_loop3A_289, %parallel_loop3A_290], %parallel_loop3A_287 {strides = array<i32>} : memref<128x64xf32, #tpu.memory_space<vmem>>, vector<16xf32>,
        %parallel_loop3A_292 = arith.index_cast %parallel_loop3A_272 : i32 to index
        %parallel_loop3A_293 = arith.constant 48 : index
        %parallel_loop3A_294 = tpu.vector_load %arg14[%parallel_loop3A_292, %parallel_loop3A_293] {strides = array<i32>} : memref<128x64xf32, #tpu.memory_space<vmem>>, vector<16xf32>,
        tpu.vector_store %arg14[%parallel_loop3A_292, %parallel_loop3A_293], %parallel_loop3A_288 {strides = array<i32>} : memref<128x64xf32, #tpu.memory_space<vmem>>, vector<16xf32>,
      } {sc.loop_unroll_factor = 4 : i64, sc.parallel_access}
      %dma_start3A_226 = arith.constant 0 : i32
      %dma_start3A_227 = tpu.memref_slice %arg7[%add3A_211, %dma_start3A_226] : memref<80x128xi32, #tpu.memory_space<vmem>> -> memref<1x128xi32, #tpu.memory_space<vmem>>
      %dma_start3A_228 = tpu.memref_squeeze %dma_start3A_227 : memref<1x128xi32, #tpu.memory_space<vmem>> -> memref<128xi32, #tpu.memory_space<vmem>>
      %dma_start3A_229 = arith.constant 0 : i32
      %dma_start3A_230 = arith.constant 0 : i32
      %dma_start3A_231 = tpu.memref_slice %arg17[%dma_start3A_229, %dma_start3A_230] : memref<10240x64xf32, #tpu.memory_space<vmem_shared>> -> memref<10240x64xf32, #tpu.memory_space<vmem_shared>>
      tpu.enqueue_indirect_dma source(%arg14 : memref<128x64xf32, #tpu.memory_space<vmem>>) target(%dma_start3A_231 : memref<10240x64xf32, #tpu.memory_space<vmem_shared>>) offsets(%dma_start3A_228 : memref<128xi32, #tpu.memory_space<vmem>>) semaphore(%arg25 : memref<!tpu.dma_semaphore, #tpu.memory_space<semaphore_mem>>) {add = true}
      %add3A_232 = arith.constant 4 : i32
      %add3A_233 = arith.addi %add3A_211, %add3A_232 : i32
      %sub3A_234 = arith.constant 1 : i32
      %sub3A_235 = arith.subi %add3A_233, %sub3A_234 : i32
      %lt3A_236 = arith.constant 80 : i32
      %lt3A_237 = arith.cmpi slt, %sub3A_235, %lt3A_236 : i32
      %convert_element_type3A_238 = arith.extui %lt3A_237 : i1 to i32
      %cond3A_239 = arith.constant 0 : i32
      %cond3A_240 = arith.cmpi ne, %convert_element_type3A_238, %cond3A_239 : i32
      scf.if %cond3A_240 {
        %add3A_272 = arith.constant 4 : i32
        %add3A_273 = arith.addi %add3A_211, %add3A_272 : i32
        %sub3A_274 = arith.constant 1 : i32
        %sub3A_275 = arith.subi %add3A_273, %sub3A_274 : i32
        %dma_start3A_276 = arith.constant 0 : i32
        %dma_start3A_277 = tpu.memref_slice %arg6[%sub3A_275, %dma_start3A_276] : memref<80x128xi32, #tpu.memory_space<vmem>> -> memref<1x128xi32, #tpu.memory_space<vmem>>
        %dma_start3A_278 = tpu.memref_squeeze %dma_start3A_277 : memref<1x128xi32, #tpu.memory_space<vmem>> -> memref<128xi32, #tpu.memory_space<vmem>>
        %dma_start3A_279 = arith.constant 0 : i32
        %dma_start3A_280 = arith.constant 0 : i32
        %dma_start3A_281 = tpu.memref_slice %arg2[%dma_start3A_279, %dma_start3A_280] : memref<10000x64xbf16, #tpu.memory_space<hbm>> -> memref<10000x64xbf16, #tpu.memory_space<hbm>>
        tpu.enqueue_indirect_dma source(%dma_start3A_281 : memref<10000x64xbf16, #tpu.memory_space<hbm>>) target(%arg9 : memref<128x64xbf16, #tpu.memory_space<vmem>>) offsets(%dma_start3A_278 : memref<128xi32, #tpu.memory_space<vmem>>) semaphore(%arg20 : memref<!tpu.dma_semaphore, #tpu.memory_space<semaphore_mem>>)
      } else {
      }
      %add3A_241 = arith.constant 3 : i32
      %add3A_242 = arith.addi %add3A_153, %add3A_241 : i32
      %dma_wait3A_243 = arith.constant 0 : i32
      %dma_wait3A_244 = arith.constant 0 : i32
      %dma_wait3A_245 = tpu.memref_slice %arg2[%dma_wait3A_243, %dma_wait3A_244] : memref<10000x64xbf16, #tpu.memory_space<hbm>> -> memref<128x64xbf16, #tpu.memory_space<hbm>>
      %dma_wait3A_246 = arith.constant 0 : i32
      %dma_wait3A_247 = arith.constant 0 : i32
      %dma_wait3A_248 = tpu.memref_slice %arg2[%dma_wait3A_246, %dma_wait3A_247] : memref<10000x64xbf16, #tpu.memory_space<hbm>> -> memref<128x64xbf16, #tpu.memory_space<hbm>>
      tpu.wait_dma2 semaphore(%arg22 : memref<!tpu.dma_semaphore, #tpu.memory_space<semaphore_mem>>) src(%dma_wait3A_248 : memref<128x64xbf16, #tpu.memory_space<hbm>>) dst(%arg11 : memref<128x64xbf16, #tpu.memory_space<vmem>>)
      %ge3A_249 = arith.constant 4 : i32
      %ge3A_250 = arith.cmpi sge, %add3A_242, %ge3A_249 : i32
      %convert_element_type3A_251 = arith.extui %ge3A_250 : i1 to i32
      %cond3A_252 = arith.constant 0 : i32
      %cond3A_253 = arith.cmpi ne, %convert_element_type3A_251, %cond3A_252 : i32
      scf.if %cond3A_253 {
        %dma_wait3A_272 = arith.constant 0 : i32
        %dma_wait3A_273 = arith.constant 0 : i32
        %dma_wait3A_274 = arith.constant 0 : i32
        %dma_wait3A_275 = tpu.memref_slice %arg5[%dma_wait3A_272, %dma_wait3A_273, %dma_wait3A_274] : memref<2x10240x64xf32, #tpu.memory_space<hbm>> -> memref<1x10240x64xf32, #tpu.memory_space<hbm>>
        %dma_wait3A_276 = tpu.memref_squeeze %dma_wait3A_275 : memref<1x10240x64xf32, #tpu.memory_space<hbm>> -> memref<10240x64xf32, #tpu.memory_space<hbm>>
        %dma_wait3A_277 = arith.constant 0 : i32
        %dma_wait3A_278 = arith.constant 0 : i32
        %dma_wait3A_279 = tpu.memref_slice %dma_wait3A_276[%dma_wait3A_277, %dma_wait3A_278] : memref<10240x64xf32, #tpu.memory_space<hbm>> -> memref<128x64xf32, #tpu.memory_space<hbm>>
        %dma_wait3A_280 = arith.constant 0 : i32
        %dma_wait3A_281 = arith.constant 0 : i32
        %dma_wait3A_282 = tpu.memref_slice %arg5[%dma_wait3A_272, %dma_wait3A_280, %dma_wait3A_281] : memref<2x10240x64xf32, #tpu.memory_space<hbm>> -> memref<1x10240x64xf32, #tpu.memory_space<hbm>>
        %dma_wait3A_283 = tpu.memref_squeeze %dma_wait3A_282 : memref<1x10240x64xf32, #tpu.memory_space<hbm>> -> memref<10240x64xf32, #tpu.memory_space<hbm>>
        %dma_wait3A_284 = arith.constant 0 : i32
        %dma_wait3A_285 = arith.constant 0 : i32
        %dma_wait3A_286 = tpu.memref_slice %dma_wait3A_283[%dma_wait3A_284, %dma_wait3A_285] : memref<10240x64xf32, #tpu.memory_space<hbm>> -> memref<128x64xf32, #tpu.memory_space<hbm>>
        tpu.wait_dma2 semaphore(%arg26 : memref<!tpu.dma_semaphore, #tpu.memory_space<semaphore_mem>>) src(%dma_wait3A_286 : memref<128x64xf32, #tpu.memory_space<hbm>>) dst(%arg15 : memref<128x64xf32, #tpu.memory_space<vmem>>)
      } else {
      }
      %parallel_loop3A_254 = arith.constant 0 : i32
      %parallel_loop3A_255 = arith.constant 128 : i32
      %parallel_loop3A_256 = arith.constant 1 : i32
      scf.for %parallel_loop3A_272 = %parallel_loop3A_254 to %parallel_loop3A_255 step %parallel_loop3A_256  : i32 {
        %parallel_loop3A_273 = arith.index_cast %parallel_loop3A_272 : i32 to index
        %parallel_loop3A_274 = arith.constant 0 : index
        %parallel_loop3A_275 = tpu.vector_load %arg11[%parallel_loop3A_273, %parallel_loop3A_274] {strides = array<i32>} : memref<128x64xbf16, #tpu.memory_space<vmem>>, vector<32xbf16>,
        %parallel_loop3A_276 = tpu.unpack_subelements %parallel_loop3A_275, 0 {pack_format = #tpu.pack_format<interleaved>} : vector<32xbf16> -> vector<16xf32>
        %parallel_loop3A_277 = tpu.unpack_subelements %parallel_loop3A_275, 1 {pack_format = #tpu.pack_format<interleaved>} : vector<32xbf16> -> vector<16xf32>
        %parallel_loop3A_278 = arith.index_cast %parallel_loop3A_272 : i32 to index
        %parallel_loop3A_279 = arith.constant 0 : index
        %parallel_loop3A_280 = tpu.vector_load %arg15[%parallel_loop3A_278, %parallel_loop3A_279] {strides = array<i32>} : memref<128x64xf32, #tpu.memory_space<vmem>>, vector<16xf32>,
        tpu.vector_store %arg15[%parallel_loop3A_278, %parallel_loop3A_279], %parallel_loop3A_276 {strides = array<i32>} : memref<128x64xf32, #tpu.memory_space<vmem>>, vector<16xf32>,
        %parallel_loop3A_281 = arith.index_cast %parallel_loop3A_272 : i32 to index
        %parallel_loop3A_282 = arith.constant 16 : index
        %parallel_loop3A_283 = tpu.vector_load %arg15[%parallel_loop3A_281, %parallel_loop3A_282] {strides = array<i32>} : memref<128x64xf32, #tpu.memory_space<vmem>>, vector<16xf32>,
        tpu.vector_store %arg15[%parallel_loop3A_281, %parallel_loop3A_282], %parallel_loop3A_277 {strides = array<i32>} : memref<128x64xf32, #tpu.memory_space<vmem>>, vector<16xf32>,
        %parallel_loop3A_284 = arith.index_cast %parallel_loop3A_272 : i32 to index
        %parallel_loop3A_285 = arith.constant 32 : index
        %parallel_loop3A_286 = tpu.vector_load %arg11[%parallel_loop3A_284, %parallel_loop3A_285] {strides = array<i32>} : memref<128x64xbf16, #tpu.memory_space<vmem>>, vector<32xbf16>,
        %parallel_loop3A_287 = tpu.unpack_subelements %parallel_loop3A_286, 0 {pack_format = #tpu.pack_format<interleaved>} : vector<32xbf16> -> vector<16xf32>
        %parallel_loop3A_288 = tpu.unpack_subelements %parallel_loop3A_286, 1 {pack_format = #tpu.pack_format<interleaved>} : vector<32xbf16> -> vector<16xf32>
        %parallel_loop3A_289 = arith.index_cast %parallel_loop3A_272 : i32 to index
        %parallel_loop3A_290 = arith.constant 32 : index
        %parallel_loop3A_291 = tpu.vector_load %arg15[%parallel_loop3A_289, %parallel_loop3A_290] {strides = array<i32>} : memref<128x64xf32, #tpu.memory_space<vmem>>, vector<16xf32>,
        tpu.vector_store %arg15[%parallel_loop3A_289, %parallel_loop3A_290], %parallel_loop3A_287 {strides = array<i32>} : memref<128x64xf32, #tpu.memory_space<vmem>>, vector<16xf32>,
        %parallel_loop3A_292 = arith.index_cast %parallel_loop3A_272 : i32 to index
        %parallel_loop3A_293 = arith.constant 48 : index
        %parallel_loop3A_294 = tpu.vector_load %arg15[%parallel_loop3A_292, %parallel_loop3A_293] {strides = array<i32>} : memref<128x64xf32, #tpu.memory_space<vmem>>, vector<16xf32>,
        tpu.vector_store %arg15[%parallel_loop3A_292, %parallel_loop3A_293], %parallel_loop3A_288 {strides = array<i32>} : memref<128x64xf32, #tpu.memory_space<vmem>>, vector<16xf32>,
      } {sc.loop_unroll_factor = 4 : i64, sc.parallel_access}
      %dma_start3A_257 = arith.constant 0 : i32
      %dma_start3A_258 = tpu.memref_slice %arg7[%add3A_242, %dma_start3A_257] : memref<80x128xi32, #tpu.memory_space<vmem>> -> memref<1x128xi32, #tpu.memory_space<vmem>>
      %dma_start3A_259 = tpu.memref_squeeze %dma_start3A_258 : memref<1x128xi32, #tpu.memory_space<vmem>> -> memref<128xi32, #tpu.memory_space<vmem>>
      %dma_start3A_260 = arith.constant 0 : i32
      %dma_start3A_261 = arith.constant 0 : i32
      %dma_start3A_262 = tpu.memref_slice %arg17[%dma_start3A_260, %dma_start3A_261] : memref<10240x64xf32, #tpu.memory_space<vmem_shared>> -> memref<10240x64xf32, #tpu.memory_space<vmem_shared>>
      tpu.enqueue_indirect_dma source(%arg15 : memref<128x64xf32, #tpu.memory_space<vmem>>) target(%dma_start3A_262 : memref<10240x64xf32, #tpu.memory_space<vmem_shared>>) offsets(%dma_start3A_259 : memref<128xi32, #tpu.memory_space<vmem>>) semaphore(%arg26 : memref<!tpu.dma_semaphore, #tpu.memory_space<semaphore_mem>>) {add = true}
      %add3A_263 = arith.constant 4 : i32
      %add3A_264 = arith.addi %add3A_242, %add3A_263 : i32
      %sub3A_265 = arith.constant 1 : i32
      %sub3A_266 = arith.subi %add3A_264, %sub3A_265 : i32
      %lt3A_267 = arith.constant 80 : i32
      %lt3A_268 = arith.cmpi slt, %sub3A_266, %lt3A_267 : i32
      %convert_element_type3A_269 = arith.extui %lt3A_268 : i1 to i32
      %cond3A_270 = arith.constant 0 : i32
      %cond3A_271 = arith.cmpi ne, %convert_element_type3A_269, %cond3A_270 : i32
      scf.if %cond3A_271 {
        %add3A_272 = arith.constant 4 : i32
        %add3A_273 = arith.addi %add3A_242, %add3A_272 : i32
        %sub3A_274 = arith.constant 1 : i32
        %sub3A_275 = arith.subi %add3A_273, %sub3A_274 : i32
        %dma_start3A_276 = arith.constant 0 : i32
        %dma_start3A_277 = tpu.memref_slice %arg6[%sub3A_275, %dma_start3A_276] : memref<80x128xi32, #tpu.memory_space<vmem>> -> memref<1x128xi32, #tpu.memory_space<vmem>>
        %dma_start3A_278 = tpu.memref_squeeze %dma_start3A_277 : memref<1x128xi32, #tpu.memory_space<vmem>> -> memref<128xi32, #tpu.memory_space<vmem>>
        %dma_start3A_279 = arith.constant 0 : i32
        %dma_start3A_280 = arith.constant 0 : i32
        %dma_start3A_281 = tpu.memref_slice %arg2[%dma_start3A_279, %dma_start3A_280] : memref<10000x64xbf16, #tpu.memory_space<hbm>> -> memref<10000x64xbf16, #tpu.memory_space<hbm>>
        tpu.enqueue_indirect_dma source(%dma_start3A_281 : memref<10000x64xbf16, #tpu.memory_space<hbm>>) target(%arg10 : memref<128x64xbf16, #tpu.memory_space<vmem>>) offsets(%dma_start3A_278 : memref<128xi32, #tpu.memory_space<vmem>>) semaphore(%arg21 : memref<!tpu.dma_semaphore, #tpu.memory_space<semaphore_mem>>)
      } else {
      }
    }
    %scan3A_85 = arith.constant 20 : i32
    %dma_wait3A_86 = arith.constant 0 : i32
    %dma_wait3A_87 = arith.constant 0 : i32
    %dma_wait3A_88 = arith.constant 0 : i32
    %dma_wait3A_89 = tpu.memref_slice %arg5[%dma_wait3A_86, %dma_wait3A_87, %dma_wait3A_88] : memref<2x10240x64xf32, #tpu.memory_space<hbm>> -> memref<1x10240x64xf32, #tpu.memory_space<hbm>>
    %dma_wait3A_90 = tpu.memref_squeeze %dma_wait3A_89 : memref<1x10240x64xf32, #tpu.memory_space<hbm>> -> memref<10240x64xf32, #tpu.memory_space<hbm>>
    %dma_wait3A_91 = arith.constant 0 : i32
    %dma_wait3A_92 = arith.constant 0 : i32
    %dma_wait3A_93 = tpu.memref_slice %dma_wait3A_90[%dma_wait3A_91, %dma_wait3A_92] : memref<10240x64xf32, #tpu.memory_space<hbm>> -> memref<128x64xf32, #tpu.memory_space<hbm>>
    %dma_wait3A_94 = arith.constant 0 : i32
    %dma_wait3A_95 = arith.constant 0 : i32
    %dma_wait3A_96 = tpu.memref_slice %arg5[%dma_wait3A_86, %dma_wait3A_94, %dma_wait3A_95] : memref<2x10240x64xf32, #tpu.memory_space<hbm>> -> memref<1x10240x64xf32, #tpu.memory_space<hbm>>
    %dma_wait3A_97 = tpu.memref_squeeze %dma_wait3A_96 : memref<1x10240x64xf32, #tpu.memory_space<hbm>> -> memref<10240x64xf32, #tpu.memory_space<hbm>>
    %dma_wait3A_98 = arith.constant 0 : i32
    %dma_wait3A_99 = arith.constant 0 : i32
    %dma_wait3A_100 = tpu.memref_slice %dma_wait3A_97[%dma_wait3A_98, %dma_wait3A_99] : memref<10240x64xf32, #tpu.memory_space<hbm>> -> memref<128x64xf32, #tpu.memory_space<hbm>>
    tpu.wait_dma2 semaphore(%arg23 : memref<!tpu.dma_semaphore, #tpu.memory_space<semaphore_mem>>) src(%dma_wait3A_100 : memref<128x64xf32, #tpu.memory_space<hbm>>) dst(%arg12 : memref<128x64xf32, #tpu.memory_space<vmem>>)
    %dma_wait3A_101 = arith.constant 0 : i32
    %dma_wait3A_102 = arith.constant 0 : i32
    %dma_wait3A_103 = arith.constant 0 : i32
    %dma_wait3A_104 = tpu.memref_slice %arg5[%dma_wait3A_101, %dma_wait3A_102, %dma_wait3A_103] : memref<2x10240x64xf32, #tpu.memory_space<hbm>> -> memref<1x10240x64xf32, #tpu.memory_space<hbm>>
    %dma_wait3A_105 = tpu.memref_squeeze %dma_wait3A_104 : memref<1x10240x64xf32, #tpu.memory_space<hbm>> -> memref<10240x64xf32, #tpu.memory_space<hbm>>
    %dma_wait3A_106 = arith.constant 0 : i32
    %dma_wait3A_107 = arith.constant 0 : i32
    %dma_wait3A_108 = tpu.memref_slice %dma_wait3A_105[%dma_wait3A_106, %dma_wait3A_107] : memref<10240x64xf32, #tpu.memory_space<hbm>> -> memref<128x64xf32, #tpu.memory_space<hbm>>
    %dma_wait3A_109 = arith.constant 0 : i32
    %dma_wait3A_110 = arith.constant 0 : i32
    %dma_wait3A_111 = tpu.memref_slice %arg5[%dma_wait3A_101, %dma_wait3A_109, %dma_wait3A_110] : memref<2x10240x64xf32, #tpu.memory_space<hbm>> -> memref<1x10240x64xf32, #tpu.memory_space<hbm>>
    %dma_wait3A_112 = tpu.memref_squeeze %dma_wait3A_111 : memref<1x10240x64xf32, #tpu.memory_space<hbm>> -> memref<10240x64xf32, #tpu.memory_space<hbm>>
    %dma_wait3A_113 = arith.constant 0 : i32
    %dma_wait3A_114 = arith.constant 0 : i32
    %dma_wait3A_115 = tpu.memref_slice %dma_wait3A_112[%dma_wait3A_113, %dma_wait3A_114] : memref<10240x64xf32, #tpu.memory_space<hbm>> -> memref<128x64xf32, #tpu.memory_space<hbm>>
    tpu.wait_dma2 semaphore(%arg24 : memref<!tpu.dma_semaphore, #tpu.memory_space<semaphore_mem>>) src(%dma_wait3A_115 : memref<128x64xf32, #tpu.memory_space<hbm>>) dst(%arg13 : memref<128x64xf32, #tpu.memory_space<vmem>>)
    %dma_wait3A_116 = arith.constant 0 : i32
    %dma_wait3A_117 = arith.constant 0 : i32
    %dma_wait3A_118 = arith.constant 0 : i32
    %dma_wait3A_119 = tpu.memref_slice %arg5[%dma_wait3A_116, %dma_wait3A_117, %dma_wait3A_118] : memref<2x10240x64xf32, #tpu.memory_space<hbm>> -> memref<1x10240x64xf32, #tpu.memory_space<hbm>>
    %dma_wait3A_120 = tpu.memref_squeeze %dma_wait3A_119 : memref<1x10240x64xf32, #tpu.memory_space<hbm>> -> memref<10240x64xf32, #tpu.memory_space<hbm>>
    %dma_wait3A_121 = arith.constant 0 : i32
    %dma_wait3A_122 = arith.constant 0 : i32
    %dma_wait3A_123 = tpu.memref_slice %dma_wait3A_120[%dma_wait3A_121, %dma_wait3A_122] : memref<10240x64xf32, #tpu.memory_space<hbm>> -> memref<128x64xf32, #tpu.memory_space<hbm>>
    %dma_wait3A_124 = arith.constant 0 : i32
    %dma_wait3A_125 = arith.constant 0 : i32
    %dma_wait3A_126 = tpu.memref_slice %arg5[%dma_wait3A_116, %dma_wait3A_124, %dma_wait3A_125] : memref<2x10240x64xf32, #tpu.memory_space<hbm>> -> memref<1x10240x64xf32, #tpu.memory_space<hbm>>
    %dma_wait3A_127 = tpu.memref_squeeze %dma_wait3A_126 : memref<1x10240x64xf32, #tpu.memory_space<hbm>> -> memref<10240x64xf32, #tpu.memory_space<hbm>>
    %dma_wait3A_128 = arith.constant 0 : i32
    %dma_wait3A_129 = arith.constant 0 : i32
    %dma_wait3A_130 = tpu.memref_slice %dma_wait3A_127[%dma_wait3A_128, %dma_wait3A_129] : memref<10240x64xf32, #tpu.memory_space<hbm>> -> memref<128x64xf32, #tpu.memory_space<hbm>>
    tpu.wait_dma2 semaphore(%arg25 : memref<!tpu.dma_semaphore, #tpu.memory_space<semaphore_mem>>) src(%dma_wait3A_130 : memref<128x64xf32, #tpu.memory_space<hbm>>) dst(%arg14 : memref<128x64xf32, #tpu.memory_space<vmem>>)
    %dma_wait3A_131 = arith.constant 0 : i32
    %dma_wait3A_132 = arith.constant 0 : i32
    %dma_wait3A_133 = arith.constant 0 : i32
    %dma_wait3A_134 = tpu.memref_slice %arg5[%dma_wait3A_131, %dma_wait3A_132, %dma_wait3A_133] : memref<2x10240x64xf32, #tpu.memory_space<hbm>> -> memref<1x10240x64xf32, #tpu.memory_space<hbm>>
    %dma_wait3A_135 = tpu.memref_squeeze %dma_wait3A_134 : memref<1x10240x64xf32, #tpu.memory_space<hbm>> -> memref<10240x64xf32, #tpu.memory_space<hbm>>
    %dma_wait3A_136 = arith.constant 0 : i32
    %dma_wait3A_137 = arith.constant 0 : i32
    %dma_wait3A_138 = tpu.memref_slice %dma_wait3A_135[%dma_wait3A_136, %dma_wait3A_137] : memref<10240x64xf32, #tpu.memory_space<hbm>> -> memref<128x64xf32, #tpu.memory_space<hbm>>
    %dma_wait3A_139 = arith.constant 0 : i32
    %dma_wait3A_140 = arith.constant 0 : i32
    %dma_wait3A_141 = tpu.memref_slice %arg5[%dma_wait3A_131, %dma_wait3A_139, %dma_wait3A_140] : memref<2x10240x64xf32, #tpu.memory_space<hbm>> -> memref<1x10240x64xf32, #tpu.memory_space<hbm>>
    %dma_wait3A_142 = tpu.memref_squeeze %dma_wait3A_141 : memref<1x10240x64xf32, #tpu.memory_space<hbm>> -> memref<10240x64xf32, #tpu.memory_space<hbm>>
    %dma_wait3A_143 = arith.constant 0 : i32
    %dma_wait3A_144 = arith.constant 0 : i32
    %dma_wait3A_145 = tpu.memref_slice %dma_wait3A_142[%dma_wait3A_143, %dma_wait3A_144] : memref<10240x64xf32, #tpu.memory_space<hbm>> -> memref<128x64xf32, #tpu.memory_space<hbm>>
    tpu.wait_dma2 semaphore(%arg26 : memref<!tpu.dma_semaphore, #tpu.memory_space<semaphore_mem>>) src(%dma_wait3A_145 : memref<128x64xf32, #tpu.memory_space<hbm>>) dst(%arg15 : memref<128x64xf32, #tpu.memory_space<vmem>>)
    %barrier3A_146 = arith.constant 0 : index
    tpu.barrier barrier_id(%barrier3A_146)
    %mul3A_147 = arith.constant 640 : i32
    %mul3A_148 = arith.muli %arg1, %mul3A_147 : i32
    "tpu.region"() ({
      %run_scoped3A = tpu.sem_alloc : memref<!tpu.dma_semaphore, #tpu.memory_space<semaphore_mem>>
      %dma_start3A_149 = arith.constant 0 : i32
      %dma_start3A_150 = arith.constant 0 : i32
      %dma_start3A_151 = tpu.memref_slice %arg5[%arg0, %dma_start3A_149, %dma_start3A_150] : memref<2x10240x64xf32, #tpu.memory_space<hbm>> -> memref<1x10240x64xf32, #tpu.memory_space<hbm>>
      %dma_start3A_152 = tpu.memref_squeeze %dma_start3A_151 : memref<1x10240x64xf32, #tpu.memory_space<hbm>> -> memref<10240x64xf32, #tpu.memory_space<hbm>>
      %dma_start3A_153 = arith.constant 0 : i32
      %dma_start3A_154 = tpu.memref_slice %dma_start3A_152[%mul3A_148, %dma_start3A_153] : memref<10240x64xf32, #tpu.memory_space<hbm>> -> memref<640x64xf32, #tpu.memory_space<hbm>>
      %dma_start3A_155 = arith.constant 0 : i32
      %dma_start3A_156 = tpu.memref_slice %arg17[%mul3A_148, %dma_start3A_155] : memref<10240x64xf32, #tpu.memory_space<vmem_shared>> -> memref<640x64xf32, #tpu.memory_space<vmem_shared>>
      tpu.enqueue_dma source(%dma_start3A_156 : memref<640x64xf32, #tpu.memory_space<vmem_shared>>) target(%dma_start3A_154 : memref<640x64xf32, #tpu.memory_space<hbm>>) target_semaphore(%run_scoped3A : memref<!tpu.dma_semaphore, #tpu.memory_space<semaphore_mem>>)
      %dma_wait3A_157 = arith.constant 0 : i32
      %dma_wait3A_158 = arith.constant 0 : i32
      %dma_wait3A_159 = tpu.memref_slice %arg5[%arg0, %dma_wait3A_157, %dma_wait3A_158] : memref<2x10240x64xf32, #tpu.memory_space<hbm>> -> memref<1x10240x64xf32, #tpu.memory_space<hbm>>
      %dma_wait3A_160 = tpu.memref_squeeze %dma_wait3A_159 : memref<1x10240x64xf32, #tpu.memory_space<hbm>> -> memref<10240x64xf32, #tpu.memory_space<hbm>>
      %dma_wait3A_161 = arith.constant 0 : i32
      %dma_wait3A_162 = tpu.memref_slice %dma_wait3A_160[%mul3A_148, %dma_wait3A_161] : memref<10240x64xf32, #tpu.memory_space<hbm>> -> memref<640x64xf32, #tpu.memory_space<hbm>>
      %dma_wait3A_163 = arith.constant 0 : i32
      %dma_wait3A_164 = tpu.memref_slice %arg17[%mul3A_148, %dma_wait3A_163] : memref<10240x64xf32, #tpu.memory_space<vmem_shared>> -> memref<640x64xf32, #tpu.memory_space<vmem_shared>>
      tpu.wait_dma2 semaphore(%run_scoped3A : memref<!tpu.dma_semaphore, #tpu.memory_space<semaphore_mem>>) src(%dma_wait3A_164 : memref<640x64xf32, #tpu.memory_space<vmem_shared>>) dst(%dma_wait3A_162 : memref<640x64xf32, #tpu.memory_space<hbm>>)
      tpu.yield
    }) : () -> ()
    return
  }
}

#map = affine_map<(d0, d1) -> (0, 0)>
#map1 = affine_map<(d0, d1) -> (0, 0, 0)>
module attributes {stable_mosaic.version = 14 : i64} {
  func.func @_seg_body(%arg0: i32, %arg1: i32, %arg2: memref<10000x64xbf16, #tpu.memory_space<hbm>>, %arg3: memref<32x80x128xi32, #tpu.memory_space<hbm>>, %arg4: memref<32x80x128xi32, #tpu.memory_space<hbm>>, %arg5: memref<2x10240x64xf32, #tpu.memory_space<hbm>>, %arg6: memref<2x16x10240xf32, #tpu.memory_space<hbm>>, %arg7: memref<80x128xi32, #tpu.memory_space<vmem>>, %arg8: memref<80x128xi32, #tpu.memory_space<vmem>>, %arg9: memref<128x64xbf16, #tpu.memory_space<vmem>>, %arg10: memref<128x64xbf16, #tpu.memory_space<vmem>>, %arg11: memref<128x64xbf16, #tpu.memory_space<vmem>>, %arg12: memref<128x64xbf16, #tpu.memory_space<vmem>>, %arg13: memref<128x64xf32, #tpu.memory_space<vmem>>, %arg14: memref<128x64xf32, #tpu.memory_space<vmem>>, %arg15: memref<128x64xf32, #tpu.memory_space<vmem>>, %arg16: memref<128x64xf32, #tpu.memory_space<vmem>>, %arg17: memref<10240xf32, #tpu.memory_space<vmem>>, %arg18: memref<128x64xf32, #tpu.memory_space<vmem>>, %arg19: memref<10240x64xf32, #tpu.memory_space<vmem_shared>>, %arg20: memref<!tpu.dma_semaphore, #tpu.memory_space<semaphore_mem>>, %arg21: memref<!tpu.dma_semaphore, #tpu.memory_space<semaphore_mem>>, %arg22: memref<!tpu.dma_semaphore, #tpu.memory_space<semaphore_mem>>, %arg23: memref<!tpu.dma_semaphore, #tpu.memory_space<semaphore_mem>>, %arg24: memref<!tpu.dma_semaphore, #tpu.memory_space<semaphore_mem>>, %arg25: memref<!tpu.dma_semaphore, #tpu.memory_space<semaphore_mem>>, %arg26: memref<!tpu.dma_semaphore, #tpu.memory_space<semaphore_mem>>, %arg27: memref<!tpu.dma_semaphore, #tpu.memory_space<semaphore_mem>>, %arg28: memref<!tpu.dma_semaphore, #tpu.memory_space<semaphore_mem>>) attributes {dimension_semantics = [#tpu.dimension_semantics<core_parallel>, #tpu.dimension_semantics<subcore_parallel>], iteration_bounds = array<i64: 2, 16>, scalar_prefetch = 0 : i64, scratch_operands = 22 : i64, tpu.core_type = #tpu.core_type<sc_vector_subcore>, window_params = [{transform_indices = #map}, {transform_indices = #map1}, {transform_indices = #map1}, {transform_indices = #map1}, {transform_indices = #map1}]} {
    %mul3A = arith.constant 2 : i32
    %mul3A_0 = arith.muli %arg1, %mul3A : i32
    %add3A = arith.addi %mul3A_0, %arg0 : i32
    %dma_start3A = arith.constant 0 : i32
    %dma_start3A_1 = arith.constant 0 : i32
    %dma_start3A_2 = tpu.memref_slice %arg3[%add3A, %dma_start3A, %dma_start3A_1] : memref<32x80x128xi32, #tpu.memory_space<hbm>> -> memref<1x80x128xi32, #tpu.memory_space<hbm>>
    %dma_start3A_3 = tpu.memref_squeeze %dma_start3A_2 : memref<1x80x128xi32, #tpu.memory_space<hbm>> -> memref<80x128xi32, #tpu.memory_space<hbm>>
    %dma_start3A_4 = arith.constant 0 : i32
    %dma_start3A_5 = arith.constant 0 : i32
    %dma_start3A_6 = tpu.memref_slice %arg3[%add3A, %dma_start3A_4, %dma_start3A_5] : memref<32x80x128xi32, #tpu.memory_space<hbm>> -> memref<1x80x128xi32, #tpu.memory_space<hbm>>
    %dma_start3A_7 = tpu.memref_squeeze %dma_start3A_6 : memref<1x80x128xi32, #tpu.memory_space<hbm>> -> memref<80x128xi32, #tpu.memory_space<hbm>>
    tpu.enqueue_dma source(%dma_start3A_7 : memref<80x128xi32, #tpu.memory_space<hbm>>) target(%arg7 : memref<80x128xi32, #tpu.memory_space<vmem>>) target_semaphore(%arg20 : memref<!tpu.dma_semaphore, #tpu.memory_space<semaphore_mem>>)
    %dma_start3A_8 = arith.constant 0 : i32
    %dma_start3A_9 = arith.constant 0 : i32
    %dma_start3A_10 = tpu.memref_slice %arg4[%add3A, %dma_start3A_8, %dma_start3A_9] : memref<32x80x128xi32, #tpu.memory_space<hbm>> -> memref<1x80x128xi32, #tpu.memory_space<hbm>>
    %dma_start3A_11 = tpu.memref_squeeze %dma_start3A_10 : memref<1x80x128xi32, #tpu.memory_space<hbm>> -> memref<80x128xi32, #tpu.memory_space<hbm>>
    %dma_start3A_12 = arith.constant 0 : i32
    %dma_start3A_13 = arith.constant 0 : i32
    %dma_start3A_14 = tpu.memref_slice %arg4[%add3A, %dma_start3A_12, %dma_start3A_13] : memref<32x80x128xi32, #tpu.memory_space<hbm>> -> memref<1x80x128xi32, #tpu.memory_space<hbm>>
    %dma_start3A_15 = tpu.memref_squeeze %dma_start3A_14 : memref<1x80x128xi32, #tpu.memory_space<hbm>> -> memref<80x128xi32, #tpu.memory_space<hbm>>
    tpu.enqueue_dma source(%dma_start3A_15 : memref<80x128xi32, #tpu.memory_space<hbm>>) target(%arg8 : memref<80x128xi32, #tpu.memory_space<vmem>>) target_semaphore(%arg20 : memref<!tpu.dma_semaphore, #tpu.memory_space<semaphore_mem>>)
    %broadcast_in_dim3A = arith.constant 0.000000e+00 : f32
    %broadcast_in_dim3A_16 = vector.broadcast %broadcast_in_dim3A : f32 to vector<16xf32>
    %scan3A = arith.constant 0 : i32
    %scan3A_17 = arith.constant 128 : i32
    %scan3A_18 = arith.addi %scan3A, %scan3A_17 : i32
    %scan3A_19 = arith.constant 1 : i32
    scf.for %scan3A_154 = %scan3A to %scan3A_18 step %scan3A_19  : i32 {
      %mul3A_155 = arith.constant 1 : i32
      %mul3A_156 = arith.muli %scan3A_154, %mul3A_155 : i32
      %add3A_157 = arith.constant 0 : i32
      %add3A_158 = arith.addi %add3A_157, %mul3A_156 : i32
      %swap3A = arith.index_cast %add3A_158 : i32 to index
      %swap3A_159 = arith.constant 0 : index
      %swap3A_160 = tpu.vector_load %arg18[%swap3A, %swap3A_159] {strides = array<i32>} : memref<128x64xf32, #tpu.memory_space<vmem>>, vector<16xf32>,
      tpu.vector_store %arg18[%swap3A, %swap3A_159], %broadcast_in_dim3A_16 {strides = array<i32>} : memref<128x64xf32, #tpu.memory_space<vmem>>, vector<16xf32>,
      %swap3A_161 = arith.index_cast %add3A_158 : i32 to index
      %swap3A_162 = arith.constant 16 : index
      %swap3A_163 = tpu.vector_load %arg18[%swap3A_161, %swap3A_162] {strides = array<i32>} : memref<128x64xf32, #tpu.memory_space<vmem>>, vector<16xf32>,
      tpu.vector_store %arg18[%swap3A_161, %swap3A_162], %broadcast_in_dim3A_16 {strides = array<i32>} : memref<128x64xf32, #tpu.memory_space<vmem>>, vector<16xf32>,
      %swap3A_164 = arith.index_cast %add3A_158 : i32 to index
      %swap3A_165 = arith.constant 32 : index
      %swap3A_166 = tpu.vector_load %arg18[%swap3A_164, %swap3A_165] {strides = array<i32>} : memref<128x64xf32, #tpu.memory_space<vmem>>, vector<16xf32>,
      tpu.vector_store %arg18[%swap3A_164, %swap3A_165], %broadcast_in_dim3A_16 {strides = array<i32>} : memref<128x64xf32, #tpu.memory_space<vmem>>, vector<16xf32>,
      %swap3A_167 = arith.index_cast %add3A_158 : i32 to index
      %swap3A_168 = arith.constant 48 : index
      %swap3A_169 = tpu.vector_load %arg18[%swap3A_167, %swap3A_168] {strides = array<i32>} : memref<128x64xf32, #tpu.memory_space<vmem>>, vector<16xf32>,
      tpu.vector_store %arg18[%swap3A_167, %swap3A_168], %broadcast_in_dim3A_16 {strides = array<i32>} : memref<128x64xf32, #tpu.memory_space<vmem>>, vector<16xf32>,
    }
    %scan3A_20 = arith.constant 128 : i32
    %scan3A_21 = arith.constant 0 : i32
    %scan3A_22 = arith.constant 640 : i32
    %scan3A_23 = arith.addi %scan3A_21, %scan3A_22 : i32
    %scan3A_24 = arith.constant 1 : i32
    scf.for %scan3A_154 = %scan3A_21 to %scan3A_23 step %scan3A_24  : i32 {
      %mul3A_155 = arith.constant 16 : i32
      %mul3A_156 = arith.muli %scan3A_154, %mul3A_155 : i32
      %add3A_157 = arith.constant 0 : i32
      %add3A_158 = arith.addi %add3A_157, %mul3A_156 : i32
      %swap3A = arith.index_cast %add3A_158 : i32 to index
      %swap3A_159 = tpu.vector_load %arg17[%swap3A] {strides = array<i32>} : memref<10240xf32, #tpu.memory_space<vmem>>, vector<16xf32>,
      tpu.vector_store %arg17[%swap3A], %broadcast_in_dim3A_16 {strides = array<i32>} : memref<10240xf32, #tpu.memory_space<vmem>>, vector<16xf32>,
    }
    %scan3A_25 = arith.constant 640 : i32
    %mul3A_26 = arith.constant 640 : i32
    %mul3A_27 = arith.muli %arg1, %mul3A_26 : i32
    %add3A_28 = arith.constant 0 : i32
    %add3A_29 = arith.addi %mul3A_27, %add3A_28 : i32
    "tpu.region"() ({
      %run_scoped3A = tpu.sem_alloc : memref<!tpu.dma_semaphore, #tpu.memory_space<semaphore_mem>>
      %dma_start3A_154 = arith.constant 0 : i32
      %dma_start3A_155 = tpu.memref_slice %arg19[%add3A_29, %dma_start3A_154] : memref<10240x64xf32, #tpu.memory_space<vmem_shared>> -> memref<128x64xf32, #tpu.memory_space<vmem_shared>>
      %dma_start3A_156 = arith.constant 0 : i32
      %dma_start3A_157 = tpu.memref_slice %arg19[%add3A_29, %dma_start3A_156] : memref<10240x64xf32, #tpu.memory_space<vmem_shared>> -> memref<128x64xf32, #tpu.memory_space<vmem_shared>>
      tpu.enqueue_dma source(%arg18 : memref<128x64xf32, #tpu.memory_space<vmem>>) target(%dma_start3A_157 : memref<128x64xf32, #tpu.memory_space<vmem_shared>>) target_semaphore(%run_scoped3A : memref<!tpu.dma_semaphore, #tpu.memory_space<semaphore_mem>>)
      %dma_wait3A_158 = arith.constant 0 : i32
      %dma_wait3A_159 = tpu.memref_slice %arg19[%add3A_29, %dma_wait3A_158] : memref<10240x64xf32, #tpu.memory_space<vmem_shared>> -> memref<128x64xf32, #tpu.memory_space<vmem_shared>>
      %dma_wait3A_160 = arith.constant 0 : i32
      %dma_wait3A_161 = tpu.memref_slice %arg19[%add3A_29, %dma_wait3A_160] : memref<10240x64xf32, #tpu.memory_space<vmem_shared>> -> memref<128x64xf32, #tpu.memory_space<vmem_shared>>
      tpu.wait_dma2 semaphore(%run_scoped3A : memref<!tpu.dma_semaphore, #tpu.memory_space<semaphore_mem>>) src(%arg18 : memref<128x64xf32, #tpu.memory_space<vmem>>) dst(%dma_wait3A_161 : memref<128x64xf32, #tpu.memory_space<vmem_shared>>)
      tpu.yield
    }) : () -> ()
    %mul3A_30 = arith.constant 640 : i32
    %mul3A_31 = arith.muli %arg1, %mul3A_30 : i32
    %add3A_32 = arith.constant 128 : i32
    %add3A_33 = arith.addi %mul3A_31, %add3A_32 : i32
    "tpu.region"() ({
      %run_scoped3A = tpu.sem_alloc : memref<!tpu.dma_semaphore, #tpu.memory_space<semaphore_mem>>
      %dma_start3A_154 = arith.constant 0 : i32
      %dma_start3A_155 = tpu.memref_slice %arg19[%add3A_33, %dma_start3A_154] : memref<10240x64xf32, #tpu.memory_space<vmem_shared>> -> memref<128x64xf32, #tpu.memory_space<vmem_shared>>
      %dma_start3A_156 = arith.constant 0 : i32
      %dma_start3A_157 = tpu.memref_slice %arg19[%add3A_33, %dma_start3A_156] : memref<10240x64xf32, #tpu.memory_space<vmem_shared>> -> memref<128x64xf32, #tpu.memory_space<vmem_shared>>
      tpu.enqueue_dma source(%arg18 : memref<128x64xf32, #tpu.memory_space<vmem>>) target(%dma_start3A_157 : memref<128x64xf32, #tpu.memory_space<vmem_shared>>) target_semaphore(%run_scoped3A : memref<!tpu.dma_semaphore, #tpu.memory_space<semaphore_mem>>)
      %dma_wait3A_158 = arith.constant 0 : i32
      %dma_wait3A_159 = tpu.memref_slice %arg19[%add3A_33, %dma_wait3A_158] : memref<10240x64xf32, #tpu.memory_space<vmem_shared>> -> memref<128x64xf32, #tpu.memory_space<vmem_shared>>
      %dma_wait3A_160 = arith.constant 0 : i32
      %dma_wait3A_161 = tpu.memref_slice %arg19[%add3A_33, %dma_wait3A_160] : memref<10240x64xf32, #tpu.memory_space<vmem_shared>> -> memref<128x64xf32, #tpu.memory_space<vmem_shared>>
      tpu.wait_dma2 semaphore(%run_scoped3A : memref<!tpu.dma_semaphore, #tpu.memory_space<semaphore_mem>>) src(%arg18 : memref<128x64xf32, #tpu.memory_space<vmem>>) dst(%dma_wait3A_161 : memref<128x64xf32, #tpu.memory_space<vmem_shared>>)
      tpu.yield
    }) : () -> ()
    %mul3A_34 = arith.constant 640 : i32
    %mul3A_35 = arith.muli %arg1, %mul3A_34 : i32
    %add3A_36 = arith.constant 256 : i32
    %add3A_37 = arith.addi %mul3A_35, %add3A_36 : i32
    "tpu.region"() ({
      %run_scoped3A = tpu.sem_alloc : memref<!tpu.dma_semaphore, #tpu.memory_space<semaphore_mem>>
      %dma_start3A_154 = arith.constant 0 : i32
      %dma_start3A_155 = tpu.memref_slice %arg19[%add3A_37, %dma_start3A_154] : memref<10240x64xf32, #tpu.memory_space<vmem_shared>> -> memref<128x64xf32, #tpu.memory_space<vmem_shared>>
      %dma_start3A_156 = arith.constant 0 : i32
      %dma_start3A_157 = tpu.memref_slice %arg19[%add3A_37, %dma_start3A_156] : memref<10240x64xf32, #tpu.memory_space<vmem_shared>> -> memref<128x64xf32, #tpu.memory_space<vmem_shared>>
      tpu.enqueue_dma source(%arg18 : memref<128x64xf32, #tpu.memory_space<vmem>>) target(%dma_start3A_157 : memref<128x64xf32, #tpu.memory_space<vmem_shared>>) target_semaphore(%run_scoped3A : memref<!tpu.dma_semaphore, #tpu.memory_space<semaphore_mem>>)
      %dma_wait3A_158 = arith.constant 0 : i32
      %dma_wait3A_159 = tpu.memref_slice %arg19[%add3A_37, %dma_wait3A_158] : memref<10240x64xf32, #tpu.memory_space<vmem_shared>> -> memref<128x64xf32, #tpu.memory_space<vmem_shared>>
      %dma_wait3A_160 = arith.constant 0 : i32
      %dma_wait3A_161 = tpu.memref_slice %arg19[%add3A_37, %dma_wait3A_160] : memref<10240x64xf32, #tpu.memory_space<vmem_shared>> -> memref<128x64xf32, #tpu.memory_space<vmem_shared>>
      tpu.wait_dma2 semaphore(%run_scoped3A : memref<!tpu.dma_semaphore, #tpu.memory_space<semaphore_mem>>) src(%arg18 : memref<128x64xf32, #tpu.memory_space<vmem>>) dst(%dma_wait3A_161 : memref<128x64xf32, #tpu.memory_space<vmem_shared>>)
      tpu.yield
    }) : () -> ()
    %mul3A_38 = arith.constant 640 : i32
    %mul3A_39 = arith.muli %arg1, %mul3A_38 : i32
    %add3A_40 = arith.constant 384 : i32
    %add3A_41 = arith.addi %mul3A_39, %add3A_40 : i32
    "tpu.region"() ({
      %run_scoped3A = tpu.sem_alloc : memref<!tpu.dma_semaphore, #tpu.memory_space<semaphore_mem>>
      %dma_start3A_154 = arith.constant 0 : i32
      %dma_start3A_155 = tpu.memref_slice %arg19[%add3A_41, %dma_start3A_154] : memref<10240x64xf32, #tpu.memory_space<vmem_shared>> -> memref<128x64xf32, #tpu.memory_space<vmem_shared>>
      %dma_start3A_156 = arith.constant 0 : i32
      %dma_start3A_157 = tpu.memref_slice %arg19[%add3A_41, %dma_start3A_156] : memref<10240x64xf32, #tpu.memory_space<vmem_shared>> -> memref<128x64xf32, #tpu.memory_space<vmem_shared>>
      tpu.enqueue_dma source(%arg18 : memref<128x64xf32, #tpu.memory_space<vmem>>) target(%dma_start3A_157 : memref<128x64xf32, #tpu.memory_space<vmem_shared>>) target_semaphore(%run_scoped3A : memref<!tpu.dma_semaphore, #tpu.memory_space<semaphore_mem>>)
      %dma_wait3A_158 = arith.constant 0 : i32
      %dma_wait3A_159 = tpu.memref_slice %arg19[%add3A_41, %dma_wait3A_158] : memref<10240x64xf32, #tpu.memory_space<vmem_shared>> -> memref<128x64xf32, #tpu.memory_space<vmem_shared>>
      %dma_wait3A_160 = arith.constant 0 : i32
      %dma_wait3A_161 = tpu.memref_slice %arg19[%add3A_41, %dma_wait3A_160] : memref<10240x64xf32, #tpu.memory_space<vmem_shared>> -> memref<128x64xf32, #tpu.memory_space<vmem_shared>>
      tpu.wait_dma2 semaphore(%run_scoped3A : memref<!tpu.dma_semaphore, #tpu.memory_space<semaphore_mem>>) src(%arg18 : memref<128x64xf32, #tpu.memory_space<vmem>>) dst(%dma_wait3A_161 : memref<128x64xf32, #tpu.memory_space<vmem_shared>>)
      tpu.yield
    }) : () -> ()
    %mul3A_42 = arith.constant 640 : i32
    %mul3A_43 = arith.muli %arg1, %mul3A_42 : i32
    %add3A_44 = arith.constant 512 : i32
    %add3A_45 = arith.addi %mul3A_43, %add3A_44 : i32
    "tpu.region"() ({
      %run_scoped3A = tpu.sem_alloc : memref<!tpu.dma_semaphore, #tpu.memory_space<semaphore_mem>>
      %dma_start3A_154 = arith.constant 0 : i32
      %dma_start3A_155 = tpu.memref_slice %arg19[%add3A_45, %dma_start3A_154] : memref<10240x64xf32, #tpu.memory_space<vmem_shared>> -> memref<128x64xf32, #tpu.memory_space<vmem_shared>>
      %dma_start3A_156 = arith.constant 0 : i32
      %dma_start3A_157 = tpu.memref_slice %arg19[%add3A_45, %dma_start3A_156] : memref<10240x64xf32, #tpu.memory_space<vmem_shared>> -> memref<128x64xf32, #tpu.memory_space<vmem_shared>>
      tpu.enqueue_dma source(%arg18 : memref<128x64xf32, #tpu.memory_space<vmem>>) target(%dma_start3A_157 : memref<128x64xf32, #tpu.memory_space<vmem_shared>>) target_semaphore(%run_scoped3A : memref<!tpu.dma_semaphore, #tpu.memory_space<semaphore_mem>>)
      %dma_wait3A_158 = arith.constant 0 : i32
      %dma_wait3A_159 = tpu.memref_slice %arg19[%add3A_45, %dma_wait3A_158] : memref<10240x64xf32, #tpu.memory_space<vmem_shared>> -> memref<128x64xf32, #tpu.memory_space<vmem_shared>>
      %dma_wait3A_160 = arith.constant 0 : i32
      %dma_wait3A_161 = tpu.memref_slice %arg19[%add3A_45, %dma_wait3A_160] : memref<10240x64xf32, #tpu.memory_space<vmem_shared>> -> memref<128x64xf32, #tpu.memory_space<vmem_shared>>
      tpu.wait_dma2 semaphore(%run_scoped3A : memref<!tpu.dma_semaphore, #tpu.memory_space<semaphore_mem>>) src(%arg18 : memref<128x64xf32, #tpu.memory_space<vmem>>) dst(%dma_wait3A_161 : memref<128x64xf32, #tpu.memory_space<vmem_shared>>)
      tpu.yield
    }) : () -> ()
    %barrier3A = arith.constant 0 : index
    tpu.barrier barrier_id(%barrier3A)
    %dma_wait3A = arith.constant 0 : i32
    %dma_wait3A_46 = arith.constant 0 : i32
    %dma_wait3A_47 = arith.constant 0 : i32
    %dma_wait3A_48 = tpu.memref_slice %arg3[%dma_wait3A, %dma_wait3A_46, %dma_wait3A_47] : memref<32x80x128xi32, #tpu.memory_space<hbm>> -> memref<1x80x128xi32, #tpu.memory_space<hbm>>
    %dma_wait3A_49 = tpu.memref_squeeze %dma_wait3A_48 : memref<1x80x128xi32, #tpu.memory_space<hbm>> -> memref<80x128xi32, #tpu.memory_space<hbm>>
    %dma_wait3A_50 = arith.constant 0 : i32
    %dma_wait3A_51 = arith.constant 0 : i32
    %dma_wait3A_52 = tpu.memref_slice %arg3[%dma_wait3A, %dma_wait3A_50, %dma_wait3A_51] : memref<32x80x128xi32, #tpu.memory_space<hbm>> -> memref<1x80x128xi32, #tpu.memory_space<hbm>>
    %dma_wait3A_53 = tpu.memref_squeeze %dma_wait3A_52 : memref<1x80x128xi32, #tpu.memory_space<hbm>> -> memref<80x128xi32, #tpu.memory_space<hbm>>
    tpu.wait_dma2 semaphore(%arg20 : memref<!tpu.dma_semaphore, #tpu.memory_space<semaphore_mem>>) src(%dma_wait3A_53 : memref<80x128xi32, #tpu.memory_space<hbm>>) dst(%arg7 : memref<80x128xi32, #tpu.memory_space<vmem>>)
    %dma_wait3A_54 = arith.constant 0 : i32
    %dma_wait3A_55 = arith.constant 0 : i32
    %dma_wait3A_56 = arith.constant 0 : i32
    %dma_wait3A_57 = tpu.memref_slice %arg4[%dma_wait3A_54, %dma_wait3A_55, %dma_wait3A_56] : memref<32x80x128xi32, #tpu.memory_space<hbm>> -> memref<1x80x128xi32, #tpu.memory_space<hbm>>
    %dma_wait3A_58 = tpu.memref_squeeze %dma_wait3A_57 : memref<1x80x128xi32, #tpu.memory_space<hbm>> -> memref<80x128xi32, #tpu.memory_space<hbm>>
    %dma_wait3A_59 = arith.constant 0 : i32
    %dma_wait3A_60 = arith.constant 0 : i32
    %dma_wait3A_61 = tpu.memref_slice %arg4[%dma_wait3A_54, %dma_wait3A_59, %dma_wait3A_60] : memref<32x80x128xi32, #tpu.memory_space<hbm>> -> memref<1x80x128xi32, #tpu.memory_space<hbm>>
    %dma_wait3A_62 = tpu.memref_squeeze %dma_wait3A_61 : memref<1x80x128xi32, #tpu.memory_space<hbm>> -> memref<80x128xi32, #tpu.memory_space<hbm>>
    tpu.wait_dma2 semaphore(%arg20 : memref<!tpu.dma_semaphore, #tpu.memory_space<semaphore_mem>>) src(%dma_wait3A_62 : memref<80x128xi32, #tpu.memory_space<hbm>>) dst(%arg8 : memref<80x128xi32, #tpu.memory_space<vmem>>)
    %broadcast_in_dim3A_63 = arith.constant 1.000000e+00 : f32
    %broadcast_in_dim3A_64 = vector.broadcast %broadcast_in_dim3A_63 : f32 to vector<16xf32>
    %dma_start3A_65 = arith.constant 0 : i32
    %dma_start3A_66 = arith.constant 0 : i32
    %dma_start3A_67 = tpu.memref_slice %arg7[%dma_start3A_65, %dma_start3A_66] : memref<80x128xi32, #tpu.memory_space<vmem>> -> memref<1x128xi32, #tpu.memory_space<vmem>>
    %dma_start3A_68 = tpu.memref_squeeze %dma_start3A_67 : memref<1x128xi32, #tpu.memory_space<vmem>> -> memref<128xi32, #tpu.memory_space<vmem>>
    %dma_start3A_69 = arith.constant 0 : i32
    %dma_start3A_70 = arith.constant 0 : i32
    %dma_start3A_71 = tpu.memref_slice %arg2[%dma_start3A_69, %dma_start3A_70] : memref<10000x64xbf16, #tpu.memory_space<hbm>> -> memref<10000x64xbf16, #tpu.memory_space<hbm>>
    tpu.enqueue_indirect_dma source(%dma_start3A_71 : memref<10000x64xbf16, #tpu.memory_space<hbm>>) target(%arg9 : memref<128x64xbf16, #tpu.memory_space<vmem>>) offsets(%dma_start3A_68 : memref<128xi32, #tpu.memory_space<vmem>>) semaphore(%arg21 : memref<!tpu.dma_semaphore, #tpu.memory_space<semaphore_mem>>)
    %dma_start3A_72 = arith.constant 1 : i32
    %dma_start3A_73 = arith.constant 0 : i32
    %dma_start3A_74 = tpu.memref_slice %arg7[%dma_start3A_72, %dma_start3A_73] : memref<80x128xi32, #tpu.memory_space<vmem>> -> memref<1x128xi32, #tpu.memory_space<vmem>>
    %dma_start3A_75 = tpu.memref_squeeze %dma_start3A_74 : memref<1x128xi32, #tpu.memory_space<vmem>> -> memref<128xi32, #tpu.memory_space<vmem>>
    %dma_start3A_76 = arith.constant 0 : i32
    %dma_start3A_77 = arith.constant 0 : i32
    %dma_start3A_78 = tpu.memref_slice %arg2[%dma_start3A_76, %dma_start3A_77] : memref<10000x64xbf16, #tpu.memory_space<hbm>> -> memref<10000x64xbf16, #tpu.memory_space<hbm>>
    tpu.enqueue_indirect_dma source(%dma_start3A_78 : memref<10000x64xbf16, #tpu.memory_space<hbm>>) target(%arg10 : memref<128x64xbf16, #tpu.memory_space<vmem>>) offsets(%dma_start3A_75 : memref<128xi32, #tpu.memory_space<vmem>>) semaphore(%arg22 : memref<!tpu.dma_semaphore, #tpu.memory_space<semaphore_mem>>)
    %dma_start3A_79 = arith.constant 2 : i32
    %dma_start3A_80 = arith.constant 0 : i32
    %dma_start3A_81 = tpu.memref_slice %arg7[%dma_start3A_79, %dma_start3A_80] : memref<80x128xi32, #tpu.memory_space<vmem>> -> memref<1x128xi32, #tpu.memory_space<vmem>>
    %dma_start3A_82 = tpu.memref_squeeze %dma_start3A_81 : memref<1x128xi32, #tpu.memory_space<vmem>> -> memref<128xi32, #tpu.memory_space<vmem>>
    %dma_start3A_83 = arith.constant 0 : i32
    %dma_start3A_84 = arith.constant 0 : i32
    %dma_start3A_85 = tpu.memref_slice %arg2[%dma_start3A_83, %dma_start3A_84] : memref<10000x64xbf16, #tpu.memory_space<hbm>> -> memref<10000x64xbf16, #tpu.memory_space<hbm>>
    tpu.enqueue_indirect_dma source(%dma_start3A_85 : memref<10000x64xbf16, #tpu.memory_space<hbm>>) target(%arg11 : memref<128x64xbf16, #tpu.memory_space<vmem>>) offsets(%dma_start3A_82 : memref<128xi32, #tpu.memory_space<vmem>>) semaphore(%arg23 : memref<!tpu.dma_semaphore, #tpu.memory_space<semaphore_mem>>)
    %scan3A_86 = arith.constant 0 : i32
    %scan3A_87 = arith.constant 20 : i32
    %scan3A_88 = arith.addi %scan3A_86, %scan3A_87 : i32
    %scan3A_89 = arith.constant 1 : i32
    scf.for %scan3A_154 = %scan3A_86 to %scan3A_88 step %scan3A_89  : i32 {
      %mul3A_155 = arith.constant 4 : i32
      %mul3A_156 = arith.muli %scan3A_154, %mul3A_155 : i32
      %add3A_157 = arith.constant 0 : i32
      %add3A_158 = arith.addi %add3A_157, %mul3A_156 : i32
      %add3A_159 = arith.constant 0 : i32
      %add3A_160 = arith.addi %add3A_158, %add3A_159 : i32
      %dma_wait3A_161 = arith.constant 0 : i32
      %dma_wait3A_162 = arith.constant 0 : i32
      %dma_wait3A_163 = tpu.memref_slice %arg2[%dma_wait3A_161, %dma_wait3A_162] : memref<10000x64xbf16, #tpu.memory_space<hbm>> -> memref<128x64xbf16, #tpu.memory_space<hbm>>
      %dma_wait3A_164 = arith.constant 0 : i32
      %dma_wait3A_165 = arith.constant 0 : i32
      %dma_wait3A_166 = tpu.memref_slice %arg2[%dma_wait3A_164, %dma_wait3A_165] : memref<10000x64xbf16, #tpu.memory_space<hbm>> -> memref<128x64xbf16, #tpu.memory_space<hbm>>
      tpu.wait_dma2 semaphore(%arg21 : memref<!tpu.dma_semaphore, #tpu.memory_space<semaphore_mem>>) src(%dma_wait3A_166 : memref<128x64xbf16, #tpu.memory_space<hbm>>) dst(%arg9 : memref<128x64xbf16, #tpu.memory_space<vmem>>)
      %ge3A = arith.constant 4 : i32
      %ge3A_167 = arith.cmpi sge, %add3A_160, %ge3A : i32
      %convert_element_type3A = arith.extui %ge3A_167 : i1 to i32
      %cond3A = arith.constant 0 : i32
      %cond3A_168 = arith.cmpi ne, %convert_element_type3A, %cond3A : i32
      scf.if %cond3A_168 {
        %dma_wait3A_372 = arith.constant 0 : i32
        %dma_wait3A_373 = arith.constant 0 : i32
        %dma_wait3A_374 = arith.constant 0 : i32
        %dma_wait3A_375 = tpu.memref_slice %arg5[%dma_wait3A_372, %dma_wait3A_373, %dma_wait3A_374] : memref<2x10240x64xf32, #tpu.memory_space<hbm>> -> memref<1x10240x64xf32, #tpu.memory_space<hbm>>
        %dma_wait3A_376 = tpu.memref_squeeze %dma_wait3A_375 : memref<1x10240x64xf32, #tpu.memory_space<hbm>> -> memref<10240x64xf32, #tpu.memory_space<hbm>>
        %dma_wait3A_377 = arith.constant 0 : i32
        %dma_wait3A_378 = arith.constant 0 : i32
        %dma_wait3A_379 = tpu.memref_slice %dma_wait3A_376[%dma_wait3A_377, %dma_wait3A_378] : memref<10240x64xf32, #tpu.memory_space<hbm>> -> memref<128x64xf32, #tpu.memory_space<hbm>>
        %dma_wait3A_380 = arith.constant 0 : i32
        %dma_wait3A_381 = arith.constant 0 : i32
        %dma_wait3A_382 = tpu.memref_slice %arg5[%dma_wait3A_372, %dma_wait3A_380, %dma_wait3A_381] : memref<2x10240x64xf32, #tpu.memory_space<hbm>> -> memref<1x10240x64xf32, #tpu.memory_space<hbm>>
        %dma_wait3A_383 = tpu.memref_squeeze %dma_wait3A_382 : memref<1x10240x64xf32, #tpu.memory_space<hbm>> -> memref<10240x64xf32, #tpu.memory_space<hbm>>
        %dma_wait3A_384 = arith.constant 0 : i32
        %dma_wait3A_385 = arith.constant 0 : i32
        %dma_wait3A_386 = tpu.memref_slice %dma_wait3A_383[%dma_wait3A_384, %dma_wait3A_385] : memref<10240x64xf32, #tpu.memory_space<hbm>> -> memref<128x64xf32, #tpu.memory_space<hbm>>
        tpu.wait_dma2 semaphore(%arg25 : memref<!tpu.dma_semaphore, #tpu.memory_space<semaphore_mem>>) src(%dma_wait3A_386 : memref<128x64xf32, #tpu.memory_space<hbm>>) dst(%arg13 : memref<128x64xf32, #tpu.memory_space<vmem>>)
      } else {
      }
      %parallel_loop3A = arith.constant 0 : i32
      %parallel_loop3A_169 = arith.constant 128 : i32
      %parallel_loop3A_170 = arith.constant 1 : i32
      scf.for %parallel_loop3A_372 = %parallel_loop3A to %parallel_loop3A_169 step %parallel_loop3A_170  : i32 {
        %parallel_loop3A_373 = arith.index_cast %parallel_loop3A_372 : i32 to index
        %parallel_loop3A_374 = arith.constant 0 : index
        %parallel_loop3A_375 = tpu.vector_load %arg9[%parallel_loop3A_373, %parallel_loop3A_374] {strides = array<i32>} : memref<128x64xbf16, #tpu.memory_space<vmem>>, vector<32xbf16>,
        %parallel_loop3A_376 = tpu.unpack_subelements %parallel_loop3A_375, 0 {pack_format = #tpu.pack_format<interleaved>} : vector<32xbf16> -> vector<16xf32>
        %parallel_loop3A_377 = tpu.unpack_subelements %parallel_loop3A_375, 1 {pack_format = #tpu.pack_format<interleaved>} : vector<32xbf16> -> vector<16xf32>
        %parallel_loop3A_378 = arith.index_cast %parallel_loop3A_372 : i32 to index
        %parallel_loop3A_379 = arith.constant 0 : index
        %parallel_loop3A_380 = tpu.vector_load %arg13[%parallel_loop3A_378, %parallel_loop3A_379] {strides = array<i32>} : memref<128x64xf32, #tpu.memory_space<vmem>>, vector<16xf32>,
        tpu.vector_store %arg13[%parallel_loop3A_378, %parallel_loop3A_379], %parallel_loop3A_376 {strides = array<i32>} : memref<128x64xf32, #tpu.memory_space<vmem>>, vector<16xf32>,
        %parallel_loop3A_381 = arith.index_cast %parallel_loop3A_372 : i32 to index
        %parallel_loop3A_382 = arith.constant 16 : index
        %parallel_loop3A_383 = tpu.vector_load %arg13[%parallel_loop3A_381, %parallel_loop3A_382] {strides = array<i32>} : memref<128x64xf32, #tpu.memory_space<vmem>>, vector<16xf32>,
        tpu.vector_store %arg13[%parallel_loop3A_381, %parallel_loop3A_382], %parallel_loop3A_377 {strides = array<i32>} : memref<128x64xf32, #tpu.memory_space<vmem>>, vector<16xf32>,
        %parallel_loop3A_384 = arith.index_cast %parallel_loop3A_372 : i32 to index
        %parallel_loop3A_385 = arith.constant 32 : index
        %parallel_loop3A_386 = tpu.vector_load %arg9[%parallel_loop3A_384, %parallel_loop3A_385] {strides = array<i32>} : memref<128x64xbf16, #tpu.memory_space<vmem>>, vector<32xbf16>,
        %parallel_loop3A_387 = tpu.unpack_subelements %parallel_loop3A_386, 0 {pack_format = #tpu.pack_format<interleaved>} : vector<32xbf16> -> vector<16xf32>
        %parallel_loop3A_388 = tpu.unpack_subelements %parallel_loop3A_386, 1 {pack_format = #tpu.pack_format<interleaved>} : vector<32xbf16> -> vector<16xf32>
        %parallel_loop3A_389 = arith.index_cast %parallel_loop3A_372 : i32 to index
        %parallel_loop3A_390 = arith.constant 32 : index
        %parallel_loop3A_391 = tpu.vector_load %arg13[%parallel_loop3A_389, %parallel_loop3A_390] {strides = array<i32>} : memref<128x64xf32, #tpu.memory_space<vmem>>, vector<16xf32>,
        tpu.vector_store %arg13[%parallel_loop3A_389, %parallel_loop3A_390], %parallel_loop3A_387 {strides = array<i32>} : memref<128x64xf32, #tpu.memory_space<vmem>>, vector<16xf32>,
        %parallel_loop3A_392 = arith.index_cast %parallel_loop3A_372 : i32 to index
        %parallel_loop3A_393 = arith.constant 48 : index
        %parallel_loop3A_394 = tpu.vector_load %arg13[%parallel_loop3A_392, %parallel_loop3A_393] {strides = array<i32>} : memref<128x64xf32, #tpu.memory_space<vmem>>, vector<16xf32>,
        tpu.vector_store %arg13[%parallel_loop3A_392, %parallel_loop3A_393], %parallel_loop3A_388 {strides = array<i32>} : memref<128x64xf32, #tpu.memory_space<vmem>>, vector<16xf32>,
      } {sc.loop_unroll_factor = 4 : i64, sc.parallel_access}
      %dma_start3A_171 = arith.constant 0 : i32
      %dma_start3A_172 = tpu.memref_slice %arg8[%add3A_160, %dma_start3A_171] : memref<80x128xi32, #tpu.memory_space<vmem>> -> memref<1x128xi32, #tpu.memory_space<vmem>>
      %dma_start3A_173 = tpu.memref_squeeze %dma_start3A_172 : memref<1x128xi32, #tpu.memory_space<vmem>> -> memref<128xi32, #tpu.memory_space<vmem>>
      %dma_start3A_174 = arith.constant 0 : i32
      %dma_start3A_175 = arith.constant 0 : i32
      %dma_start3A_176 = tpu.memref_slice %arg19[%dma_start3A_174, %dma_start3A_175] : memref<10240x64xf32, #tpu.memory_space<vmem_shared>> -> memref<10240x64xf32, #tpu.memory_space<vmem_shared>>
      tpu.enqueue_indirect_dma source(%arg13 : memref<128x64xf32, #tpu.memory_space<vmem>>) target(%dma_start3A_176 : memref<10240x64xf32, #tpu.memory_space<vmem_shared>>) offsets(%dma_start3A_173 : memref<128xi32, #tpu.memory_space<vmem>>) semaphore(%arg25 : memref<!tpu.dma_semaphore, #tpu.memory_space<semaphore_mem>>) {add = true}
      %get3A = arith.index_cast %add3A_160 : i32 to index
      %get3A_177 = arith.constant 0 : index
      %get3A_178 = tpu.vector_load %arg8[%get3A, %get3A_177] {strides = array<i32>} : memref<80x128xi32, #tpu.memory_space<vmem>>, vector<16xi32>,
      tpu.vector_store_idx %arg17[%get3A_178], %broadcast_in_dim3A_64 {add = true} : memref<10240xf32, #tpu.memory_space<vmem>>[vector<16xi32>], vector<16xf32>,
      %get3A_179 = arith.index_cast %add3A_160 : i32 to index
      %get3A_180 = arith.constant 16 : index
      %get3A_181 = tpu.vector_load %arg8[%get3A_179, %get3A_180] {strides = array<i32>} : memref<80x128xi32, #tpu.memory_space<vmem>>, vector<16xi32>,
      tpu.vector_store_idx %arg17[%get3A_181], %broadcast_in_dim3A_64 {add = true} : memref<10240xf32, #tpu.memory_space<vmem>>[vector<16xi32>], vector<16xf32>,
      %get3A_182 = arith.index_cast %add3A_160 : i32 to index
      %get3A_183 = arith.constant 32 : index
      %get3A_184 = tpu.vector_load %arg8[%get3A_182, %get3A_183] {strides = array<i32>} : memref<80x128xi32, #tpu.memory_space<vmem>>, vector<16xi32>,
      tpu.vector_store_idx %arg17[%get3A_184], %broadcast_in_dim3A_64 {add = true} : memref<10240xf32, #tpu.memory_space<vmem>>[vector<16xi32>], vector<16xf32>,
      %get3A_185 = arith.index_cast %add3A_160 : i32 to index
      %get3A_186 = arith.constant 48 : index
      %get3A_187 = tpu.vector_load %arg8[%get3A_185, %get3A_186] {strides = array<i32>} : memref<80x128xi32, #tpu.memory_space<vmem>>, vector<16xi32>,
      tpu.vector_store_idx %arg17[%get3A_187], %broadcast_in_dim3A_64 {add = true} : memref<10240xf32, #tpu.memory_space<vmem>>[vector<16xi32>], vector<16xf32>,
      %get3A_188 = arith.index_cast %add3A_160 : i32 to index
      %get3A_189 = arith.constant 64 : index
      %get3A_190 = tpu.vector_load %arg8[%get3A_188, %get3A_189] {strides = array<i32>} : memref<80x128xi32, #tpu.memory_space<vmem>>, vector<16xi32>,
      tpu.vector_store_idx %arg17[%get3A_190], %broadcast_in_dim3A_64 {add = true} : memref<10240xf32, #tpu.memory_space<vmem>>[vector<16xi32>], vector<16xf32>,
      %get3A_191 = arith.index_cast %add3A_160 : i32 to index
      %get3A_192 = arith.constant 80 : index
      %get3A_193 = tpu.vector_load %arg8[%get3A_191, %get3A_192] {strides = array<i32>} : memref<80x128xi32, #tpu.memory_space<vmem>>, vector<16xi32>,
      tpu.vector_store_idx %arg17[%get3A_193], %broadcast_in_dim3A_64 {add = true} : memref<10240xf32, #tpu.memory_space<vmem>>[vector<16xi32>], vector<16xf32>,
      %get3A_194 = arith.index_cast %add3A_160 : i32 to index
      %get3A_195 = arith.constant 96 : index
      %get3A_196 = tpu.vector_load %arg8[%get3A_194, %get3A_195] {strides = array<i32>} : memref<80x128xi32, #tpu.memory_space<vmem>>, vector<16xi32>,
      tpu.vector_store_idx %arg17[%get3A_196], %broadcast_in_dim3A_64 {add = true} : memref<10240xf32, #tpu.memory_space<vmem>>[vector<16xi32>], vector<16xf32>,
      %get3A_197 = arith.index_cast %add3A_160 : i32 to index
      %get3A_198 = arith.constant 112 : index
      %get3A_199 = tpu.vector_load %arg8[%get3A_197, %get3A_198] {strides = array<i32>} : memref<80x128xi32, #tpu.memory_space<vmem>>, vector<16xi32>,
      tpu.vector_store_idx %arg17[%get3A_199], %broadcast_in_dim3A_64 {add = true} : memref<10240xf32, #tpu.memory_space<vmem>>[vector<16xi32>], vector<16xf32>,
      %add3A_200 = arith.constant 4 : i32
      %add3A_201 = arith.addi %add3A_160, %add3A_200 : i32
      %sub3A = arith.constant 1 : i32
      %sub3A_202 = arith.subi %add3A_201, %sub3A : i32
      %lt3A = arith.constant 80 : i32
      %lt3A_203 = arith.cmpi slt, %sub3A_202, %lt3A : i32
      %convert_element_type3A_204 = arith.extui %lt3A_203 : i1 to i32
      %cond3A_205 = arith.constant 0 : i32
      %cond3A_206 = arith.cmpi ne, %convert_element_type3A_204, %cond3A_205 : i32
      scf.if %cond3A_206 {
        %add3A_372 = arith.constant 4 : i32
        %add3A_373 = arith.addi %add3A_160, %add3A_372 : i32
        %sub3A_374 = arith.constant 1 : i32
        %sub3A_375 = arith.subi %add3A_373, %sub3A_374 : i32
        %dma_start3A_376 = arith.constant 0 : i32
        %dma_start3A_377 = tpu.memref_slice %arg7[%sub3A_375, %dma_start3A_376] : memref<80x128xi32, #tpu.memory_space<vmem>> -> memref<1x128xi32, #tpu.memory_space<vmem>>
        %dma_start3A_378 = tpu.memref_squeeze %dma_start3A_377 : memref<1x128xi32, #tpu.memory_space<vmem>> -> memref<128xi32, #tpu.memory_space<vmem>>
        %dma_start3A_379 = arith.constant 0 : i32
        %dma_start3A_380 = arith.constant 0 : i32
        %dma_start3A_381 = tpu.memref_slice %arg2[%dma_start3A_379, %dma_start3A_380] : memref<10000x64xbf16, #tpu.memory_space<hbm>> -> memref<10000x64xbf16, #tpu.memory_space<hbm>>
        tpu.enqueue_indirect_dma source(%dma_start3A_381 : memref<10000x64xbf16, #tpu.memory_space<hbm>>) target(%arg12 : memref<128x64xbf16, #tpu.memory_space<vmem>>) offsets(%dma_start3A_378 : memref<128xi32, #tpu.memory_space<vmem>>) semaphore(%arg24 : memref<!tpu.dma_semaphore, #tpu.memory_space<semaphore_mem>>)
      } else {
      }
      %add3A_207 = arith.constant 1 : i32
      %add3A_208 = arith.addi %add3A_158, %add3A_207 : i32
      %dma_wait3A_209 = arith.constant 0 : i32
      %dma_wait3A_210 = arith.constant 0 : i32
      %dma_wait3A_211 = tpu.memref_slice %arg2[%dma_wait3A_209, %dma_wait3A_210] : memref<10000x64xbf16, #tpu.memory_space<hbm>> -> memref<128x64xbf16, #tpu.memory_space<hbm>>
      %dma_wait3A_212 = arith.constant 0 : i32
      %dma_wait3A_213 = arith.constant 0 : i32
      %dma_wait3A_214 = tpu.memref_slice %arg2[%dma_wait3A_212, %dma_wait3A_213] : memref<10000x64xbf16, #tpu.memory_space<hbm>> -> memref<128x64xbf16, #tpu.memory_space<hbm>>
      tpu.wait_dma2 semaphore(%arg22 : memref<!tpu.dma_semaphore, #tpu.memory_space<semaphore_mem>>) src(%dma_wait3A_214 : memref<128x64xbf16, #tpu.memory_space<hbm>>) dst(%arg10 : memref<128x64xbf16, #tpu.memory_space<vmem>>)
      %ge3A_215 = arith.constant 4 : i32
      %ge3A_216 = arith.cmpi sge, %add3A_208, %ge3A_215 : i32
      %convert_element_type3A_217 = arith.extui %ge3A_216 : i1 to i32
      %cond3A_218 = arith.constant 0 : i32
      %cond3A_219 = arith.cmpi ne, %convert_element_type3A_217, %cond3A_218 : i32
      scf.if %cond3A_219 {
        %dma_wait3A_372 = arith.constant 0 : i32
        %dma_wait3A_373 = arith.constant 0 : i32
        %dma_wait3A_374 = arith.constant 0 : i32
        %dma_wait3A_375 = tpu.memref_slice %arg5[%dma_wait3A_372, %dma_wait3A_373, %dma_wait3A_374] : memref<2x10240x64xf32, #tpu.memory_space<hbm>> -> memref<1x10240x64xf32, #tpu.memory_space<hbm>>
        %dma_wait3A_376 = tpu.memref_squeeze %dma_wait3A_375 : memref<1x10240x64xf32, #tpu.memory_space<hbm>> -> memref<10240x64xf32, #tpu.memory_space<hbm>>
        %dma_wait3A_377 = arith.constant 0 : i32
        %dma_wait3A_378 = arith.constant 0 : i32
        %dma_wait3A_379 = tpu.memref_slice %dma_wait3A_376[%dma_wait3A_377, %dma_wait3A_378] : memref<10240x64xf32, #tpu.memory_space<hbm>> -> memref<128x64xf32, #tpu.memory_space<hbm>>
        %dma_wait3A_380 = arith.constant 0 : i32
        %dma_wait3A_381 = arith.constant 0 : i32
        %dma_wait3A_382 = tpu.memref_slice %arg5[%dma_wait3A_372, %dma_wait3A_380, %dma_wait3A_381] : memref<2x10240x64xf32, #tpu.memory_space<hbm>> -> memref<1x10240x64xf32, #tpu.memory_space<hbm>>
        %dma_wait3A_383 = tpu.memref_squeeze %dma_wait3A_382 : memref<1x10240x64xf32, #tpu.memory_space<hbm>> -> memref<10240x64xf32, #tpu.memory_space<hbm>>
        %dma_wait3A_384 = arith.constant 0 : i32
        %dma_wait3A_385 = arith.constant 0 : i32
        %dma_wait3A_386 = tpu.memref_slice %dma_wait3A_383[%dma_wait3A_384, %dma_wait3A_385] : memref<10240x64xf32, #tpu.memory_space<hbm>> -> memref<128x64xf32, #tpu.memory_space<hbm>>
        tpu.wait_dma2 semaphore(%arg26 : memref<!tpu.dma_semaphore, #tpu.memory_space<semaphore_mem>>) src(%dma_wait3A_386 : memref<128x64xf32, #tpu.memory_space<hbm>>) dst(%arg14 : memref<128x64xf32, #tpu.memory_space<vmem>>)
      } else {
      }
      %parallel_loop3A_220 = arith.constant 0 : i32
      %parallel_loop3A_221 = arith.constant 128 : i32
      %parallel_loop3A_222 = arith.constant 1 : i32
      scf.for %parallel_loop3A_372 = %parallel_loop3A_220 to %parallel_loop3A_221 step %parallel_loop3A_222  : i32 {
        %parallel_loop3A_373 = arith.index_cast %parallel_loop3A_372 : i32 to index
        %parallel_loop3A_374 = arith.constant 0 : index
        %parallel_loop3A_375 = tpu.vector_load %arg10[%parallel_loop3A_373, %parallel_loop3A_374] {strides = array<i32>} : memref<128x64xbf16, #tpu.memory_space<vmem>>, vector<32xbf16>,
        %parallel_loop3A_376 = tpu.unpack_subelements %parallel_loop3A_375, 0 {pack_format = #tpu.pack_format<interleaved>} : vector<32xbf16> -> vector<16xf32>
        %parallel_loop3A_377 = tpu.unpack_subelements %parallel_loop3A_375, 1 {pack_format = #tpu.pack_format<interleaved>} : vector<32xbf16> -> vector<16xf32>
        %parallel_loop3A_378 = arith.index_cast %parallel_loop3A_372 : i32 to index
        %parallel_loop3A_379 = arith.constant 0 : index
        %parallel_loop3A_380 = tpu.vector_load %arg14[%parallel_loop3A_378, %parallel_loop3A_379] {strides = array<i32>} : memref<128x64xf32, #tpu.memory_space<vmem>>, vector<16xf32>,
        tpu.vector_store %arg14[%parallel_loop3A_378, %parallel_loop3A_379], %parallel_loop3A_376 {strides = array<i32>} : memref<128x64xf32, #tpu.memory_space<vmem>>, vector<16xf32>,
        %parallel_loop3A_381 = arith.index_cast %parallel_loop3A_372 : i32 to index
        %parallel_loop3A_382 = arith.constant 16 : index
        %parallel_loop3A_383 = tpu.vector_load %arg14[%parallel_loop3A_381, %parallel_loop3A_382] {strides = array<i32>} : memref<128x64xf32, #tpu.memory_space<vmem>>, vector<16xf32>,
        tpu.vector_store %arg14[%parallel_loop3A_381, %parallel_loop3A_382], %parallel_loop3A_377 {strides = array<i32>} : memref<128x64xf32, #tpu.memory_space<vmem>>, vector<16xf32>,
        %parallel_loop3A_384 = arith.index_cast %parallel_loop3A_372 : i32 to index
        %parallel_loop3A_385 = arith.constant 32 : index
        %parallel_loop3A_386 = tpu.vector_load %arg10[%parallel_loop3A_384, %parallel_loop3A_385] {strides = array<i32>} : memref<128x64xbf16, #tpu.memory_space<vmem>>, vector<32xbf16>,
        %parallel_loop3A_387 = tpu.unpack_subelements %parallel_loop3A_386, 0 {pack_format = #tpu.pack_format<interleaved>} : vector<32xbf16> -> vector<16xf32>
        %parallel_loop3A_388 = tpu.unpack_subelements %parallel_loop3A_386, 1 {pack_format = #tpu.pack_format<interleaved>} : vector<32xbf16> -> vector<16xf32>
        %parallel_loop3A_389 = arith.index_cast %parallel_loop3A_372 : i32 to index
        %parallel_loop3A_390 = arith.constant 32 : index
        %parallel_loop3A_391 = tpu.vector_load %arg14[%parallel_loop3A_389, %parallel_loop3A_390] {strides = array<i32>} : memref<128x64xf32, #tpu.memory_space<vmem>>, vector<16xf32>,
        tpu.vector_store %arg14[%parallel_loop3A_389, %parallel_loop3A_390], %parallel_loop3A_387 {strides = array<i32>} : memref<128x64xf32, #tpu.memory_space<vmem>>, vector<16xf32>,
        %parallel_loop3A_392 = arith.index_cast %parallel_loop3A_372 : i32 to index
        %parallel_loop3A_393 = arith.constant 48 : index
        %parallel_loop3A_394 = tpu.vector_load %arg14[%parallel_loop3A_392, %parallel_loop3A_393] {strides = array<i32>} : memref<128x64xf32, #tpu.memory_space<vmem>>, vector<16xf32>,
        tpu.vector_store %arg14[%parallel_loop3A_392, %parallel_loop3A_393], %parallel_loop3A_388 {strides = array<i32>} : memref<128x64xf32, #tpu.memory_space<vmem>>, vector<16xf32>,
      } {sc.loop_unroll_factor = 4 : i64, sc.parallel_access}
      %dma_start3A_223 = arith.constant 0 : i32
      %dma_start3A_224 = tpu.memref_slice %arg8[%add3A_208, %dma_start3A_223] : memref<80x128xi32, #tpu.memory_space<vmem>> -> memref<1x128xi32, #tpu.memory_space<vmem>>
      %dma_start3A_225 = tpu.memref_squeeze %dma_start3A_224 : memref<1x128xi32, #tpu.memory_space<vmem>> -> memref<128xi32, #tpu.memory_space<vmem>>
      %dma_start3A_226 = arith.constant 0 : i32
      %dma_start3A_227 = arith.constant 0 : i32
      %dma_start3A_228 = tpu.memref_slice %arg19[%dma_start3A_226, %dma_start3A_227] : memref<10240x64xf32, #tpu.memory_space<vmem_shared>> -> memref<10240x64xf32, #tpu.memory_space<vmem_shared>>
      tpu.enqueue_indirect_dma source(%arg14 : memref<128x64xf32, #tpu.memory_space<vmem>>) target(%dma_start3A_228 : memref<10240x64xf32, #tpu.memory_space<vmem_shared>>) offsets(%dma_start3A_225 : memref<128xi32, #tpu.memory_space<vmem>>) semaphore(%arg26 : memref<!tpu.dma_semaphore, #tpu.memory_space<semaphore_mem>>) {add = true}
      %get3A_229 = arith.index_cast %add3A_208 : i32 to index
      %get3A_230 = arith.constant 0 : index
      %get3A_231 = tpu.vector_load %arg8[%get3A_229, %get3A_230] {strides = array<i32>} : memref<80x128xi32, #tpu.memory_space<vmem>>, vector<16xi32>,
      tpu.vector_store_idx %arg17[%get3A_231], %broadcast_in_dim3A_64 {add = true} : memref<10240xf32, #tpu.memory_space<vmem>>[vector<16xi32>], vector<16xf32>,
      %get3A_232 = arith.index_cast %add3A_208 : i32 to index
      %get3A_233 = arith.constant 16 : index
      %get3A_234 = tpu.vector_load %arg8[%get3A_232, %get3A_233] {strides = array<i32>} : memref<80x128xi32, #tpu.memory_space<vmem>>, vector<16xi32>,
      tpu.vector_store_idx %arg17[%get3A_234], %broadcast_in_dim3A_64 {add = true} : memref<10240xf32, #tpu.memory_space<vmem>>[vector<16xi32>], vector<16xf32>,
      %get3A_235 = arith.index_cast %add3A_208 : i32 to index
      %get3A_236 = arith.constant 32 : index
      %get3A_237 = tpu.vector_load %arg8[%get3A_235, %get3A_236] {strides = array<i32>} : memref<80x128xi32, #tpu.memory_space<vmem>>, vector<16xi32>,
      tpu.vector_store_idx %arg17[%get3A_237], %broadcast_in_dim3A_64 {add = true} : memref<10240xf32, #tpu.memory_space<vmem>>[vector<16xi32>], vector<16xf32>,
      %get3A_238 = arith.index_cast %add3A_208 : i32 to index
      %get3A_239 = arith.constant 48 : index
      %get3A_240 = tpu.vector_load %arg8[%get3A_238, %get3A_239] {strides = array<i32>} : memref<80x128xi32, #tpu.memory_space<vmem>>, vector<16xi32>,
      tpu.vector_store_idx %arg17[%get3A_240], %broadcast_in_dim3A_64 {add = true} : memref<10240xf32, #tpu.memory_space<vmem>>[vector<16xi32>], vector<16xf32>,
      %get3A_241 = arith.index_cast %add3A_208 : i32 to index
      %get3A_242 = arith.constant 64 : index
      %get3A_243 = tpu.vector_load %arg8[%get3A_241, %get3A_242] {strides = array<i32>} : memref<80x128xi32, #tpu.memory_space<vmem>>, vector<16xi32>,
      tpu.vector_store_idx %arg17[%get3A_243], %broadcast_in_dim3A_64 {add = true} : memref<10240xf32, #tpu.memory_space<vmem>>[vector<16xi32>], vector<16xf32>,
      %get3A_244 = arith.index_cast %add3A_208 : i32 to index
      %get3A_245 = arith.constant 80 : index
      %get3A_246 = tpu.vector_load %arg8[%get3A_244, %get3A_245] {strides = array<i32>} : memref<80x128xi32, #tpu.memory_space<vmem>>, vector<16xi32>,
      tpu.vector_store_idx %arg17[%get3A_246], %broadcast_in_dim3A_64 {add = true} : memref<10240xf32, #tpu.memory_space<vmem>>[vector<16xi32>], vector<16xf32>,
      %get3A_247 = arith.index_cast %add3A_208 : i32 to index
      %get3A_248 = arith.constant 96 : index
      %get3A_249 = tpu.vector_load %arg8[%get3A_247, %get3A_248] {strides = array<i32>} : memref<80x128xi32, #tpu.memory_space<vmem>>, vector<16xi32>,
      tpu.vector_store_idx %arg17[%get3A_249], %broadcast_in_dim3A_64 {add = true} : memref<10240xf32, #tpu.memory_space<vmem>>[vector<16xi32>], vector<16xf32>,
      %get3A_250 = arith.index_cast %add3A_208 : i32 to index
      %get3A_251 = arith.constant 112 : index
      %get3A_252 = tpu.vector_load %arg8[%get3A_250, %get3A_251] {strides = array<i32>} : memref<80x128xi32, #tpu.memory_space<vmem>>, vector<16xi32>,
      tpu.vector_store_idx %arg17[%get3A_252], %broadcast_in_dim3A_64 {add = true} : memref<10240xf32, #tpu.memory_space<vmem>>[vector<16xi32>], vector<16xf32>,
      %add3A_253 = arith.constant 4 : i32
      %add3A_254 = arith.addi %add3A_208, %add3A_253 : i32
      %sub3A_255 = arith.constant 1 : i32
      %sub3A_256 = arith.subi %add3A_254, %sub3A_255 : i32
      %lt3A_257 = arith.constant 80 : i32
      %lt3A_258 = arith.cmpi slt, %sub3A_256, %lt3A_257 : i32
      %convert_element_type3A_259 = arith.extui %lt3A_258 : i1 to i32
      %cond3A_260 = arith.constant 0 : i32
      %cond3A_261 = arith.cmpi ne, %convert_element_type3A_259, %cond3A_260 : i32
      scf.if %cond3A_261 {
        %add3A_372 = arith.constant 4 : i32
        %add3A_373 = arith.addi %add3A_208, %add3A_372 : i32
        %sub3A_374 = arith.constant 1 : i32
        %sub3A_375 = arith.subi %add3A_373, %sub3A_374 : i32
        %dma_start3A_376 = arith.constant 0 : i32
        %dma_start3A_377 = tpu.memref_slice %arg7[%sub3A_375, %dma_start3A_376] : memref<80x128xi32, #tpu.memory_space<vmem>> -> memref<1x128xi32, #tpu.memory_space<vmem>>
        %dma_start3A_378 = tpu.memref_squeeze %dma_start3A_377 : memref<1x128xi32, #tpu.memory_space<vmem>> -> memref<128xi32, #tpu.memory_space<vmem>>
        %dma_start3A_379 = arith.constant 0 : i32
        %dma_start3A_380 = arith.constant 0 : i32
        %dma_start3A_381 = tpu.memref_slice %arg2[%dma_start3A_379, %dma_start3A_380] : memref<10000x64xbf16, #tpu.memory_space<hbm>> -> memref<10000x64xbf16, #tpu.memory_space<hbm>>
        tpu.enqueue_indirect_dma source(%dma_start3A_381 : memref<10000x64xbf16, #tpu.memory_space<hbm>>) target(%arg9 : memref<128x64xbf16, #tpu.memory_space<vmem>>) offsets(%dma_start3A_378 : memref<128xi32, #tpu.memory_space<vmem>>) semaphore(%arg21 : memref<!tpu.dma_semaphore, #tpu.memory_space<semaphore_mem>>)
      } else {
      }
      %add3A_262 = arith.constant 2 : i32
      %add3A_263 = arith.addi %add3A_158, %add3A_262 : i32
      %dma_wait3A_264 = arith.constant 0 : i32
      %dma_wait3A_265 = arith.constant 0 : i32
      %dma_wait3A_266 = tpu.memref_slice %arg2[%dma_wait3A_264, %dma_wait3A_265] : memref<10000x64xbf16, #tpu.memory_space<hbm>> -> memref<128x64xbf16, #tpu.memory_space<hbm>>
      %dma_wait3A_267 = arith.constant 0 : i32
      %dma_wait3A_268 = arith.constant 0 : i32
      %dma_wait3A_269 = tpu.memref_slice %arg2[%dma_wait3A_267, %dma_wait3A_268] : memref<10000x64xbf16, #tpu.memory_space<hbm>> -> memref<128x64xbf16, #tpu.memory_space<hbm>>
      tpu.wait_dma2 semaphore(%arg23 : memref<!tpu.dma_semaphore, #tpu.memory_space<semaphore_mem>>) src(%dma_wait3A_269 : memref<128x64xbf16, #tpu.memory_space<hbm>>) dst(%arg11 : memref<128x64xbf16, #tpu.memory_space<vmem>>)
      %ge3A_270 = arith.constant 4 : i32
      %ge3A_271 = arith.cmpi sge, %add3A_263, %ge3A_270 : i32
      %convert_element_type3A_272 = arith.extui %ge3A_271 : i1 to i32
      %cond3A_273 = arith.constant 0 : i32
      %cond3A_274 = arith.cmpi ne, %convert_element_type3A_272, %cond3A_273 : i32
      scf.if %cond3A_274 {
        %dma_wait3A_372 = arith.constant 0 : i32
        %dma_wait3A_373 = arith.constant 0 : i32
        %dma_wait3A_374 = arith.constant 0 : i32
        %dma_wait3A_375 = tpu.memref_slice %arg5[%dma_wait3A_372, %dma_wait3A_373, %dma_wait3A_374] : memref<2x10240x64xf32, #tpu.memory_space<hbm>> -> memref<1x10240x64xf32, #tpu.memory_space<hbm>>
        %dma_wait3A_376 = tpu.memref_squeeze %dma_wait3A_375 : memref<1x10240x64xf32, #tpu.memory_space<hbm>> -> memref<10240x64xf32, #tpu.memory_space<hbm>>
        %dma_wait3A_377 = arith.constant 0 : i32
        %dma_wait3A_378 = arith.constant 0 : i32
        %dma_wait3A_379 = tpu.memref_slice %dma_wait3A_376[%dma_wait3A_377, %dma_wait3A_378] : memref<10240x64xf32, #tpu.memory_space<hbm>> -> memref<128x64xf32, #tpu.memory_space<hbm>>
        %dma_wait3A_380 = arith.constant 0 : i32
        %dma_wait3A_381 = arith.constant 0 : i32
        %dma_wait3A_382 = tpu.memref_slice %arg5[%dma_wait3A_372, %dma_wait3A_380, %dma_wait3A_381] : memref<2x10240x64xf32, #tpu.memory_space<hbm>> -> memref<1x10240x64xf32, #tpu.memory_space<hbm>>
        %dma_wait3A_383 = tpu.memref_squeeze %dma_wait3A_382 : memref<1x10240x64xf32, #tpu.memory_space<hbm>> -> memref<10240x64xf32, #tpu.memory_space<hbm>>
        %dma_wait3A_384 = arith.constant 0 : i32
        %dma_wait3A_385 = arith.constant 0 : i32
        %dma_wait3A_386 = tpu.memref_slice %dma_wait3A_383[%dma_wait3A_384, %dma_wait3A_385] : memref<10240x64xf32, #tpu.memory_space<hbm>> -> memref<128x64xf32, #tpu.memory_space<hbm>>
        tpu.wait_dma2 semaphore(%arg27 : memref<!tpu.dma_semaphore, #tpu.memory_space<semaphore_mem>>) src(%dma_wait3A_386 : memref<128x64xf32, #tpu.memory_space<hbm>>) dst(%arg15 : memref<128x64xf32, #tpu.memory_space<vmem>>)
      } else {
      }
      %parallel_loop3A_275 = arith.constant 0 : i32
      %parallel_loop3A_276 = arith.constant 128 : i32
      %parallel_loop3A_277 = arith.constant 1 : i32
      scf.for %parallel_loop3A_372 = %parallel_loop3A_275 to %parallel_loop3A_276 step %parallel_loop3A_277  : i32 {
        %parallel_loop3A_373 = arith.index_cast %parallel_loop3A_372 : i32 to index
        %parallel_loop3A_374 = arith.constant 0 : index
        %parallel_loop3A_375 = tpu.vector_load %arg11[%parallel_loop3A_373, %parallel_loop3A_374] {strides = array<i32>} : memref<128x64xbf16, #tpu.memory_space<vmem>>, vector<32xbf16>,
        %parallel_loop3A_376 = tpu.unpack_subelements %parallel_loop3A_375, 0 {pack_format = #tpu.pack_format<interleaved>} : vector<32xbf16> -> vector<16xf32>
        %parallel_loop3A_377 = tpu.unpack_subelements %parallel_loop3A_375, 1 {pack_format = #tpu.pack_format<interleaved>} : vector<32xbf16> -> vector<16xf32>
        %parallel_loop3A_378 = arith.index_cast %parallel_loop3A_372 : i32 to index
        %parallel_loop3A_379 = arith.constant 0 : index
        %parallel_loop3A_380 = tpu.vector_load %arg15[%parallel_loop3A_378, %parallel_loop3A_379] {strides = array<i32>} : memref<128x64xf32, #tpu.memory_space<vmem>>, vector<16xf32>,
        tpu.vector_store %arg15[%parallel_loop3A_378, %parallel_loop3A_379], %parallel_loop3A_376 {strides = array<i32>} : memref<128x64xf32, #tpu.memory_space<vmem>>, vector<16xf32>,
        %parallel_loop3A_381 = arith.index_cast %parallel_loop3A_372 : i32 to index
        %parallel_loop3A_382 = arith.constant 16 : index
        %parallel_loop3A_383 = tpu.vector_load %arg15[%parallel_loop3A_381, %parallel_loop3A_382] {strides = array<i32>} : memref<128x64xf32, #tpu.memory_space<vmem>>, vector<16xf32>,
        tpu.vector_store %arg15[%parallel_loop3A_381, %parallel_loop3A_382], %parallel_loop3A_377 {strides = array<i32>} : memref<128x64xf32, #tpu.memory_space<vmem>>, vector<16xf32>,
        %parallel_loop3A_384 = arith.index_cast %parallel_loop3A_372 : i32 to index
        %parallel_loop3A_385 = arith.constant 32 : index
        %parallel_loop3A_386 = tpu.vector_load %arg11[%parallel_loop3A_384, %parallel_loop3A_385] {strides = array<i32>} : memref<128x64xbf16, #tpu.memory_space<vmem>>, vector<32xbf16>,
        %parallel_loop3A_387 = tpu.unpack_subelements %parallel_loop3A_386, 0 {pack_format = #tpu.pack_format<interleaved>} : vector<32xbf16> -> vector<16xf32>
        %parallel_loop3A_388 = tpu.unpack_subelements %parallel_loop3A_386, 1 {pack_format = #tpu.pack_format<interleaved>} : vector<32xbf16> -> vector<16xf32>
        %parallel_loop3A_389 = arith.index_cast %parallel_loop3A_372 : i32 to index
        %parallel_loop3A_390 = arith.constant 32 : index
        %parallel_loop3A_391 = tpu.vector_load %arg15[%parallel_loop3A_389, %parallel_loop3A_390] {strides = array<i32>} : memref<128x64xf32, #tpu.memory_space<vmem>>, vector<16xf32>,
        tpu.vector_store %arg15[%parallel_loop3A_389, %parallel_loop3A_390], %parallel_loop3A_387 {strides = array<i32>} : memref<128x64xf32, #tpu.memory_space<vmem>>, vector<16xf32>,
        %parallel_loop3A_392 = arith.index_cast %parallel_loop3A_372 : i32 to index
        %parallel_loop3A_393 = arith.constant 48 : index
        %parallel_loop3A_394 = tpu.vector_load %arg15[%parallel_loop3A_392, %parallel_loop3A_393] {strides = array<i32>} : memref<128x64xf32, #tpu.memory_space<vmem>>, vector<16xf32>,
        tpu.vector_store %arg15[%parallel_loop3A_392, %parallel_loop3A_393], %parallel_loop3A_388 {strides = array<i32>} : memref<128x64xf32, #tpu.memory_space<vmem>>, vector<16xf32>,
      } {sc.loop_unroll_factor = 4 : i64, sc.parallel_access}
      %dma_start3A_278 = arith.constant 0 : i32
      %dma_start3A_279 = tpu.memref_slice %arg8[%add3A_263, %dma_start3A_278] : memref<80x128xi32, #tpu.memory_space<vmem>> -> memref<1x128xi32, #tpu.memory_space<vmem>>
      %dma_start3A_280 = tpu.memref_squeeze %dma_start3A_279 : memref<1x128xi32, #tpu.memory_space<vmem>> -> memref<128xi32, #tpu.memory_space<vmem>>
      %dma_start3A_281 = arith.constant 0 : i32
      %dma_start3A_282 = arith.constant 0 : i32
      %dma_start3A_283 = tpu.memref_slice %arg19[%dma_start3A_281, %dma_start3A_282] : memref<10240x64xf32, #tpu.memory_space<vmem_shared>> -> memref<10240x64xf32, #tpu.memory_space<vmem_shared>>
      tpu.enqueue_indirect_dma source(%arg15 : memref<128x64xf32, #tpu.memory_space<vmem>>) target(%dma_start3A_283 : memref<10240x64xf32, #tpu.memory_space<vmem_shared>>) offsets(%dma_start3A_280 : memref<128xi32, #tpu.memory_space<vmem>>) semaphore(%arg27 : memref<!tpu.dma_semaphore, #tpu.memory_space<semaphore_mem>>) {add = true}
      %get3A_284 = arith.index_cast %add3A_263 : i32 to index
      %get3A_285 = arith.constant 0 : index
      %get3A_286 = tpu.vector_load %arg8[%get3A_284, %get3A_285] {strides = array<i32>} : memref<80x128xi32, #tpu.memory_space<vmem>>, vector<16xi32>,
      tpu.vector_store_idx %arg17[%get3A_286], %broadcast_in_dim3A_64 {add = true} : memref<10240xf32, #tpu.memory_space<vmem>>[vector<16xi32>], vector<16xf32>,
      %get3A_287 = arith.index_cast %add3A_263 : i32 to index
      %get3A_288 = arith.constant 16 : index
      %get3A_289 = tpu.vector_load %arg8[%get3A_287, %get3A_288] {strides = array<i32>} : memref<80x128xi32, #tpu.memory_space<vmem>>, vector<16xi32>,
      tpu.vector_store_idx %arg17[%get3A_289], %broadcast_in_dim3A_64 {add = true} : memref<10240xf32, #tpu.memory_space<vmem>>[vector<16xi32>], vector<16xf32>,
      %get3A_290 = arith.index_cast %add3A_263 : i32 to index
      %get3A_291 = arith.constant 32 : index
      %get3A_292 = tpu.vector_load %arg8[%get3A_290, %get3A_291] {strides = array<i32>} : memref<80x128xi32, #tpu.memory_space<vmem>>, vector<16xi32>,
      tpu.vector_store_idx %arg17[%get3A_292], %broadcast_in_dim3A_64 {add = true} : memref<10240xf32, #tpu.memory_space<vmem>>[vector<16xi32>], vector<16xf32>,
      %get3A_293 = arith.index_cast %add3A_263 : i32 to index
      %get3A_294 = arith.constant 48 : index
      %get3A_295 = tpu.vector_load %arg8[%get3A_293, %get3A_294] {strides = array<i32>} : memref<80x128xi32, #tpu.memory_space<vmem>>, vector<16xi32>,
      tpu.vector_store_idx %arg17[%get3A_295], %broadcast_in_dim3A_64 {add = true} : memref<10240xf32, #tpu.memory_space<vmem>>[vector<16xi32>], vector<16xf32>,
      %get3A_296 = arith.index_cast %add3A_263 : i32 to index
      %get3A_297 = arith.constant 64 : index
      %get3A_298 = tpu.vector_load %arg8[%get3A_296, %get3A_297] {strides = array<i32>} : memref<80x128xi32, #tpu.memory_space<vmem>>, vector<16xi32>,
      tpu.vector_store_idx %arg17[%get3A_298], %broadcast_in_dim3A_64 {add = true} : memref<10240xf32, #tpu.memory_space<vmem>>[vector<16xi32>], vector<16xf32>,
      %get3A_299 = arith.index_cast %add3A_263 : i32 to index
      %get3A_300 = arith.constant 80 : index
      %get3A_301 = tpu.vector_load %arg8[%get3A_299, %get3A_300] {strides = array<i32>} : memref<80x128xi32, #tpu.memory_space<vmem>>, vector<16xi32>,
      tpu.vector_store_idx %arg17[%get3A_301], %broadcast_in_dim3A_64 {add = true} : memref<10240xf32, #tpu.memory_space<vmem>>[vector<16xi32>], vector<16xf32>,
      %get3A_302 = arith.index_cast %add3A_263 : i32 to index
      %get3A_303 = arith.constant 96 : index
      %get3A_304 = tpu.vector_load %arg8[%get3A_302, %get3A_303] {strides = array<i32>} : memref<80x128xi32, #tpu.memory_space<vmem>>, vector<16xi32>,
      tpu.vector_store_idx %arg17[%get3A_304], %broadcast_in_dim3A_64 {add = true} : memref<10240xf32, #tpu.memory_space<vmem>>[vector<16xi32>], vector<16xf32>,
      %get3A_305 = arith.index_cast %add3A_263 : i32 to index
      %get3A_306 = arith.constant 112 : index
      %get3A_307 = tpu.vector_load %arg8[%get3A_305, %get3A_306] {strides = array<i32>} : memref<80x128xi32, #tpu.memory_space<vmem>>, vector<16xi32>,
      tpu.vector_store_idx %arg17[%get3A_307], %broadcast_in_dim3A_64 {add = true} : memref<10240xf32, #tpu.memory_space<vmem>>[vector<16xi32>], vector<16xf32>,
      %add3A_308 = arith.constant 4 : i32
      %add3A_309 = arith.addi %add3A_263, %add3A_308 : i32
      %sub3A_310 = arith.constant 1 : i32
      %sub3A_311 = arith.subi %add3A_309, %sub3A_310 : i32
      %lt3A_312 = arith.constant 80 : i32
      %lt3A_313 = arith.cmpi slt, %sub3A_311, %lt3A_312 : i32
      %convert_element_type3A_314 = arith.extui %lt3A_313 : i1 to i32
      %cond3A_315 = arith.constant 0 : i32
      %cond3A_316 = arith.cmpi ne, %convert_element_type3A_314, %cond3A_315 : i32
      scf.if %cond3A_316 {
        %add3A_372 = arith.constant 4 : i32
        %add3A_373 = arith.addi %add3A_263, %add3A_372 : i32
        %sub3A_374 = arith.constant 1 : i32
        %sub3A_375 = arith.subi %add3A_373, %sub3A_374 : i32
        %dma_start3A_376 = arith.constant 0 : i32
        %dma_start3A_377 = tpu.memref_slice %arg7[%sub3A_375, %dma_start3A_376] : memref<80x128xi32, #tpu.memory_space<vmem>> -> memref<1x128xi32, #tpu.memory_space<vmem>>
        %dma_start3A_378 = tpu.memref_squeeze %dma_start3A_377 : memref<1x128xi32, #tpu.memory_space<vmem>> -> memref<128xi32, #tpu.memory_space<vmem>>
        %dma_start3A_379 = arith.constant 0 : i32
        %dma_start3A_380 = arith.constant 0 : i32
        %dma_start3A_381 = tpu.memref_slice %arg2[%dma_start3A_379, %dma_start3A_380] : memref<10000x64xbf16, #tpu.memory_space<hbm>> -> memref<10000x64xbf16, #tpu.memory_space<hbm>>
        tpu.enqueue_indirect_dma source(%dma_start3A_381 : memref<10000x64xbf16, #tpu.memory_space<hbm>>) target(%arg10 : memref<128x64xbf16, #tpu.memory_space<vmem>>) offsets(%dma_start3A_378 : memref<128xi32, #tpu.memory_space<vmem>>) semaphore(%arg22 : memref<!tpu.dma_semaphore, #tpu.memory_space<semaphore_mem>>)
      } else {
      }
      %add3A_317 = arith.constant 3 : i32
      %add3A_318 = arith.addi %add3A_158, %add3A_317 : i32
      %dma_wait3A_319 = arith.constant 0 : i32
      %dma_wait3A_320 = arith.constant 0 : i32
      %dma_wait3A_321 = tpu.memref_slice %arg2[%dma_wait3A_319, %dma_wait3A_320] : memref<10000x64xbf16, #tpu.memory_space<hbm>> -> memref<128x64xbf16, #tpu.memory_space<hbm>>
      %dma_wait3A_322 = arith.constant 0 : i32
      %dma_wait3A_323 = arith.constant 0 : i32
      %dma_wait3A_324 = tpu.memref_slice %arg2[%dma_wait3A_322, %dma_wait3A_323] : memref<10000x64xbf16, #tpu.memory_space<hbm>> -> memref<128x64xbf16, #tpu.memory_space<hbm>>
      tpu.wait_dma2 semaphore(%arg24 : memref<!tpu.dma_semaphore, #tpu.memory_space<semaphore_mem>>) src(%dma_wait3A_324 : memref<128x64xbf16, #tpu.memory_space<hbm>>) dst(%arg12 : memref<128x64xbf16, #tpu.memory_space<vmem>>)
      %ge3A_325 = arith.constant 4 : i32
      %ge3A_326 = arith.cmpi sge, %add3A_318, %ge3A_325 : i32
      %convert_element_type3A_327 = arith.extui %ge3A_326 : i1 to i32
      %cond3A_328 = arith.constant 0 : i32
      %cond3A_329 = arith.cmpi ne, %convert_element_type3A_327, %cond3A_328 : i32
      scf.if %cond3A_329 {
        %dma_wait3A_372 = arith.constant 0 : i32
        %dma_wait3A_373 = arith.constant 0 : i32
        %dma_wait3A_374 = arith.constant 0 : i32
        %dma_wait3A_375 = tpu.memref_slice %arg5[%dma_wait3A_372, %dma_wait3A_373, %dma_wait3A_374] : memref<2x10240x64xf32, #tpu.memory_space<hbm>> -> memref<1x10240x64xf32, #tpu.memory_space<hbm>>
        %dma_wait3A_376 = tpu.memref_squeeze %dma_wait3A_375 : memref<1x10240x64xf32, #tpu.memory_space<hbm>> -> memref<10240x64xf32, #tpu.memory_space<hbm>>
        %dma_wait3A_377 = arith.constant 0 : i32
        %dma_wait3A_378 = arith.constant 0 : i32
        %dma_wait3A_379 = tpu.memref_slice %dma_wait3A_376[%dma_wait3A_377, %dma_wait3A_378] : memref<10240x64xf32, #tpu.memory_space<hbm>> -> memref<128x64xf32, #tpu.memory_space<hbm>>
        %dma_wait3A_380 = arith.constant 0 : i32
        %dma_wait3A_381 = arith.constant 0 : i32
        %dma_wait3A_382 = tpu.memref_slice %arg5[%dma_wait3A_372, %dma_wait3A_380, %dma_wait3A_381] : memref<2x10240x64xf32, #tpu.memory_space<hbm>> -> memref<1x10240x64xf32, #tpu.memory_space<hbm>>
        %dma_wait3A_383 = tpu.memref_squeeze %dma_wait3A_382 : memref<1x10240x64xf32, #tpu.memory_space<hbm>> -> memref<10240x64xf32, #tpu.memory_space<hbm>>
        %dma_wait3A_384 = arith.constant 0 : i32
        %dma_wait3A_385 = arith.constant 0 : i32
        %dma_wait3A_386 = tpu.memref_slice %dma_wait3A_383[%dma_wait3A_384, %dma_wait3A_385] : memref<10240x64xf32, #tpu.memory_space<hbm>> -> memref<128x64xf32, #tpu.memory_space<hbm>>
        tpu.wait_dma2 semaphore(%arg28 : memref<!tpu.dma_semaphore, #tpu.memory_space<semaphore_mem>>) src(%dma_wait3A_386 : memref<128x64xf32, #tpu.memory_space<hbm>>) dst(%arg16 : memref<128x64xf32, #tpu.memory_space<vmem>>)
      } else {
      }
      %parallel_loop3A_330 = arith.constant 0 : i32
      %parallel_loop3A_331 = arith.constant 128 : i32
      %parallel_loop3A_332 = arith.constant 1 : i32
      scf.for %parallel_loop3A_372 = %parallel_loop3A_330 to %parallel_loop3A_331 step %parallel_loop3A_332  : i32 {
        %parallel_loop3A_373 = arith.index_cast %parallel_loop3A_372 : i32 to index
        %parallel_loop3A_374 = arith.constant 0 : index
        %parallel_loop3A_375 = tpu.vector_load %arg12[%parallel_loop3A_373, %parallel_loop3A_374] {strides = array<i32>} : memref<128x64xbf16, #tpu.memory_space<vmem>>, vector<32xbf16>,
        %parallel_loop3A_376 = tpu.unpack_subelements %parallel_loop3A_375, 0 {pack_format = #tpu.pack_format<interleaved>} : vector<32xbf16> -> vector<16xf32>
        %parallel_loop3A_377 = tpu.unpack_subelements %parallel_loop3A_375, 1 {pack_format = #tpu.pack_format<interleaved>} : vector<32xbf16> -> vector<16xf32>
        %parallel_loop3A_378 = arith.index_cast %parallel_loop3A_372 : i32 to index
        %parallel_loop3A_379 = arith.constant 0 : index
        %parallel_loop3A_380 = tpu.vector_load %arg16[%parallel_loop3A_378, %parallel_loop3A_379] {strides = array<i32>} : memref<128x64xf32, #tpu.memory_space<vmem>>, vector<16xf32>,
        tpu.vector_store %arg16[%parallel_loop3A_378, %parallel_loop3A_379], %parallel_loop3A_376 {strides = array<i32>} : memref<128x64xf32, #tpu.memory_space<vmem>>, vector<16xf32>,
        %parallel_loop3A_381 = arith.index_cast %parallel_loop3A_372 : i32 to index
        %parallel_loop3A_382 = arith.constant 16 : index
        %parallel_loop3A_383 = tpu.vector_load %arg16[%parallel_loop3A_381, %parallel_loop3A_382] {strides = array<i32>} : memref<128x64xf32, #tpu.memory_space<vmem>>, vector<16xf32>,
        tpu.vector_store %arg16[%parallel_loop3A_381, %parallel_loop3A_382], %parallel_loop3A_377 {strides = array<i32>} : memref<128x64xf32, #tpu.memory_space<vmem>>, vector<16xf32>,
        %parallel_loop3A_384 = arith.index_cast %parallel_loop3A_372 : i32 to index
        %parallel_loop3A_385 = arith.constant 32 : index
        %parallel_loop3A_386 = tpu.vector_load %arg12[%parallel_loop3A_384, %parallel_loop3A_385] {strides = array<i32>} : memref<128x64xbf16, #tpu.memory_space<vmem>>, vector<32xbf16>,
        %parallel_loop3A_387 = tpu.unpack_subelements %parallel_loop3A_386, 0 {pack_format = #tpu.pack_format<interleaved>} : vector<32xbf16> -> vector<16xf32>
        %parallel_loop3A_388 = tpu.unpack_subelements %parallel_loop3A_386, 1 {pack_format = #tpu.pack_format<interleaved>} : vector<32xbf16> -> vector<16xf32>
        %parallel_loop3A_389 = arith.index_cast %parallel_loop3A_372 : i32 to index
        %parallel_loop3A_390 = arith.constant 32 : index
        %parallel_loop3A_391 = tpu.vector_load %arg16[%parallel_loop3A_389, %parallel_loop3A_390] {strides = array<i32>} : memref<128x64xf32, #tpu.memory_space<vmem>>, vector<16xf32>,
        tpu.vector_store %arg16[%parallel_loop3A_389, %parallel_loop3A_390], %parallel_loop3A_387 {strides = array<i32>} : memref<128x64xf32, #tpu.memory_space<vmem>>, vector<16xf32>,
        %parallel_loop3A_392 = arith.index_cast %parallel_loop3A_372 : i32 to index
        %parallel_loop3A_393 = arith.constant 48 : index
        %parallel_loop3A_394 = tpu.vector_load %arg16[%parallel_loop3A_392, %parallel_loop3A_393] {strides = array<i32>} : memref<128x64xf32, #tpu.memory_space<vmem>>, vector<16xf32>,
        tpu.vector_store %arg16[%parallel_loop3A_392, %parallel_loop3A_393], %parallel_loop3A_388 {strides = array<i32>} : memref<128x64xf32, #tpu.memory_space<vmem>>, vector<16xf32>,
      } {sc.loop_unroll_factor = 4 : i64, sc.parallel_access}
      %dma_start3A_333 = arith.constant 0 : i32
      %dma_start3A_334 = tpu.memref_slice %arg8[%add3A_318, %dma_start3A_333] : memref<80x128xi32, #tpu.memory_space<vmem>> -> memref<1x128xi32, #tpu.memory_space<vmem>>
      %dma_start3A_335 = tpu.memref_squeeze %dma_start3A_334 : memref<1x128xi32, #tpu.memory_space<vmem>> -> memref<128xi32, #tpu.memory_space<vmem>>
      %dma_start3A_336 = arith.constant 0 : i32
      %dma_start3A_337 = arith.constant 0 : i32
      %dma_start3A_338 = tpu.memref_slice %arg19[%dma_start3A_336, %dma_start3A_337] : memref<10240x64xf32, #tpu.memory_space<vmem_shared>> -> memref<10240x64xf32, #tpu.memory_space<vmem_shared>>
      tpu.enqueue_indirect_dma source(%arg16 : memref<128x64xf32, #tpu.memory_space<vmem>>) target(%dma_start3A_338 : memref<10240x64xf32, #tpu.memory_space<vmem_shared>>) offsets(%dma_start3A_335 : memref<128xi32, #tpu.memory_space<vmem>>) semaphore(%arg28 : memref<!tpu.dma_semaphore, #tpu.memory_space<semaphore_mem>>) {add = true}
      %get3A_339 = arith.index_cast %add3A_318 : i32 to index
      %get3A_340 = arith.constant 0 : index
      %get3A_341 = tpu.vector_load %arg8[%get3A_339, %get3A_340] {strides = array<i32>} : memref<80x128xi32, #tpu.memory_space<vmem>>, vector<16xi32>,
      tpu.vector_store_idx %arg17[%get3A_341], %broadcast_in_dim3A_64 {add = true} : memref<10240xf32, #tpu.memory_space<vmem>>[vector<16xi32>], vector<16xf32>,
      %get3A_342 = arith.index_cast %add3A_318 : i32 to index
      %get3A_343 = arith.constant 16 : index
      %get3A_344 = tpu.vector_load %arg8[%get3A_342, %get3A_343] {strides = array<i32>} : memref<80x128xi32, #tpu.memory_space<vmem>>, vector<16xi32>,
      tpu.vector_store_idx %arg17[%get3A_344], %broadcast_in_dim3A_64 {add = true} : memref<10240xf32, #tpu.memory_space<vmem>>[vector<16xi32>], vector<16xf32>,
      %get3A_345 = arith.index_cast %add3A_318 : i32 to index
      %get3A_346 = arith.constant 32 : index
      %get3A_347 = tpu.vector_load %arg8[%get3A_345, %get3A_346] {strides = array<i32>} : memref<80x128xi32, #tpu.memory_space<vmem>>, vector<16xi32>,
      tpu.vector_store_idx %arg17[%get3A_347], %broadcast_in_dim3A_64 {add = true} : memref<10240xf32, #tpu.memory_space<vmem>>[vector<16xi32>], vector<16xf32>,
      %get3A_348 = arith.index_cast %add3A_318 : i32 to index
      %get3A_349 = arith.constant 48 : index
      %get3A_350 = tpu.vector_load %arg8[%get3A_348, %get3A_349] {strides = array<i32>} : memref<80x128xi32, #tpu.memory_space<vmem>>, vector<16xi32>,
      tpu.vector_store_idx %arg17[%get3A_350], %broadcast_in_dim3A_64 {add = true} : memref<10240xf32, #tpu.memory_space<vmem>>[vector<16xi32>], vector<16xf32>,
      %get3A_351 = arith.index_cast %add3A_318 : i32 to index
      %get3A_352 = arith.constant 64 : index
      %get3A_353 = tpu.vector_load %arg8[%get3A_351, %get3A_352] {strides = array<i32>} : memref<80x128xi32, #tpu.memory_space<vmem>>, vector<16xi32>,
      tpu.vector_store_idx %arg17[%get3A_353], %broadcast_in_dim3A_64 {add = true} : memref<10240xf32, #tpu.memory_space<vmem>>[vector<16xi32>], vector<16xf32>,
      %get3A_354 = arith.index_cast %add3A_318 : i32 to index
      %get3A_355 = arith.constant 80 : index
      %get3A_356 = tpu.vector_load %arg8[%get3A_354, %get3A_355] {strides = array<i32>} : memref<80x128xi32, #tpu.memory_space<vmem>>, vector<16xi32>,
      tpu.vector_store_idx %arg17[%get3A_356], %broadcast_in_dim3A_64 {add = true} : memref<10240xf32, #tpu.memory_space<vmem>>[vector<16xi32>], vector<16xf32>,
      %get3A_357 = arith.index_cast %add3A_318 : i32 to index
      %get3A_358 = arith.constant 96 : index
      %get3A_359 = tpu.vector_load %arg8[%get3A_357, %get3A_358] {strides = array<i32>} : memref<80x128xi32, #tpu.memory_space<vmem>>, vector<16xi32>,
      tpu.vector_store_idx %arg17[%get3A_359], %broadcast_in_dim3A_64 {add = true} : memref<10240xf32, #tpu.memory_space<vmem>>[vector<16xi32>], vector<16xf32>,
      %get3A_360 = arith.index_cast %add3A_318 : i32 to index
      %get3A_361 = arith.constant 112 : index
      %get3A_362 = tpu.vector_load %arg8[%get3A_360, %get3A_361] {strides = array<i32>} : memref<80x128xi32, #tpu.memory_space<vmem>>, vector<16xi32>,
      tpu.vector_store_idx %arg17[%get3A_362], %broadcast_in_dim3A_64 {add = true} : memref<10240xf32, #tpu.memory_space<vmem>>[vector<16xi32>], vector<16xf32>,
      %add3A_363 = arith.constant 4 : i32
      %add3A_364 = arith.addi %add3A_318, %add3A_363 : i32
      %sub3A_365 = arith.constant 1 : i32
      %sub3A_366 = arith.subi %add3A_364, %sub3A_365 : i32
      %lt3A_367 = arith.constant 80 : i32
      %lt3A_368 = arith.cmpi slt, %sub3A_366, %lt3A_367 : i32
      %convert_element_type3A_369 = arith.extui %lt3A_368 : i1 to i32
      %cond3A_370 = arith.constant 0 : i32
      %cond3A_371 = arith.cmpi ne, %convert_element_type3A_369, %cond3A_370 : i32
      scf.if %cond3A_371 {
        %add3A_372 = arith.constant 4 : i32
        %add3A_373 = arith.addi %add3A_318, %add3A_372 : i32
        %sub3A_374 = arith.constant 1 : i32
        %sub3A_375 = arith.subi %add3A_373, %sub3A_374 : i32
        %dma_start3A_376 = arith.constant 0 : i32
        %dma_start3A_377 = tpu.memref_slice %arg7[%sub3A_375, %dma_start3A_376] : memref<80x128xi32, #tpu.memory_space<vmem>> -> memref<1x128xi32, #tpu.memory_space<vmem>>
        %dma_start3A_378 = tpu.memref_squeeze %dma_start3A_377 : memref<1x128xi32, #tpu.memory_space<vmem>> -> memref<128xi32, #tpu.memory_space<vmem>>
        %dma_start3A_379 = arith.constant 0 : i32
        %dma_start3A_380 = arith.constant 0 : i32
        %dma_start3A_381 = tpu.memref_slice %arg2[%dma_start3A_379, %dma_start3A_380] : memref<10000x64xbf16, #tpu.memory_space<hbm>> -> memref<10000x64xbf16, #tpu.memory_space<hbm>>
        tpu.enqueue_indirect_dma source(%dma_start3A_381 : memref<10000x64xbf16, #tpu.memory_space<hbm>>) target(%arg11 : memref<128x64xbf16, #tpu.memory_space<vmem>>) offsets(%dma_start3A_378 : memref<128xi32, #tpu.memory_space<vmem>>) semaphore(%arg23 : memref<!tpu.dma_semaphore, #tpu.memory_space<semaphore_mem>>)
      } else {
      }
    }
    %scan3A_90 = arith.constant 20 : i32
    %dma_wait3A_91 = arith.constant 0 : i32
    %dma_wait3A_92 = arith.constant 0 : i32
    %dma_wait3A_93 = arith.constant 0 : i32
    %dma_wait3A_94 = tpu.memref_slice %arg5[%dma_wait3A_91, %dma_wait3A_92, %dma_wait3A_93] : memref<2x10240x64xf32, #tpu.memory_space<hbm>> -> memref<1x10240x64xf32, #tpu.memory_space<hbm>>
    %dma_wait3A_95 = tpu.memref_squeeze %dma_wait3A_94 : memref<1x10240x64xf32, #tpu.memory_space<hbm>> -> memref<10240x64xf32, #tpu.memory_space<hbm>>
    %dma_wait3A_96 = arith.constant 0 : i32
    %dma_wait3A_97 = arith.constant 0 : i32
    %dma_wait3A_98 = tpu.memref_slice %dma_wait3A_95[%dma_wait3A_96, %dma_wait3A_97] : memref<10240x64xf32, #tpu.memory_space<hbm>> -> memref<128x64xf32, #tpu.memory_space<hbm>>
    %dma_wait3A_99 = arith.constant 0 : i32
    %dma_wait3A_100 = arith.constant 0 : i32
    %dma_wait3A_101 = tpu.memref_slice %arg5[%dma_wait3A_91, %dma_wait3A_99, %dma_wait3A_100] : memref<2x10240x64xf32, #tpu.memory_space<hbm>> -> memref<1x10240x64xf32, #tpu.memory_space<hbm>>
    %dma_wait3A_102 = tpu.memref_squeeze %dma_wait3A_101 : memref<1x10240x64xf32, #tpu.memory_space<hbm>> -> memref<10240x64xf32, #tpu.memory_space<hbm>>
    %dma_wait3A_103 = arith.constant 0 : i32
    %dma_wait3A_104 = arith.constant 0 : i32
    %dma_wait3A_105 = tpu.memref_slice %dma_wait3A_102[%dma_wait3A_103, %dma_wait3A_104] : memref<10240x64xf32, #tpu.memory_space<hbm>> -> memref<128x64xf32, #tpu.memory_space<hbm>>
    tpu.wait_dma2 semaphore(%arg25 : memref<!tpu.dma_semaphore, #tpu.memory_space<semaphore_mem>>) src(%dma_wait3A_105 : memref<128x64xf32, #tpu.memory_space<hbm>>) dst(%arg13 : memref<128x64xf32, #tpu.memory_space<vmem>>)
    %dma_wait3A_106 = arith.constant 0 : i32
    %dma_wait3A_107 = arith.constant 0 : i32
    %dma_wait3A_108 = arith.constant 0 : i32
    %dma_wait3A_109 = tpu.memref_slice %arg5[%dma_wait3A_106, %dma_wait3A_107, %dma_wait3A_108] : memref<2x10240x64xf32, #tpu.memory_space<hbm>> -> memref<1x10240x64xf32, #tpu.memory_space<hbm>>
    %dma_wait3A_110 = tpu.memref_squeeze %dma_wait3A_109 : memref<1x10240x64xf32, #tpu.memory_space<hbm>> -> memref<10240x64xf32, #tpu.memory_space<hbm>>
    %dma_wait3A_111 = arith.constant 0 : i32
    %dma_wait3A_112 = arith.constant 0 : i32
    %dma_wait3A_113 = tpu.memref_slice %dma_wait3A_110[%dma_wait3A_111, %dma_wait3A_112] : memref<10240x64xf32, #tpu.memory_space<hbm>> -> memref<128x64xf32, #tpu.memory_space<hbm>>
    %dma_wait3A_114 = arith.constant 0 : i32
    %dma_wait3A_115 = arith.constant 0 : i32
    %dma_wait3A_116 = tpu.memref_slice %arg5[%dma_wait3A_106, %dma_wait3A_114, %dma_wait3A_115] : memref<2x10240x64xf32, #tpu.memory_space<hbm>> -> memref<1x10240x64xf32, #tpu.memory_space<hbm>>
    %dma_wait3A_117 = tpu.memref_squeeze %dma_wait3A_116 : memref<1x10240x64xf32, #tpu.memory_space<hbm>> -> memref<10240x64xf32, #tpu.memory_space<hbm>>
    %dma_wait3A_118 = arith.constant 0 : i32
    %dma_wait3A_119 = arith.constant 0 : i32
    %dma_wait3A_120 = tpu.memref_slice %dma_wait3A_117[%dma_wait3A_118, %dma_wait3A_119] : memref<10240x64xf32, #tpu.memory_space<hbm>> -> memref<128x64xf32, #tpu.memory_space<hbm>>
    tpu.wait_dma2 semaphore(%arg26 : memref<!tpu.dma_semaphore, #tpu.memory_space<semaphore_mem>>) src(%dma_wait3A_120 : memref<128x64xf32, #tpu.memory_space<hbm>>) dst(%arg14 : memref<128x64xf32, #tpu.memory_space<vmem>>)
    %dma_wait3A_121 = arith.constant 0 : i32
    %dma_wait3A_122 = arith.constant 0 : i32
    %dma_wait3A_123 = arith.constant 0 : i32
    %dma_wait3A_124 = tpu.memref_slice %arg5[%dma_wait3A_121, %dma_wait3A_122, %dma_wait3A_123] : memref<2x10240x64xf32, #tpu.memory_space<hbm>> -> memref<1x10240x64xf32, #tpu.memory_space<hbm>>
    %dma_wait3A_125 = tpu.memref_squeeze %dma_wait3A_124 : memref<1x10240x64xf32, #tpu.memory_space<hbm>> -> memref<10240x64xf32, #tpu.memory_space<hbm>>
    %dma_wait3A_126 = arith.constant 0 : i32
    %dma_wait3A_127 = arith.constant 0 : i32
    %dma_wait3A_128 = tpu.memref_slice %dma_wait3A_125[%dma_wait3A_126, %dma_wait3A_127] : memref<10240x64xf32, #tpu.memory_space<hbm>> -> memref<128x64xf32, #tpu.memory_space<hbm>>
    %dma_wait3A_129 = arith.constant 0 : i32
    %dma_wait3A_130 = arith.constant 0 : i32
    %dma_wait3A_131 = tpu.memref_slice %arg5[%dma_wait3A_121, %dma_wait3A_129, %dma_wait3A_130] : memref<2x10240x64xf32, #tpu.memory_space<hbm>> -> memref<1x10240x64xf32, #tpu.memory_space<hbm>>
    %dma_wait3A_132 = tpu.memref_squeeze %dma_wait3A_131 : memref<1x10240x64xf32, #tpu.memory_space<hbm>> -> memref<10240x64xf32, #tpu.memory_space<hbm>>
    %dma_wait3A_133 = arith.constant 0 : i32
    %dma_wait3A_134 = arith.constant 0 : i32
    %dma_wait3A_135 = tpu.memref_slice %dma_wait3A_132[%dma_wait3A_133, %dma_wait3A_134] : memref<10240x64xf32, #tpu.memory_space<hbm>> -> memref<128x64xf32, #tpu.memory_space<hbm>>
    tpu.wait_dma2 semaphore(%arg27 : memref<!tpu.dma_semaphore, #tpu.memory_space<semaphore_mem>>) src(%dma_wait3A_135 : memref<128x64xf32, #tpu.memory_space<hbm>>) dst(%arg15 : memref<128x64xf32, #tpu.memory_space<vmem>>)
    %dma_wait3A_136 = arith.constant 0 : i32
    %dma_wait3A_137 = arith.constant 0 : i32
    %dma_wait3A_138 = arith.constant 0 : i32
    %dma_wait3A_139 = tpu.memref_slice %arg5[%dma_wait3A_136, %dma_wait3A_137, %dma_wait3A_138] : memref<2x10240x64xf32, #tpu.memory_space<hbm>> -> memref<1x10240x64xf32, #tpu.memory_space<hbm>>
    %dma_wait3A_140 = tpu.memref_squeeze %dma_wait3A_139 : memref<1x10240x64xf32, #tpu.memory_space<hbm>> -> memref<10240x64xf32, #tpu.memory_space<hbm>>
    %dma_wait3A_141 = arith.constant 0 : i32
    %dma_wait3A_142 = arith.constant 0 : i32
    %dma_wait3A_143 = tpu.memref_slice %dma_wait3A_140[%dma_wait3A_141, %dma_wait3A_142] : memref<10240x64xf32, #tpu.memory_space<hbm>> -> memref<128x64xf32, #tpu.memory_space<hbm>>
    %dma_wait3A_144 = arith.constant 0 : i32
    %dma_wait3A_145 = arith.constant 0 : i32
    %dma_wait3A_146 = tpu.memref_slice %arg5[%dma_wait3A_136, %dma_wait3A_144, %dma_wait3A_145] : memref<2x10240x64xf32, #tpu.memory_space<hbm>> -> memref<1x10240x64xf32, #tpu.memory_space<hbm>>
    %dma_wait3A_147 = tpu.memref_squeeze %dma_wait3A_146 : memref<1x10240x64xf32, #tpu.memory_space<hbm>> -> memref<10240x64xf32, #tpu.memory_space<hbm>>
    %dma_wait3A_148 = arith.constant 0 : i32
    %dma_wait3A_149 = arith.constant 0 : i32
    %dma_wait3A_150 = tpu.memref_slice %dma_wait3A_147[%dma_wait3A_148, %dma_wait3A_149] : memref<10240x64xf32, #tpu.memory_space<hbm>> -> memref<128x64xf32, #tpu.memory_space<hbm>>
    tpu.wait_dma2 semaphore(%arg28 : memref<!tpu.dma_semaphore, #tpu.memory_space<semaphore_mem>>) src(%dma_wait3A_150 : memref<128x64xf32, #tpu.memory_space<hbm>>) dst(%arg16 : memref<128x64xf32, #tpu.memory_space<vmem>>)
    "tpu.region"() ({
      %run_scoped3A = tpu.sem_alloc : memref<!tpu.dma_semaphore, #tpu.memory_space<semaphore_mem>>
      %dma_start3A_154 = arith.constant 0 : i32
      %dma_start3A_155 = arith.constant 0 : i32
      %dma_start3A_156 = tpu.memref_slice %arg6[%arg0, %dma_start3A_154, %dma_start3A_155] : memref<2x16x10240xf32, #tpu.memory_space<hbm>> -> memref<1x16x10240xf32, #tpu.memory_space<hbm>>
      %dma_start3A_157 = tpu.memref_squeeze %dma_start3A_156 : memref<1x16x10240xf32, #tpu.memory_space<hbm>> -> memref<16x10240xf32, #tpu.memory_space<hbm>>
      %dma_start3A_158 = arith.constant 0 : i32
      %dma_start3A_159 = tpu.memref_slice %dma_start3A_157[%arg1, %dma_start3A_158] : memref<16x10240xf32, #tpu.memory_space<hbm>> -> memref<1x10240xf32, #tpu.memory_space<hbm>>
      %dma_start3A_160 = tpu.memref_squeeze %dma_start3A_159 : memref<1x10240xf32, #tpu.memory_space<hbm>> -> memref<10240xf32, #tpu.memory_space<hbm>>
      %dma_start3A_161 = arith.constant 0 : i32
      %dma_start3A_162 = arith.constant 0 : i32
      %dma_start3A_163 = tpu.memref_slice %arg6[%arg0, %dma_start3A_161, %dma_start3A_162] : memref<2x16x10240xf32, #tpu.memory_space<hbm>> -> memref<1x16x10240xf32, #tpu.memory_space<hbm>>
      %dma_start3A_164 = tpu.memref_squeeze %dma_start3A_163 : memref<1x16x10240xf32, #tpu.memory_space<hbm>> -> memref<16x10240xf32, #tpu.memory_space<hbm>>
      %dma_start3A_165 = arith.constant 0 : i32
      %dma_start3A_166 = tpu.memref_slice %dma_start3A_164[%arg1, %dma_start3A_165] : memref<16x10240xf32, #tpu.memory_space<hbm>> -> memref<1x10240xf32, #tpu.memory_space<hbm>>
      %dma_start3A_167 = tpu.memref_squeeze %dma_start3A_166 : memref<1x10240xf32, #tpu.memory_space<hbm>> -> memref<10240xf32, #tpu.memory_space<hbm>>
      tpu.enqueue_dma source(%arg17 : memref<10240xf32, #tpu.memory_space<vmem>>) target(%dma_start3A_167 : memref<10240xf32, #tpu.memory_space<hbm>>) target_semaphore(%run_scoped3A : memref<!tpu.dma_semaphore, #tpu.memory_space<semaphore_mem>>)
      %dma_wait3A_168 = arith.constant 0 : i32
      %dma_wait3A_169 = arith.constant 0 : i32
      %dma_wait3A_170 = tpu.memref_slice %arg6[%arg0, %dma_wait3A_168, %dma_wait3A_169] : memref<2x16x10240xf32, #tpu.memory_space<hbm>> -> memref<1x16x10240xf32, #tpu.memory_space<hbm>>
      %dma_wait3A_171 = tpu.memref_squeeze %dma_wait3A_170 : memref<1x16x10240xf32, #tpu.memory_space<hbm>> -> memref<16x10240xf32, #tpu.memory_space<hbm>>
      %dma_wait3A_172 = arith.constant 0 : i32
      %dma_wait3A_173 = tpu.memref_slice %dma_wait3A_171[%arg1, %dma_wait3A_172] : memref<16x10240xf32, #tpu.memory_space<hbm>> -> memref<1x10240xf32, #tpu.memory_space<hbm>>
      %dma_wait3A_174 = tpu.memref_squeeze %dma_wait3A_173 : memref<1x10240xf32, #tpu.memory_space<hbm>> -> memref<10240xf32, #tpu.memory_space<hbm>>
      %dma_wait3A_175 = arith.constant 0 : i32
      %dma_wait3A_176 = arith.constant 0 : i32
      %dma_wait3A_177 = tpu.memref_slice %arg6[%arg0, %dma_wait3A_175, %dma_wait3A_176] : memref<2x16x10240xf32, #tpu.memory_space<hbm>> -> memref<1x16x10240xf32, #tpu.memory_space<hbm>>
      %dma_wait3A_178 = tpu.memref_squeeze %dma_wait3A_177 : memref<1x16x10240xf32, #tpu.memory_space<hbm>> -> memref<16x10240xf32, #tpu.memory_space<hbm>>
      %dma_wait3A_179 = arith.constant 0 : i32
      %dma_wait3A_180 = tpu.memref_slice %dma_wait3A_178[%arg1, %dma_wait3A_179] : memref<16x10240xf32, #tpu.memory_space<hbm>> -> memref<1x10240xf32, #tpu.memory_space<hbm>>
      %dma_wait3A_181 = tpu.memref_squeeze %dma_wait3A_180 : memref<1x10240xf32, #tpu.memory_space<hbm>> -> memref<10240xf32, #tpu.memory_space<hbm>>
      tpu.wait_dma2 semaphore(%run_scoped3A : memref<!tpu.dma_semaphore, #tpu.memory_space<semaphore_mem>>) src(%arg17 : memref<10240xf32, #tpu.memory_space<vmem>>) dst(%dma_wait3A_181 : memref<10240xf32, #tpu.memory_space<hbm>>)
      tpu.yield
    }) : () -> ()
    %barrier3A_151 = arith.constant 0 : index
    tpu.barrier barrier_id(%barrier3A_151)
    %mul3A_152 = arith.constant 640 : i32
    %mul3A_153 = arith.muli %arg1, %mul3A_152 : i32
    "tpu.region"() ({
      %run_scoped3A = tpu.sem_alloc : memref<!tpu.dma_semaphore, #tpu.memory_space<semaphore_mem>>
      %dma_start3A_154 = arith.constant 0 : i32
      %dma_start3A_155 = arith.constant 0 : i32
      %dma_start3A_156 = tpu.memref_slice %arg5[%arg0, %dma_start3A_154, %dma_start3A_155] : memref<2x10240x64xf32, #tpu.memory_space<hbm>> -> memref<1x10240x64xf32, #tpu.memory_space<hbm>>
      %dma_start3A_157 = tpu.memref_squeeze %dma_start3A_156 : memref<1x10240x64xf32, #tpu.memory_space<hbm>> -> memref<10240x64xf32, #tpu.memory_space<hbm>>
      %dma_start3A_158 = arith.constant 0 : i32
      %dma_start3A_159 = tpu.memref_slice %dma_start3A_157[%mul3A_153, %dma_start3A_158] : memref<10240x64xf32, #tpu.memory_space<hbm>> -> memref<640x64xf32, #tpu.memory_space<hbm>>
      %dma_start3A_160 = arith.constant 0 : i32
      %dma_start3A_161 = tpu.memref_slice %arg19[%mul3A_153, %dma_start3A_160] : memref<10240x64xf32, #tpu.memory_space<vmem_shared>> -> memref<640x64xf32, #tpu.memory_space<vmem_shared>>
      tpu.enqueue_dma source(%dma_start3A_161 : memref<640x64xf32, #tpu.memory_space<vmem_shared>>) target(%dma_start3A_159 : memref<640x64xf32, #tpu.memory_space<hbm>>) target_semaphore(%run_scoped3A : memref<!tpu.dma_semaphore, #tpu.memory_space<semaphore_mem>>)
      %dma_wait3A_162 = arith.constant 0 : i32
      %dma_wait3A_163 = arith.constant 0 : i32
      %dma_wait3A_164 = tpu.memref_slice %arg5[%arg0, %dma_wait3A_162, %dma_wait3A_163] : memref<2x10240x64xf32, #tpu.memory_space<hbm>> -> memref<1x10240x64xf32, #tpu.memory_space<hbm>>
      %dma_wait3A_165 = tpu.memref_squeeze %dma_wait3A_164 : memref<1x10240x64xf32, #tpu.memory_space<hbm>> -> memref<10240x64xf32, #tpu.memory_space<hbm>>
      %dma_wait3A_166 = arith.constant 0 : i32
      %dma_wait3A_167 = tpu.memref_slice %dma_wait3A_165[%mul3A_153, %dma_wait3A_166] : memref<10240x64xf32, #tpu.memory_space<hbm>> -> memref<640x64xf32, #tpu.memory_space<hbm>>
      %dma_wait3A_168 = arith.constant 0 : i32
      %dma_wait3A_169 = tpu.memref_slice %arg19[%mul3A_153, %dma_wait3A_168] : memref<10240x64xf32, #tpu.memory_space<vmem_shared>> -> memref<640x64xf32, #tpu.memory_space<vmem_shared>>
      tpu.wait_dma2 semaphore(%run_scoped3A : memref<!tpu.dma_semaphore, #tpu.memory_space<semaphore_mem>>) src(%dma_wait3A_169 : memref<640x64xf32, #tpu.memory_space<vmem_shared>>) dst(%dma_wait3A_167 : memref<640x64xf32, #tpu.memory_space<hbm>>)
      tpu.yield
    }) : () -> ()
    return
  }
}

module attributes {stable_mosaic.version = 14 : i64} {
  func.func @_tc1_body(%arg0: i32, %arg1: memref<1000x128xf32, #tpu.memory_space<vmem>>, %arg2: memref<128x128xf32, #tpu.memory_space<vmem>>, %arg3: memref<1x64xf32, #tpu.memory_space<vmem>>, %arg4: memref<1000x64xbf16, #tpu.memory_space<vmem>>, %arg5: memref<1000x64xf32, #tpu.memory_space<vmem>>) attributes {dimension_semantics = [#tpu.dimension_semantics<arbitrary>], iteration_bounds = array<i64: 10>, scalar_prefetch = 0 : i64, scratch_operands = 0 : i64, tpu.core_type = #tpu.core_type<tc>, window_params = [{transform_indices = @transform_0, window_bounds = array<i64: 1000, 128>}, {pipeline_mode = #tpu.pipeline_mode<synchronous>, transform_indices = @transform_1, window_bounds = array<i64: 128, 128>}, {pipeline_mode = #tpu.pipeline_mode<synchronous>, transform_indices = @transform_2, window_bounds = array<i64: 1, 64>}, {transform_indices = @transform_3, window_bounds = array<i64: 1000, 64>}, {transform_indices = @transform_4, window_bounds = array<i64: 1000, 64>}]} {
    %get3A = arith.constant 0 : index
    %get3A_0 = arith.constant 0 : index
    %get3A_1 = vector.load %arg1[%get3A, %get3A_0] : memref<1000x128xf32, #tpu.memory_space<vmem>>, vector<1000x128xf32>
    %get3A_2 = arith.constant 0 : index
    %get3A_3 = arith.constant 0 : index
    %get3A_4 = vector.load %arg2[%get3A_2, %get3A_3] : memref<128x128xf32, #tpu.memory_space<vmem>>, vector<128x128xf32>
    %dot_general3A = arith.constant dense<0.000000e+00> : vector<1000x128xf32>
    %dot_general3A_5 = tpu.matmul %get3A_1, %get3A_4, %dot_general3A {dimension_numbers = #tpu.dot_dimension_numbers<[1], [0], [0], [1], [0, 0, 1, 1], [], []>, transpose_lhs_hint = false} : vector<1000x128xf32>, vector<128x128xf32>, vector<1000x128xf32> -> vector<1000x128xf32>
    %slice3A = vector.extract_strided_slice %dot_general3A_5 {offsets = [0, 0], sizes = [1000, 64], strides = [1, 1]} : vector<1000x128xf32> to vector<1000x64xf32>
    %reshape3A = vector.shape_cast %slice3A : vector<1000x64xf32> to vector<1000x2x2x16xf32>
    %transpose3A = tpu.transpose %reshape3A, [0, 1, 3, 2] : vector<1000x2x2x16xf32> -> vector<1000x2x16x2xf32>
    %reshape3A_6 = vector.shape_cast %transpose3A : vector<1000x2x16x2xf32> to vector<1000x64xf32>
    %convert_element_type3A = arith.truncf %reshape3A_6 : vector<1000x64xf32> to vector<1000x64xbf16>
    %swap3A = arith.constant 0 : index
    %swap3A_7 = arith.constant 0 : index
    %swap3A_8 = vector.load %arg4[%swap3A, %swap3A_7] : memref<1000x64xbf16, #tpu.memory_space<vmem>>, vector<1000x64xbf16>
    tpu.vector_store %arg4[%swap3A, %swap3A_7], %convert_element_type3A {strides = array<i32>} : memref<1000x64xbf16, #tpu.memory_space<vmem>>, vector<1000x64xbf16>,
    %slice3A_9 = vector.extract_strided_slice %dot_general3A_5 {offsets = [0, 64], sizes = [1000, 64], strides = [1, 1]} : vector<1000x128xf32> to vector<1000x64xf32>
    %get3A_10 = arith.constant 0 : index
    %get3A_11 = arith.constant 0 : index
    %get3A_12 = vector.load %arg3[%get3A_10, %get3A_11] : memref<1x64xf32, #tpu.memory_space<vmem>>, vector<1x64xf32>
    %add3A = vector.broadcast %get3A_12 : vector<1x64xf32> to vector<1000x64xf32>
    %add3A_13 = arith.addf %slice3A_9, %add3A : vector<1000x64xf32>
    %swap3A_14 = arith.constant 0 : index
    %swap3A_15 = arith.constant 0 : index
    %swap3A_16 = vector.load %arg5[%swap3A_14, %swap3A_15] : memref<1000x64xf32, #tpu.memory_space<vmem>>, vector<1000x64xf32>
    tpu.vector_store %arg5[%swap3A_14, %swap3A_15], %add3A_13 {strides = array<i32>} : memref<1000x64xf32, #tpu.memory_space<vmem>>, vector<1000x64xf32>,
    return
  }
  func.func @transform_0(%arg0: i32) -> (i32, i32) {
    %c0_i32 = arith.constant 0 : i32
    %c0_i32_0 = arith.constant 0 : i32
    return %arg0, %c0_i32 : i32, i32
  }
  func.func @transform_1(%arg0: i32) -> (i32, i32) {
    %c0_i32 = arith.constant 0 : i32
    %c0_i32_0 = arith.constant 0 : i32
    %c0_i32_1 = arith.constant 0 : i32
    return %c0_i32, %c0_i32_0 : i32, i32
  }
  func.func @transform_2(%arg0: i32) -> (i32, i32) {
    %c0_i32 = arith.constant 0 : i32
    %c0_i32_0 = arith.constant 0 : i32
    %c0_i32_1 = arith.constant 0 : i32
    return %c0_i32, %c0_i32_0 : i32, i32
  }
  func.func @transform_3(%arg0: i32) -> (i32, i32) {
    %c0_i32 = arith.constant 0 : i32
    %c0_i32_0 = arith.constant 0 : i32
    return %arg0, %c0_i32 : i32, i32
  }
  func.func @transform_4(%arg0: i32) -> (i32, i32) {
    %c0_i32 = arith.constant 0 : i32
    %c0_i32_0 = arith.constant 0 : i32
    return %arg0, %c0_i32 : i32, i32
  }
}

module attributes {stable_mosaic.version = 14 : i64} {
  func.func @_tc2_body(%arg0: i32, %arg1: memref<1x1000x64xf32, #tpu.memory_space<vmem>>, %arg2: memref<1x1000x64xf32, #tpu.memory_space<vmem>>, %arg3: memref<1000x32xf32, #tpu.memory_space<vmem>>, %arg4: memref<1000x64xf32, #tpu.memory_space<vmem>>, %arg5: memref<1000x64xf32, #tpu.memory_space<vmem>>, %arg6: memref<1000x64xbf16, #tpu.memory_space<vmem>>, %arg7: memref<1000x16xf32, #tpu.memory_space<vmem>>) attributes {dimension_semantics = [#tpu.dimension_semantics<arbitrary>], iteration_bounds = array<i64: 10>, scalar_prefetch = 0 : i64, scratch_operands = 0 : i64, tpu.core_type = #tpu.core_type<tc>, window_params = [{transform_indices = @transform_0, window_bounds = array<i64: 1, 1000, 64>}, {transform_indices = @transform_1, window_bounds = array<i64: 1, 1000, 64>}, {transform_indices = @transform_2, window_bounds = array<i64: 1000, 32>}, {transform_indices = @transform_3, window_bounds = array<i64: 1000, 64>}, {transform_indices = @transform_4, window_bounds = array<i64: 1000, 64>}, {transform_indices = @transform_5, window_bounds = array<i64: 1000, 64>}, {transform_indices = @transform_6, window_bounds = array<i64: 1000, 16>}]} {
    %get3A = arith.constant 0 : index
    %get3A_0 = arith.constant 0 : index
    %get3A_1 = vector.load %arg3[%get3A, %get3A_0] : memref<1000x32xf32, #tpu.memory_space<vmem>>, vector<1000x32xf32>
    %reduce_sum3A = arith.constant dense<0.000000e+00> : vector<1000xf32>
    %reduce_sum3A_2 = vector.multi_reduction <add>, %get3A_1, %reduce_sum3A [1] : vector<1000x32xf32> to vector<1000xf32>
    %max3A = arith.constant 1.000000e+00 : f32
    %max3A_3 = vector.broadcast %max3A : f32 to vector<1000xf32>
    %max3A_4 = arith.maximumf %reduce_sum3A_2, %max3A_3 : vector<1000xf32>
    %div3A = arith.constant 1.000000e+00 : f32
    %div3A_5 = vector.broadcast %div3A : f32 to vector<1000xf32>
    %div3A_6 = arith.divf %div3A_5, %max3A_4 : vector<1000xf32>
    %broadcast_in_dim3A = vector.shape_cast %div3A_6 : vector<1000xf32> to vector<1000x1xf32>
    %get3A_7 = arith.constant 0 : index
    %get3A_8 = arith.constant 0 : index
    %get3A_9 = arith.constant 0 : index
    %get3A_10 = vector.load %arg1[%get3A_7, %get3A_8, %get3A_9] : memref<1x1000x64xf32, #tpu.memory_space<vmem>>, vector<1x1000x64xf32>
    %get3A_11 = vector.shape_cast %get3A_10 : vector<1x1000x64xf32> to vector<1000x64xf32>
    %get3A_12 = arith.constant 0 : index
    %get3A_13 = arith.constant 0 : index
    %get3A_14 = arith.constant 0 : index
    %get3A_15 = vector.load %arg2[%get3A_12, %get3A_13, %get3A_14] : memref<1x1000x64xf32, #tpu.memory_space<vmem>>, vector<1x1000x64xf32>
    %get3A_16 = vector.shape_cast %get3A_15 : vector<1x1000x64xf32> to vector<1000x64xf32>
    %add3A = arith.addf %get3A_11, %get3A_16 : vector<1000x64xf32>
    %mul3A = vector.broadcast %broadcast_in_dim3A : vector<1000x1xf32> to vector<1000x64xf32>
    %mul3A_17 = arith.mulf %add3A, %mul3A : vector<1000x64xf32>
    %get3A_18 = arith.constant 0 : index
    %get3A_19 = arith.constant 0 : index
    %get3A_20 = vector.load %arg4[%get3A_18, %get3A_19] : memref<1000x64xf32, #tpu.memory_space<vmem>>, vector<1000x64xf32>
    %add3A_21 = arith.addf %mul3A_17, %get3A_20 : vector<1000x64xf32>
    %max3A_22 = arith.constant 0.000000e+00 : f32
    %max3A_23 = vector.broadcast %max3A_22 : f32 to vector<1000x64xf32>
    %max3A_24 = arith.maximumf %add3A_21, %max3A_23 : vector<1000x64xf32>
    %swap3A = arith.constant 0 : index
    %swap3A_25 = arith.constant 0 : index
    %swap3A_26 = vector.load %arg5[%swap3A, %swap3A_25] : memref<1000x64xf32, #tpu.memory_space<vmem>>, vector<1000x64xf32>
    tpu.vector_store %arg5[%swap3A, %swap3A_25], %max3A_24 {strides = array<i32>} : memref<1000x64xf32, #tpu.memory_space<vmem>>, vector<1000x64xf32>,
    %reshape3A = vector.shape_cast %max3A_24 : vector<1000x64xf32> to vector<1000x2x2x16xf32>
    %transpose3A = tpu.transpose %reshape3A, [0, 1, 3, 2] : vector<1000x2x2x16xf32> -> vector<1000x2x16x2xf32>
    %reshape3A_27 = vector.shape_cast %transpose3A : vector<1000x2x16x2xf32> to vector<1000x64xf32>
    %convert_element_type3A = arith.truncf %reshape3A_27 : vector<1000x64xf32> to vector<1000x64xbf16>
    %swap3A_28 = arith.constant 0 : index
    %swap3A_29 = arith.constant 0 : index
    %swap3A_30 = vector.load %arg6[%swap3A_28, %swap3A_29] : memref<1000x64xbf16, #tpu.memory_space<vmem>>, vector<1000x64xbf16>
    tpu.vector_store %arg6[%swap3A_28, %swap3A_29], %convert_element_type3A {strides = array<i32>} : memref<1000x64xbf16, #tpu.memory_space<vmem>>, vector<1000x64xbf16>,
    %broadcast_in_dim3A_31 = vector.shape_cast %broadcast_in_dim3A : vector<1000x1xf32> to vector<1000x1xf32>
    %broadcast_in_dim3A_32 = vector.broadcast %broadcast_in_dim3A_31 : vector<1000x1xf32> to vector<1000x16xf32>
    %swap3A_33 = arith.constant 0 : index
    %swap3A_34 = arith.constant 0 : index
    %swap3A_35 = vector.load %arg7[%swap3A_33, %swap3A_34] : memref<1000x16xf32, #tpu.memory_space<vmem>>, vector<1000x16xf32>
    tpu.vector_store %arg7[%swap3A_33, %swap3A_34], %broadcast_in_dim3A_32 {strides = array<i32>} : memref<1000x16xf32, #tpu.memory_space<vmem>>, vector<1000x16xf32>,
    return
  }
  func.func @transform_0(%arg0: i32) -> (i32, i32, i32) {
    %c0_i32 = arith.constant 0 : i32
    %c0_i32_0 = arith.constant 0 : i32
    %c0_i32_1 = arith.constant 0 : i32
    return %c0_i32, %arg0, %c0_i32_0 : i32, i32, i32
  }
  func.func @transform_1(%arg0: i32) -> (i32, i32, i32) {
    %c1_i32 = arith.constant 1 : i32
    %c0_i32 = arith.constant 0 : i32
    %c0_i32_0 = arith.constant 0 : i32
    return %c1_i32, %arg0, %c0_i32 : i32, i32, i32
  }
  func.func @transform_2(%arg0: i32) -> (i32, i32) {
    %c0_i32 = arith.constant 0 : i32
    %c0_i32_0 = arith.constant 0 : i32
    return %arg0, %c0_i32 : i32, i32
  }
  func.func @transform_3(%arg0: i32) -> (i32, i32) {
    %c0_i32 = arith.constant 0 : i32
    %c0_i32_0 = arith.constant 0 : i32
    return %arg0, %c0_i32 : i32, i32
  }
  func.func @transform_4(%arg0: i32) -> (i32, i32) {
    %c0_i32 = arith.constant 0 : i32
    %c0_i32_0 = arith.constant 0 : i32
    return %arg0, %c0_i32 : i32, i32
  }
  func.func @transform_5(%arg0: i32) -> (i32, i32) {
    %c0_i32 = arith.constant 0 : i32
    %c0_i32_0 = arith.constant 0 : i32
    return %arg0, %c0_i32 : i32, i32
  }
  func.func @transform_6(%arg0: i32) -> (i32, i32) {
    %c0_i32 = arith.constant 0 : i32
    %c0_i32_0 = arith.constant 0 : i32
    return %arg0, %c0_i32 : i32, i32
  }
}

module attributes {stable_mosaic.version = 14 : i64} {
  func.func @_tc3_body(%arg0: i32, %arg1: memref<1x1000x64xf32, #tpu.memory_space<vmem>>, %arg2: memref<1x1000x64xf32, #tpu.memory_space<vmem>>, %arg3: memref<1000x16xf32, #tpu.memory_space<vmem>>, %arg4: memref<1000x64xf32, #tpu.memory_space<vmem>>, %arg5: memref<128x128xf32, #tpu.memory_space<vmem>>, %arg6: memref<1x128xf32, #tpu.memory_space<vmem>>, %arg7: memref<1000x128xf32, #tpu.memory_space<vmem>>) attributes {dimension_semantics = [#tpu.dimension_semantics<arbitrary>], iteration_bounds = array<i64: 10>, scalar_prefetch = 0 : i64, scratch_operands = 0 : i64, tpu.core_type = #tpu.core_type<tc>, window_params = [{transform_indices = @transform_0, window_bounds = array<i64: 1, 1000, 64>}, {transform_indices = @transform_1, window_bounds = array<i64: 1, 1000, 64>}, {transform_indices = @transform_2, window_bounds = array<i64: 1000, 16>}, {transform_indices = @transform_3, window_bounds = array<i64: 1000, 64>}, {pipeline_mode = #tpu.pipeline_mode<synchronous>, transform_indices = @transform_4, window_bounds = array<i64: 128, 128>}, {pipeline_mode = #tpu.pipeline_mode<synchronous>, transform_indices = @transform_5, window_bounds = array<i64: 1, 128>}, {transform_indices = @transform_6, window_bounds = array<i64: 1000, 128>}]} {
    %get3A = arith.constant 0 : index
    %get3A_0 = arith.constant 0 : index
    %get3A_1 = arith.constant 0 : index
    %get3A_2 = vector.load %arg1[%get3A, %get3A_0, %get3A_1] : memref<1x1000x64xf32, #tpu.memory_space<vmem>>, vector<1x1000x64xf32>
    %get3A_3 = vector.shape_cast %get3A_2 : vector<1x1000x64xf32> to vector<1000x64xf32>
    %get3A_4 = arith.constant 0 : index
    %get3A_5 = arith.constant 0 : index
    %get3A_6 = arith.constant 0 : index
    %get3A_7 = vector.load %arg2[%get3A_4, %get3A_5, %get3A_6] : memref<1x1000x64xf32, #tpu.memory_space<vmem>>, vector<1x1000x64xf32>
    %get3A_8 = vector.shape_cast %get3A_7 : vector<1x1000x64xf32> to vector<1000x64xf32>
    %add3A = arith.addf %get3A_3, %get3A_8 : vector<1000x64xf32>
    %get3A_9 = arith.constant 0 : index
    %get3A_10 = arith.constant 0 : index
    %get3A_11 = vector.load %arg3[%get3A_9, %get3A_10] : memref<1000x16xf32, #tpu.memory_space<vmem>>, vector<1000x1xf32>
    %mul3A = vector.broadcast %get3A_11 : vector<1000x1xf32> to vector<1000x64xf32>
    %mul3A_12 = arith.mulf %add3A, %mul3A : vector<1000x64xf32>
    %get3A_13 = arith.constant 0 : index
    %get3A_14 = arith.constant 0 : index
    %get3A_15 = vector.load %arg4[%get3A_13, %get3A_14] : memref<1000x64xf32, #tpu.memory_space<vmem>>, vector<1000x64xf32>
    %concatenate3A = tpu.concatenate %mul3A_12, %get3A_15 in 1 : vector<1000x64xf32>, vector<1000x64xf32> -> vector<1000x128xf32>
    %get3A_16 = arith.constant 0 : index
    %get3A_17 = arith.constant 0 : index
    %get3A_18 = vector.load %arg5[%get3A_16, %get3A_17] : memref<128x128xf32, #tpu.memory_space<vmem>>, vector<128x128xf32>
    %dot_general3A = arith.constant dense<0.000000e+00> : vector<1000x128xf32>
    %dot_general3A_19 = tpu.matmul %concatenate3A, %get3A_18, %dot_general3A {dimension_numbers = #tpu.dot_dimension_numbers<[1], [0], [0], [1], [0, 0, 1, 1], [], []>, transpose_lhs_hint = false} : vector<1000x128xf32>, vector<128x128xf32>, vector<1000x128xf32> -> vector<1000x128xf32>
    %get3A_20 = arith.constant 0 : index
    %get3A_21 = arith.constant 0 : index
    %get3A_22 = vector.load %arg6[%get3A_20, %get3A_21] : memref<1x128xf32, #tpu.memory_space<vmem>>, vector<1x128xf32>
    %add3A_23 = vector.broadcast %get3A_22 : vector<1x128xf32> to vector<1000x128xf32>
    %add3A_24 = arith.addf %dot_general3A_19, %add3A_23 : vector<1000x128xf32>
    %swap3A = arith.constant 0 : index
    %swap3A_25 = arith.constant 0 : index
    %swap3A_26 = vector.load %arg7[%swap3A, %swap3A_25] : memref<1000x128xf32, #tpu.memory_space<vmem>>, vector<1000x128xf32>
    tpu.vector_store %arg7[%swap3A, %swap3A_25], %add3A_24 {strides = array<i32>} : memref<1000x128xf32, #tpu.memory_space<vmem>>, vector<1000x128xf32>,
    return
  }
  func.func @transform_0(%arg0: i32) -> (i32, i32, i32) {
    %c0_i32 = arith.constant 0 : i32
    %c0_i32_0 = arith.constant 0 : i32
    %c0_i32_1 = arith.constant 0 : i32
    return %c0_i32, %arg0, %c0_i32_0 : i32, i32, i32
  }
  func.func @transform_1(%arg0: i32) -> (i32, i32, i32) {
    %c1_i32 = arith.constant 1 : i32
    %c0_i32 = arith.constant 0 : i32
    %c0_i32_0 = arith.constant 0 : i32
    return %c1_i32, %arg0, %c0_i32 : i32, i32, i32
  }
  func.func @transform_2(%arg0: i32) -> (i32, i32) {
    %c0_i32 = arith.constant 0 : i32
    %c0_i32_0 = arith.constant 0 : i32
    return %arg0, %c0_i32 : i32, i32
  }
  func.func @transform_3(%arg0: i32) -> (i32, i32) {
    %c0_i32 = arith.constant 0 : i32
    %c0_i32_0 = arith.constant 0 : i32
    return %arg0, %c0_i32 : i32, i32
  }
  func.func @transform_4(%arg0: i32) -> (i32, i32) {
    %c0_i32 = arith.constant 0 : i32
    %c0_i32_0 = arith.constant 0 : i32
    %c0_i32_1 = arith.constant 0 : i32
    return %c0_i32, %c0_i32_0 : i32, i32
  }
  func.func @transform_5(%arg0: i32) -> (i32, i32) {
    %c0_i32 = arith.constant 0 : i32
    %c0_i32_0 = arith.constant 0 : i32
    %c0_i32_1 = arith.constant 0 : i32
    return %c0_i32, %c0_i32_0 : i32, i32
  }
  func.func @transform_6(%arg0: i32) -> (i32, i32) {
    %c0_i32 = arith.constant 0 : i32
    %c0_i32_0 = arith.constant 0 : i32
    return %arg0, %c0_i32 : i32, i32
  }
}

</mosaic_0001>

<sc_bundles>
// kernel: kernel.10.cloned.1.call-start
scs
__scs_entry_jumppad:
0x0: {  	(pc) =	sbr.rel $0x88, $3  }
0x1: {  	(tag) =	ssettag $0x0;
	lr =	simm.s32 $0x1  }
0x2: {  	[smem:$0x3F99] =	sst lr;
	_ =	strace $0xD0000000  }
0x3: {  	_ = 	snop  }
0x4: {  	_ = 	snop  }
0x5: {  	_ = 	snop  }
0x6: {  	_ = 	snop  }
0x7: {  	_ = 	snop  }
__scs_overlays_trampoline_lowered:
0x8: {  	[smem:$0x3FA8] =	sst s0  }
0x9: {  	[smem:$0x3FA9] =	sst s1  }
0xa: {  	[smem:$0x3FAA] =	sst s2  }
0xb: {  	[smem:$0x3FAB] =	sst s3  }
0xc: {  	[smem:$0x3FAC] =	sst s4  }
0xd: {  	[smem:$0x3FAD] =	sst s5  }
0xe: {  	[smem:$0x3FAE] =	sst s6  }
0xf: {  	[smem:$0x3FAF] =	sst s7  }
0x10: {  	[smem:$0x3FB0] =	sst s8  }
0x11: {  	[smem:$0x3FB1] =	sst s9;
	s0 =	simm.s32 @!p0 $0x0  }
0x12: {  	s1 =	sld [smem:$0x3F97];
	s0 =	simm.s32 @p0 $0x1  }
0x13: {  	[smem:$0x3FB2] =	sst s0;
	s0 =	simm.s32 @!p1 $0x0  }
0x14: {  	s2 =	sld [smem:$0x3F96];
	s0 =	simm.s32 @p1 $0x1  }
0x15: {  	[smem:$0x3FB3] =	sst s0;
	s0 =	simm.s32 @!p2 $0x0  }
0x16: {  	s3 =	sld [smem:$0x3FDB];
	s0 =	simm.s32 @p2 $0x1  }
0x17: {  	s4 =	simm.s32 $0x1BF5;
	[smem:$0x3FB5] =	sst s0  }
0x18: {  	s0 =	sld [smem:$0x3F98];
	_ =	swait.ge [sflag:s4], $0x0  }
0x19: {  	s7 =	sld [smem:$0x3F99]  }
0x1a: {  	s8 =	sadd.s32 $0xFFFFE003, lr  }
0x1b: {  	s9 =	sadd.s32 $0xFFFFFEF7, lr;
	s5 =	simm.s32 $0xFFFFFFFF;
	p2 =	slt.u32 s8, $0xFFFFF086  }
0x1c: {  	p1 =	slt.u32 s9, $0xF7A;
	s5 =	simm.s32 @!p2 $0x0  }
0x1d: {  	s5 =	simm.s32 @p1 $0x1;
	p0 =	seq.s32 s7, s2  }
0x1e: {  	s7 =	smul.u32 @!p0 $0xF7A, s2;
	p2 =	seq.s32 @!p0 s5, $0x0  }
0x1f: {  	s9 =	smul.u32 $0xF7A, s1;
	s8 =	simm.s32 @!p0 $0x1BF5;
	p2 =	por !p2, p0  }
0x20: {  	[sflag:s8] =	ssyncset.s32 @!p0 $0xFFFFF086;
	s6 =	sadd.s32 @!p0 s3, s7;
	s7 =	simm.s32 @!p0 $0x108  }
0x21: {  	s3 =	sadd.s32 s3, s9;
	s6 =	sadd.s32 @!p0 $0x88, s6;
	s7 =	simm.s32 @p2 $0x1082  }
0x22: {  	[simem:s7], [sflag:s8] =	dma.local @!p0 [hbm:s6], $0xF7A  }
0x23: {  	s9 =	sor.u32 $0xD0000000, s2;
	s6 =	simm.s32 $0x108;
	_ =	swait.ge @!p0 [sflag:s8], $0x0  }
0x24: {  	s3 =	sadd.s32 $0x88, s3;
	s6 =	simm.s32 @!p1 $0x1082;
	[sflag:s4] =	ssyncset.s32 $0xFFFFF086  }
0x25: {  	[simem:s6], [sflag:s4] =	dma.local [hbm:s3], $0xF7A  }
0x26: {  	[smem:$0x3F99] =	sst s1;
	(tag) =	ssettag s2;
	_ =	strace s9  }
0x27: {  	s1 =	sld [smem:$0x3FA9]  }
0x28: {  	s2 =	sld [smem:$0x3FAA]  }
0x29: {  	s4 =	sld [smem:$0x3FAC]  }
0x2a: {  	p0 =	seq.s32 s5, $0x0;
	s5 =	sld [smem:$0x3FAD]  }
0x2b: {  	s6 =	sld [smem:$0x3FAE]  }
0x2c: {  	s7 =	sld [smem:$0x3FAF]  }
0x2d: {  	s3 =	simm.s32 $0x108;
	s8 =	sld [smem:$0x3FB0]  }
0x2e: {  	s3 =	simm.s32 @!p0 $0x1082;
	s9 =	sld [smem:$0x3FB1]  }
0x2f: {  	lr =	sadd.s32 s0, s3;
	s0 =	sld [smem:$0x3FA8]  }
0x30: {  	s3 =	sld [smem:$0x3FAB]  }
0x31: {  	[smem:$0x3FB4] =	sst s10  }
0x32: {  	s10 =	sld [smem:$0x3FB2];
	_ =	sdelay $0x3  }
0x33: {  	p0 =	seq.s32 s10, $0x1;
	s10 =	sld [smem:$0x3FB4];
	_ =	sdelay $0x3  }
0x34: {  	[smem:$0x3FB4] =	sst s10  }
0x35: {  	s10 =	sld [smem:$0x3FB3];
	_ =	sdelay $0x3  }
0x36: {  	p1 =	seq.s32 s10, $0x1;
	s10 =	sld [smem:$0x3FB4];
	_ =	sdelay $0x3  }
0x37: {  	[smem:$0x3FB4] =	sst s10  }
0x38: {  	s10 =	sld [smem:$0x3FB5]  }
0x39: {  	_ = 	snop;
	(pc) =	sbr.ind lr, $3  }
0x3a: {  	_ = 	snop  }
0x3b: {  	_ = 	snop  }
0x3c: {  	p2 =	seq.s32 s10, $0x1;
	s10 =	sld [smem:$0x3FB4]  }
0x3d: {  	_ =	shalt  }
0x3e: {  	_ =	shalt  }
0x3f: {  	_ =	shalt  }
0x40: {  	_ =	shalt  }
0x41: {  	_ =	shalt  }
0x42: {  	_ =	shalt  }
0x43: {  	_ =	shalt  }
0x44: {  	_ =	shalt  }
0x45: {  	_ =	shalt  }
0x46: {  	_ =	shalt  }
0x47: {  	_ =	shalt  }
0x48: {  	_ =	shalt  }
0x49: {  	_ =	shalt  }
0x4a: {  	_ =	shalt  }
0x4b: {  	_ =	shalt  }
0x4c: {  	_ =	shalt  }
0x4d: {  	_ =	shalt  }
0x4e: {  	_ =	shalt  }
0x4f: {  	_ =	shalt  }
0x50: {  	_ =	shalt  }
0x51: {  	_ =	shalt  }
0x52: {  	_ =	shalt  }
0x53: {  	_ =	shalt  }
0x54: {  	_ =	shalt  }
0x55: {  	_ =	shalt  }
0x56: {  	_ =	shalt  }
0x57: {  	_ =	shalt  }
0x58: {  	_ =	shalt  }
0x59: {  	_ =	shalt  }
0x5a: {  	_ =	shalt  }
0x5b: {  	_ =	shalt  }
0x5c: {  	_ =	shalt  }
0x5d: {  	_ =	shalt  }
0x5e: {  	_ =	shalt  }
0x5f: {  	_ =	shalt  }
0x60: {  	_ =	shalt  }
0x61: {  	_ =	shalt  }
0x62: {  	_ =	shalt  }
0x63: {  	_ =	shalt  }
0x64: {  	_ =	shalt  }
0x65: {  	_ =	shalt  }
0x66: {  	_ =	shalt  }
0x67: {  	_ =	shalt  }
0x68: {  	_ =	shalt  }
0x69: {  	_ =	shalt  }
0x6a: {  	_ =	shalt  }
0x6b: {  	_ =	shalt  }
0x6c: {  	_ =	shalt  }
0x6d: {  	_ =	shalt  }
0x6e: {  	_ =	shalt  }
0x6f: {  	_ =	shalt  }
0x70: {  	_ =	shalt  }
0x71: {  	_ =	shalt  }
0x72: {  	_ =	shalt  }
0x73: {  	_ =	shalt  }
0x74: {  	_ =	shalt  }
0x75: {  	_ =	shalt  }
0x76: {  	_ =	shalt  }
0x77: {  	_ =	shalt  }
0x78: {  	_ =	shalt  }
0x79: {  	_ =	shalt  }
0x7a: {  	_ =	shalt  }
0x7b: {  	_ =	shalt  }
0x7c: {  	_ =	shalt  }
0x7d: {  	_ =	shalt  }
0x7e: {  	_ =	shalt  }
0x7f: {  	_ =	shalt  }
0x80: {  	_ =	shalt  }
0x81: {  	_ =	shalt  }
0x82: {  	_ =	shalt  }
0x83: {  	_ =	shalt  }
0x84: {  	_ =	shalt  }
0x85: {  	_ =	shalt  }
0x86: {  	_ =	shalt  }
0x87: {  	_ =	shalt  }
.Lfunc_end0:
.L_simem_size_0:
called_computation.1_lowered:
.L_overlay_start_0:
0x88: {  	s2 =	sld [smem:$0x3FD9]  }
0x89: {  	s3 =	sld [smem:$0x3FFE];
	_ =	sdelay $0x1  }
0x8a: {  	s1 =	srdreg.scid  }
0x8b: {  	s0 =	sand.u32 $0x1, s1  }
0x8c: {  	s17 =	sshll.u32 s0, $0xA;
	s2 =	sadd.s32 s3, s2  }
0x8d: {  	s2 =	sadd.s32 s2, s17  }
0x8e: {  	[smem:$0x3FC0] =	sst s2  }
0x8f: {  	_ = 	snop  }
0x90: {  	s2 =	sld [smem:$0x3FD0];
	(tm) =	ssettm $0x1  }
0x91: {  	s18 =	sld [smem:$0x3FFB];
	_ =	sdelay $0x3  }
0x92: {  	_ =	strace s18  }
0x93: {  	s3 =	sld [smem:$0x3FFC];
	_ =	sdelay $0x3  }
0x94: {  	_ =	strace s3  }
0x95: {  	s3 =	sld [smem:$0x3FFD];
	_ =	sdelay $0x3  }
0x96: {  	_ =	strace s3  }
0x97: {  	_ =	strace $0x8FFFFFFF  }
0x98: {  	s19 =	sld [smem:$0x3FDB];
	_ =	sdelay $0x1  }
0x99: {  	s4 =	simm.s32 $_scs_section_size  }
0x9a: {  	s5 =	simm.s32 $_size__tile_overlayer_lowered;
	s6 =	simm.s32 $_tile_overlayer_lowered  }
0x9b: {  	s22 =	simm.s32 $0x1BFF;
	s21 =	sshll.u32 s6, $0x1;
	s3 =	sadd.s32 s4, s19  }
0x9c: {  	s7 =	simm.s32 $0x0;
	s20 =	sshll.u32 s5, $0x1;
	s5 =	sadd.s32 s21, s3  }
0x9d: {  	[timem:s7], [sflag:s22] =	dma.local [hbm:s5], s20  }
0x9e: {  	_ =	swait.ge [sflag:s22], s20  }
0x9f: {  	s4 =	ssub.s32 $0x0, s20;
	[sflag:s22] =	ssyncset.done $0x0  }
0xa0: {  	[sflag:s22] =	ssyncadd.s32 s4;
	_ =	sdelay $0x1  }
0xa1: {  	s23 =	simm.s32 $0x1B8B  }
0xa2: {  	_ =	swait.ge [sflag:s23], $0x1  }
0xa3: {  	[sflag:s23] =	ssyncset.done $0x0  }
0xa4: {  	s25 =	simm.s32 $0x1B8E;
	s24 =	sld [smem:$0x3FFE];
	[sflag:s23] =	ssyncadd.s32 $0xFFFFFFFF  }
0xa5: {  	s26 =	simm.s32 $execute0_lowered;
	[smem:$0x3FD2] =	sst s25  }
0xa6: {  	s5 =	sshll.u32 s26, $0x1;
	_ =	strace $0x80000049;
	[dreg:$0x1] =	wrdreg $0xFFFFFFFF  }
0xa7: {  	s28 =	simm.s32 $_size_execute0_lowered;
	s3 =	sadd.s32 s3, s5;
	[dreg:$0x0] =	wrdreg $0x0  }
0xa8: {  	s5 =	sshll.u32 s28, $0x1;
	[dreg:$0x2] =	wrdreg s3  }
0xa9: {  	[dreg:$0x3] =	wrdreg s5  }
0xaa: {  	[dreg:$0x4] =	wrdreg $0xC0  }
0xab: {  	_ =	task [dreg:s7], $0x5FFFF  }
0xac: {  	[dreg:$0x1] =	wrdreg $0xFFFFFFFF  }
0xad: {  	[dreg:$0x0] =	wrdreg $0x60  }
0xae: {  	[dreg:$0x2] =	wrdreg s2  }
0xaf: {  	[dreg:$0x3] =	wrdreg s24  }
0xb0: {  	[dreg:$0x4] =	wrdreg $0x130000  }
0xb1: {  	[dreg:$0x5] =	wrdreg $0x9  }
0xb2: {  	_ =	task.clear_ibuf [dreg:s7], $0x6FFFF;
	_ =	strace $0x90000049  }
0xb3: {  	s29 =	simm.s32 $0x9;
	_ =	strace $0x8000004B  }
0xb4: {  	_ =	swait.ge [sflag:s29], $0x1  }
0xb5: {  	[sflag:s29] =	ssyncadd.s32 $0xFFFFFFFF  }
0xb6: {  	_ =	strace $0x9000004B  }
0xb7: {  	_ =	sfence  }
0xb8: {  	s30 =	sld [smem:$0x0];
	_ =	sdelay $0x2  }
0xb9: {  	s31 =	sshll.u32 s1, $0xD;
	s1 =	sshrl.u32 s1, $0x2  }
0xba: {  	s3 =	sand.u32 $0x4000, s31;
	s1 =	sadd.s32 s1, s30  }
0xbb: {  	s0 =	sor.u32 s3, s0;
	s1 =	sshll.u32 s1, $0x11  }
0xbc: {  	s0 =	sor.u32 s1, s0  }
0xbd: {  	s0 =	sadd.s32 $0x8F2B, s0  }
0xbe: {  	[sflag:s0] =	ssyncadd.remote.s32 $0x1  }
0xbf: {  	_ =	sfence.sel $0xFFFF  }
0xc0: {  	[dreg:$0x0] =	wrdreg $0xFFFFFFFF;
	(pc) =	sbr.abs _section_cstart, $3  }
0xc1: {  	[dreg:$0x1] =	wrdreg $0xFFFFFFFF  }
0xc2: {  	_ =	task.clear_ibuf [dreg:s7], $0x2FFFF;
	_ =	strace $0x9FFFFFFF  }
0xc3: {  	(tm) =	ssettm $0x7FFFFFFF  }
tec
execute0_lowered:
.L_overlay_start_1:
0x0: {  	(tag) =	ssettag $0x1  }
0x1: {  	s1 =	rddreg [dreg:$0x0]  }
0x2: {  	s0 =	srdreg.scid;
	s2 =	rddreg [dreg:$0x1]  }
0x3: {  	s7 =	stileid.u32;
	s3 =	rddreg [dreg:$0x2];
	s5 =	simm.s32 $0x0  }
0x4: {  	s14 =	simm.s32 $0x11000;
	s15 =	simm.s32 $0xA;
	s16 =	simm.s32 $0x1  }
0x5: {  	s28 =	simm.s32 $0xB000;
	s29 =	simm.s32 $0x4;
	s30 =	simm.s32 $0x8  }
0x6: {  	s31 =	simm.s32 $0xD000;
	s13 =	simm.s32 $0x9;
	s0 =	sand.u32 $0x1, s0  }
0x7: {  	s4 =	sshll.u32 s7, $0x1;
	[smem:$0x7FF] =	sst s5;
	s6 =	smul.u32 $0x28000, s7  }
0x8: {  	s8 =	smul.u32 $0xA000, s7;
	s5 =	simm.s32 $0x0;
	s4 =	sor.u32 s0, s4  }
0x9: {  	s17 =	smul.u32 $0x14000, s0;
	_ =	strace $0x8000004A;
	s0 =	ssub.s32 $0x2, s0  }
0xa: {  	s4 =	smul.u32 $0x500, s4;
	s18 =	sshrl.u32 s0, $0x1;
	s6 =	sshrl.u32 s6, $0x2  }
0xb: {  	s7 =	sadd.s32 s8, s3;
	s25 =	sshrl.u32 s8, $0x3;
	s0 =	ssub.s32 s0, s18  }
0xc: {  	s20 =	sadd.s32 s6, s3;
	s18 =	simm.s32 $0x5000;
	s4 =	sadd.s32 s4, s2  }
0xd: {  	s2 =	sadd.s32 s17, s2;
	s21 =	sadd.s32 $0x2000, s20;
	s22 =	sadd.s32 $0x4000, s20  }
0xe: {  	s23 =	sadd.s32 $0x6000, s20;
	s24 =	sadd.s32 $0x8000, s20;
	[dreg:$0x6] =	wrdreg s21  }
0xf: {  	s0 =	smax.u32 s0, $0x1;
	s17 =	simm.s32 $0x80;
	[dreg:$0x7] =	wrdreg s22  }
0x10: {  	s20 =	simm.s32 $0xF000;
	s19 =	sadd.s32 $0xB600, s4;
	[dreg:$0x8] =	wrdreg s23  }
0x11: {  	s4 =	sadd.s32 $0x15600, s4;
	[dreg:$0x9] =	wrdreg s24;
	s2 =	sadd.s32 $0x1F600, s2  }
.Ltmp0:
0x12: {  	[dreg:$0xa] =	wrdreg s0;
	s21 =	simm.s32 $0x7000;
	(pc) =	sbr.rel .LBB2_1-.Ltmp0, $4  }
0x13: {  	s22 =	simm.s32 $0x2;
	s23 =	simm.s32 $0x9000;
	[dreg:$0x4] =	wrdreg s19  }
0x14: {  	s0 =	simm.s32 $0x6;
	[dreg:$0x5] =	wrdreg s4;
	s19 =	simm.s32 $0x6000  }
0x15: {  	s26 =	sadd.s32 s25, s2;
	s25 =	simm.s32 $0x8000;
	s2 =	simm.s32 $0x5  }
0x16: {  	v0 =	vimm.f32 $0.0e+00;
	s4 =	simm.s32 $0x7;
	[dreg:$0xb] =	wrdreg s26;
	s26 =	simm.s32 $0x3  }
.LBB2_22:
0x17: {  	_ =	swait.ge [sflag:s0], $0x2000  }
0x18: {  	[sflag:s0] =	ssyncset.done $0x0  }
0x19: {  	[sflag:s0] =	ssyncadd.s32 $0xFFFFE000  }
0x1a: {  	_ =	swait.ge [sflag:s4], $0x2000  }
0x1b: {  	[sflag:s4] =	ssyncset.done $0x0  }
0x1c: {  	[sflag:s4] =	ssyncadd.s32 $0xFFFFE000  }
0x1d: {  	_ =	swait.ge [sflag:s30], $0x2000  }
0x1e: {  	[sflag:s30] =	ssyncset.done $0x0  }
0x1f: {  	[sflag:s30] =	ssyncadd.s32 $0xFFFFE000  }
0x20: {  	_ =	swait.ge [sflag:s13], $0x2000  }
0x21: {  	[sflag:s13] =	ssyncset.done $0x0  }
0x22: {  	s6 =	stileid.u32;
	[sflag:s13] =	ssyncadd.s32 $0xFFFFE000  }
0x23: {  	s6 =	sshll.u32 s6, $0x6;
	[bflag:$0x0] =	sbarrier.arrive $0xFFFF  }
0x24: {  	s8 =	sshrl.u32 s7, $0x3;
	s6 =	sor.u32 $0x1C0A, s6;
	s9 =	rddreg [dreg:$0xb]  }
0x25: {  	[hbm:s9], [sflag:s6] =	dma.local [spmem:s8], $0x1400  }
0x26: {  	_ =	swait.ge [sflag:s15], $0x1400  }
0x27: {  	s5 =	sadd.s32 $0x1, s5;
	s24 =	rddreg [dreg:$0xa]  }
0x28: {  	p0 =	sne.s32 s5, s24  }
.Ltmp1:
0x29: {  	_ = 	snop;
	(pc) =	sbr.rel @!p0 .LBB2_23-.Ltmp1, $3  }
0x2a: {  	_ =	sdelay $0x1  }
0x2b: {  	[sflag:s15] =	ssyncset.done $0x0  }
0x2c: {  	[sflag:s15] =	ssyncadd.s32 $0xFFFFEC00  }
.LBB2_1:
0x2d: {  	s6 =	simm.s32 $0x0;
	s8 =	rddreg [dreg:$0x4]  }
0x2e: {  	[tilespmem:s6], [sflag:$0x1] =	stream.linear.gather [hbm4b:s8+s6], $0x2800, $0x38;
	[tilespmem:$0x1D000] =	vst v63  }
0x2f: {  	s24 =	rddreg [dreg:$0x5];
	s9 =	simm.s32 $0x2800  }
0x30: {  	[tilespmem:s9], [sflag:$0x1] =	stream.linear.gather [hbm4b:s24+s6], $0x2800, $0x38;
	[tilespmem:$0x1D000] =	vst v63  }
0x31: {  	s8 =	simm.s32 $0x100;
	s6 =	simm.s32 $0x0  }
.LBB2_2:
0x32: {  	p0 =	sne.s32 s8, $0x7F00;
	[tilespmem:s6+$0x11030] =	vst v0;
	s9 =	smov.u32 s8;
	s8 =	sadd.s32 $0x100, s8  }
.Ltmp2:
0x33: {  	[tilespmem:s6+$0x11020] =	vst v0;
	(pc) =	sbr.rel @p0 .LBB2_2-.Ltmp2, $3  }
0x34: {  	[tilespmem:s6+$0x11000] =	vst v0  }
0x35: {  	[tilespmem:s6+$0x11010] =	vst v0;
	_ =	sdelay $0x1  }
0x36: {  	s6 =	sshra.s32 s9, $0x2  }
0x37: {  	[tilespmem:s6+$0x11030] =	vst v0  }
0x38: {  	[tilespmem:s6+$0x11020] =	vst v0  }
0x39: {  	[tilespmem:s6+$0x11000] =	vst v0  }
0x3a: {  	[tilespmem:s6+$0x11010] =	vst v0  }
0x3b: {  	[spmem:s7] =	stream.linear.scatter [tilespmem:s14], [sflag:$0xA], $0x2000, $0x38;
	[tilespmem:$0x1D000] =	vst v63  }
0x3c: {  	_ =	swait.ge [sflag:s15], $0x2000  }
0x3d: {  	[sflag:s15] =	ssyncset.done $0x0  }
0x3e: {  	s10 =	rddreg [dreg:$0x6];
	[sflag:s15] =	ssyncadd.s32 $0xFFFFE000  }
0x3f: {  	[spmem:s10] =	stream.linear.scatter [tilespmem:s14], [sflag:$0xA], $0x2000, $0x38;
	[tilespmem:$0x1D000] =	vst v63  }
0x40: {  	_ =	swait.ge [sflag:s15], $0x2000  }
0x41: {  	[sflag:s15] =	ssyncset.done $0x0  }
0x42: {  	s11 =	rddreg [dreg:$0x7];
	[sflag:s15] =	ssyncadd.s32 $0xFFFFE000  }
0x43: {  	[spmem:s11] =	stream.linear.scatter [tilespmem:s14], [sflag:$0xA], $0x2000, $0x38;
	[tilespmem:$0x1D000] =	vst v63  }
0x44: {  	_ =	swait.ge [sflag:s15], $0x2000  }
0x45: {  	[sflag:s15] =	ssyncset.done $0x0  }
0x46: {  	s12 =	rddreg [dreg:$0x8];
	[sflag:s15] =	ssyncadd.s32 $0xFFFFE000  }
0x47: {  	[spmem:s12] =	stream.linear.scatter [tilespmem:s14], [sflag:$0xA], $0x2000, $0x38;
	[tilespmem:$0x1D000] =	vst v63  }
0x48: {  	_ =	swait.ge [sflag:s15], $0x2000  }
0x49: {  	[sflag:s15] =	ssyncset.done $0x0  }
0x4a: {  	s24 =	rddreg [dreg:$0x9];
	[sflag:s15] =	ssyncadd.s32 $0xFFFFE000  }
0x4b: {  	[spmem:s24] =	stream.linear.scatter [tilespmem:s14], [sflag:$0xA], $0x2000, $0x38;
	[tilespmem:$0x1D000] =	vst v63  }
0x4c: {  	_ =	swait.ge [sflag:s15], $0x2000  }
0x4d: {  	[sflag:s15] =	ssyncset.done $0x0  }
0x4e: {  	[sflag:s15] =	ssyncadd.s32 $0xFFFFE000  }
0x4f: {  	[bflag:$0x0] =	sbarrier.arrive $0xFFFF  }
0x50: {  	_ =	swait.ge [sflag:s16], $0x2800  }
0x51: {  	[sflag:s16] =	ssyncset.done $0x0  }
0x52: {  	[sflag:s16] =	ssyncadd.s32 $0xFFFFD800  }
0x53: {  	_ =	swait.ge [sflag:s16], $0x2800  }
0x54: {  	[sflag:s16] =	ssyncset.done $0x0  }
0x55: {  	s6 =	simm.s32 $0x0;
	[sflag:s16] =	ssyncadd.s32 $0xFFFFD800  }
0x56: {  	[tilespmem:s18], [sflag:$0x2] =	stream.indirect.gather [hbm4b:s1+s17], $0x20, s6, s17, $0xb8;
	[tilespmem:$0x1D000] =	vst v63  }
0x57: {  	_ = 	snop  }
0x58: {  	[tilespmem:s19], [sflag:$0x3] =	stream.indirect.gather [hbm4b:s1+s17], $0x20, s17, s17, $0xb8;
	[tilespmem:$0x1D000] =	vst v63  }
0x59: {  	s8 =	simm.s32 $0x100  }
0x5a: {  	[tilespmem:s21], [sflag:$0x4] =	stream.indirect.gather [hbm4b:s1+s17], $0x20, s8, s17, $0xb8;
	[tilespmem:$0x1D000] =	vst v63  }
.LBB2_4:
0x5b: {  	_ =	swait.ge [sflag:s22], $0x1000  }
0x5c: {  	p0 =	seq.s32 s6, $0x0;
	[sflag:s22] =	ssyncset.done $0x0  }
0x5d: {  	s8 =	simm.s32 @!p0 $0x6;
	[sflag:s22] =	ssyncadd.s32 $0xFFFFF000  }
0x5e: {  	_ =	swait.ge @!p0 [sflag:s8], $0x2000  }
0x5f: {  	[sflag:s8] =	ssyncset.done @!p0 $0x0  }
0x60: {  	s10 =	simm.s32 $0x5040;
	[sflag:s8] =	ssyncadd.s32 @!p0 $0xFFFFE000  }
0x61: {  	v1 =	vld [tilespmem:s10+$0x20];
	_ =	sdelay $0x1  }
0x62: {  	v2 =	vld [tilespmem:s10+$0xFFFFFFE0]  }
0x63: {  	v3 =	vld [tilespmem:s10+$0xFFFFFFC0];
	_ =	sdelay $0x1  }
0x64: {  	s8 =	simm.s32 $0x9080;
	v4 =	vunpack.i.l.bf16.f32 v1  }
0x65: {  	v5 =	vld [tilespmem:s10+$0x0];
	v1 =	vunpack.i.u.bf16.f32 v1;
	[tilespmem:s8+$0x40] =	vst v4  }
0x66: {  	v4 =	vunpack.i.l.bf16.f32 v2;
	[tilespmem:s8+$0x50] =	vst v1  }
0x67: {  	v1 =	vunpack.i.l.bf16.f32 v3;
	[tilespmem:s8+$0xFFFFFFC0] =	vst v4  }
0x68: {  	v3 =	vunpack.i.u.bf16.f32 v3;
	v4 =	vld [tilespmem:s10+$0x30];
	[tilespmem:s8+$0xFFFFFF80] =	vst v1  }
0x69: {  	v1 =	vunpack.i.u.bf16.f32 v2;
	[tilespmem:s8+$0xFFFFFF90] =	vst v3  }
0x6a: {  	v2 =	vunpack.i.l.bf16.f32 v5;
	[tilespmem:s8+$0xFFFFFFD0] =	vst v1;
	v3 =	vld [tilespmem:s10+$0xFFFFFFD0]  }
0x6b: {  	v1 =	vunpack.i.u.bf16.f32 v5;
	[tilespmem:s8+$0x0] =	vst v2;
	v2 =	vld [tilespmem:s10+$0xFFFFFFF0]  }
0x6c: {  	[tilespmem:s8+$0x10] =	vst v1  }
0x6d: {  	s9 =	sshll.u32 s6, $0xB;
	v1 =	vld [tilespmem:s10+$0x10];
	v5 =	vunpack.i.u.bf16.f32 v4  }
0x6e: {  	s11 =	simm.s32 $0x0;
	s12 =	simm.s32 $0x50C0;
	s10 =	simm.s32 $0x9080;
	v4 =	vunpack.i.l.bf16.f32 v4;
	[tilespmem:s8+$0x70] =	vst v5  }
.LBB2_5:
0x6f: {  	v5 =	vld [tilespmem:s12+$0x20];
	v6 =	vunpack.i.u.bf16.f32 v3;
	v3 =	vunpack.i.l.bf16.f32 v3;
	[tilespmem:s8+$0x60] =	vst v4  }
0x70: {  	s11 =	sadd.s32 $0x4, s11;
	v4 =	vld [tilespmem:s12+$0xFFFFFFE0];
	[tilespmem:s8+$0xFFFFFFA0] =	vst v3;
	v3 =	vunpack.i.u.bf16.f32 v2;
	v2 =	vunpack.i.l.bf16.f32 v2  }
0x71: {  	p1 =	slt.u32 s11, $0x7C;
	v7 =	vld [tilespmem:s12+$0x0];
	[tilespmem:s8+$0xFFFFFFB0] =	vst v6  }
0x72: {  	v6 =	vld [tilespmem:s12+$0xFFFFFFC0];
	[tilespmem:s8+$0xFFFFFFE0] =	vst v2;
	v8 =	vunpack.i.u.bf16.f32 v1;
	v1 =	vunpack.i.l.bf16.f32 v1  }
0x73: {  	[tilespmem:s8+$0xFFFFFFF0] =	vst v3  }
0x74: {  	s8 =	sadd.s32 $0x100, s8;
	v2 =	vunpack.i.l.bf16.f32 v5;
	[tilespmem:s10+$0x20] =	vst v1  }
0x75: {  	v1 =	vunpack.i.u.bf16.f32 v4;
	v3 =	vunpack.i.l.bf16.f32 v4;
	v4 =	vunpack.i.u.bf16.f32 v5;
	[tilespmem:s8+$0x40] =	vst v2  }
0x76: {  	v5 =	vunpack.i.u.bf16.f32 v7;
	v7 =	vunpack.i.l.bf16.f32 v7;
	[tilespmem:s8+$0x50] =	vst v4  }
0x77: {  	v2 =	vunpack.i.u.bf16.f32 v6;
	v4 =	vunpack.i.l.bf16.f32 v6;
	[tilespmem:s8+$0xFFFFFFC0] =	vst v3;
	v6 =	vld [tilespmem:s12+$0x30]  }
0x78: {  	[tilespmem:s8+$0xFFFFFF80] =	vst v4  }
0x79: {  	[tilespmem:s8+$0xFFFFFF90] =	vst v2  }
.Ltmp3:
0x7a: {  	v3 =	vld [tilespmem:s12+$0xFFFFFFD0];
	[tilespmem:s8+$0xFFFFFFD0] =	vst v1;
	(pc) =	sbr.rel @p1 .LBB2_5-.Ltmp3, $4  }
0x7b: {  	v2 =	vld [tilespmem:s12+$0xFFFFFFF0];
	[tilespmem:s8+$0x0] =	vst v7  }
0x7c: {  	[tilespmem:s8+$0x10] =	vst v5;
	v5 =	vunpack.i.u.bf16.f32 v6;
	v4 =	vunpack.i.l.bf16.f32 v6  }
0x7d: {  	v1 =	vld [tilespmem:s12+$0x10];
	[tilespmem:s8+$0x70] =	vst v5  }
0x7e: {  	s12 =	sadd.s32 $0x80, s12;
	[tilespmem:s10+$0x30] =	vst v8;
	s10 =	smov.u32 s8  }
0x7f: {  	v5 =	vunpack.i.l.bf16.f32 v3;
	[tilespmem:s8+$0x60] =	vst v4  }
0x80: {  	v3 =	vunpack.i.u.bf16.f32 v3;
	[tilespmem:s8+$0xFFFFFFA0] =	vst v5  }
0x81: {  	v4 =	vunpack.i.l.bf16.f32 v2;
	[tilespmem:s8+$0xFFFFFFB0] =	vst v3  }
0x82: {  	v2 =	vunpack.i.u.bf16.f32 v2;
	[tilespmem:s8+$0xFFFFFFE0] =	vst v4  }
0x83: {  	[tilespmem:s8+$0xFFFFFFF0] =	vst v2;
	v3 =	vunpack.i.l.bf16.f32 v1  }
0x84: {  	s8 =	sshrl.u32 s9, $0x2;
	v1 =	vunpack.i.u.bf16.f32 v1;
	[tilespmem:s10+$0x20] =	vst v3  }
0x85: {  	s24 =	sor.u32 $0x600, s9;
	s12 =	sadd.s32 $0x2800, s8;
	[tilespmem:s10+$0x30] =	vst v1  }
0x86: {  	[spmem:s3] =	stream.indirect.scatter.add.f32 [tilespmem:s23], [sflag:$0x6], $0x40, s12, s17, $0xb8;
	[tilespmem:$0x1D000] =	vst v63  }
0x87: {  	s9 =	sshrl.u32 s24, $0x2  }
0x88: {  	[tilespmem:s25], [sflag:$0x5] =	stream.indirect.gather [hbm4b:s1+s17], $0x20, s9, s17, $0xb8;
	[tilespmem:$0x1D000] =	vst v63  }
0x89: {  	_ =	swait.ge [sflag:s26], $0x1000  }
0x8a: {  	[sflag:s26] =	ssyncset.done $0x0  }
0x8b: {  	s10 =	simm.s32 @!p0 $0x7;
	[sflag:s26] =	ssyncadd.s32 $0xFFFFF000  }
0x8c: {  	_ =	swait.ge @!p0 [sflag:s10], $0x2000  }
0x8d: {  	[sflag:s10] =	ssyncset.done @!p0 $0x0  }
0x8e: {  	s11 =	simm.s32 $0x6040;
	[sflag:s10] =	ssyncadd.s32 @!p0 $0xFFFFE000  }
0x8f: {  	v1 =	vld [tilespmem:s11+$0x20];
	_ =	sdelay $0x1  }
0x90: {  	v2 =	vld [tilespmem:s11+$0xFFFFFFE0]  }
0x91: {  	v3 =	vld [tilespmem:s11+$0xFFFFFFC0];
	_ =	sdelay $0x1  }
0x92: {  	s10 =	simm.s32 $0xB080;
	v4 =	vunpack.i.l.bf16.f32 v1  }
0x93: {  	v5 =	vld [tilespmem:s11+$0x0];
	v1 =	vunpack.i.u.bf16.f32 v1;
	[tilespmem:s10+$0x40] =	vst v4  }
0x94: {  	v4 =	vunpack.i.l.bf16.f32 v2;
	[tilespmem:s10+$0x50] =	vst v1  }
0x95: {  	v1 =	vunpack.i.l.bf16.f32 v3;
	[tilespmem:s10+$0xFFFFFFC0] =	vst v4  }
0x96: {  	v3 =	vunpack.i.u.bf16.f32 v3;
	v4 =	vld [tilespmem:s11+$0x30];
	[tilespmem:s10+$0xFFFFFF80] =	vst v1  }
0x97: {  	v1 =	vunpack.i.u.bf16.f32 v2;
	[tilespmem:s10+$0xFFFFFF90] =	vst v3  }
0x98: {  	v2 =	vunpack.i.l.bf16.f32 v5;
	[tilespmem:s10+$0xFFFFFFD0] =	vst v1;
	v3 =	vld [tilespmem:s11+$0xFFFFFFD0]  }
0x99: {  	v1 =	vunpack.i.u.bf16.f32 v5;
	[tilespmem:s10+$0x0] =	vst v2;
	v2 =	vld [tilespmem:s11+$0xFFFFFFF0]  }
0x9a: {  	[tilespmem:s10+$0x10] =	vst v1  }
0x9b: {  	v1 =	vld [tilespmem:s11+$0x10];
	v5 =	vunpack.i.u.bf16.f32 v4  }
0x9c: {  	s24 =	simm.s32 $0x60C0;
	s12 =	simm.s32 $0x0;
	s11 =	simm.s32 $0xB080;
	v4 =	vunpack.i.l.bf16.f32 v4;
	[tilespmem:s10+$0x70] =	vst v5  }
.LBB2_7:
0x9d: {  	v5 =	vld [tilespmem:s24+$0x20];
	v6 =	vunpack.i.u.bf16.f32 v3;
	v3 =	vunpack.i.l.bf16.f32 v3;
	[tilespmem:s10+$0x60] =	vst v4  }
0x9e: {  	s12 =	sadd.s32 $0x4, s12;
	v4 =	vld [tilespmem:s24+$0xFFFFFFE0];
	[tilespmem:s10+$0xFFFFFFA0] =	vst v3;
	v3 =	vunpack.i.u.bf16.f32 v2;
	v2 =	vunpack.i.l.bf16.f32 v2  }
0x9f: {  	p1 =	slt.u32 s12, $0x7C;
	v7 =	vld [tilespmem:s24+$0x0];
	[tilespmem:s10+$0xFFFFFFB0] =	vst v6  }
0xa0: {  	v6 =	vld [tilespmem:s24+$0xFFFFFFC0];
	[tilespmem:s10+$0xFFFFFFE0] =	vst v2;
	v8 =	vunpack.i.u.bf16.f32 v1;
	v1 =	vunpack.i.l.bf16.f32 v1  }
0xa1: {  	[tilespmem:s10+$0xFFFFFFF0] =	vst v3  }
0xa2: {  	s10 =	sadd.s32 $0x100, s10;
	v2 =	vunpack.i.l.bf16.f32 v5;
	[tilespmem:s11+$0x20] =	vst v1  }
0xa3: {  	v1 =	vunpack.i.u.bf16.f32 v4;
	v3 =	vunpack.i.l.bf16.f32 v4;
	v4 =	vunpack.i.u.bf16.f32 v5;
	[tilespmem:s10+$0x40] =	vst v2  }
0xa4: {  	v5 =	vunpack.i.u.bf16.f32 v7;
	v7 =	vunpack.i.l.bf16.f32 v7;
	[tilespmem:s10+$0x50] =	vst v4  }
0xa5: {  	v2 =	vunpack.i.u.bf16.f32 v6;
	v4 =	vunpack.i.l.bf16.f32 v6;
	[tilespmem:s10+$0xFFFFFFC0] =	vst v3;
	v6 =	vld [tilespmem:s24+$0x30]  }
0xa6: {  	[tilespmem:s10+$0xFFFFFF80] =	vst v4  }
0xa7: {  	[tilespmem:s10+$0xFFFFFF90] =	vst v2  }
.Ltmp4:
0xa8: {  	v3 =	vld [tilespmem:s24+$0xFFFFFFD0];
	[tilespmem:s10+$0xFFFFFFD0] =	vst v1;
	(pc) =	sbr.rel @p1 .LBB2_7-.Ltmp4, $4  }
0xa9: {  	v2 =	vld [tilespmem:s24+$0xFFFFFFF0];
	[tilespmem:s10+$0x0] =	vst v7  }
0xaa: {  	[tilespmem:s10+$0x10] =	vst v5;
	v5 =	vunpack.i.u.bf16.f32 v6;
	v4 =	vunpack.i.l.bf16.f32 v6  }
0xab: {  	v1 =	vld [tilespmem:s24+$0x10];
	[tilespmem:s10+$0x70] =	vst v5  }
0xac: {  	s24 =	sadd.s32 $0x80, s24;
	[tilespmem:s11+$0x30] =	vst v8;
	s11 =	smov.u32 s10  }
0xad: {  	v5 =	vunpack.i.l.bf16.f32 v3;
	[tilespmem:s10+$0x60] =	vst v4  }
0xae: {  	v3 =	vunpack.i.u.bf16.f32 v3;
	[tilespmem:s10+$0xFFFFFFA0] =	vst v5  }
0xaf: {  	p1 =	sne.s32 s6, $0x13;
	v63 =	vunpack.i.l.bf16.f32 v2;
	[tilespmem:s10+$0xFFFFFFB0] =	vst v3  }
.Ltmp5:
0xb0: {  	v2 =	vunpack.i.u.bf16.f32 v2;
	[tilespmem:s10+$0xFFFFFFE0] =	vst v63;
	(pc) =	sbr.rel @p1 .LBB2_10-.Ltmp5, $4  }
0xb1: {  	[tilespmem:s10+$0xFFFFFFF0] =	vst v2;
	v3 =	vunpack.i.l.bf16.f32 v1  }
0xb2: {  	v1 =	vunpack.i.u.bf16.f32 v1;
	[tilespmem:s11+$0x20] =	vst v3  }
0xb3: {  	s24 =	sadd.s32 $0x2880, s8;
	[tilespmem:s11+$0x30] =	vst v1  }
0xb4: {  	[spmem:s3] =	stream.indirect.scatter.add.f32 [tilespmem:s28], [sflag:$0x7], $0x40, s24, s17, $0xb8;
	[tilespmem:$0x1D000] =	vst v63  }
.Ltmp6:
0xb5: {  	(pc) =	sbr.rel .LBB2_11-.Ltmp6, $4  }
0xb6: {  	_ = 	snop  }
0xb7: {  	_ =	swait.ge [sflag:s29], $0x1000  }
0xb8: {  	[sflag:s29] =	ssyncset.done $0x0  }
0xb9: {  	[sflag:s29] =	ssyncadd.s32 $0xFFFFF000  }
.LBB2_10:
.Ltmp7:
0xba: {  	s10 =	sadd.s32 $0x200, s8;
	(pc) =	sbr.rel @p0 .LBB2_12-.Ltmp7, $4  }
0xbb: {  	[tilespmem:s18], [sflag:$0x2] =	stream.indirect.gather [hbm4b:s1+s17], $0x20, s10, s17, $0xb8;
	[tilespmem:$0x1D000] =	vst v63  }
0xbc: {  	_ =	swait.ge [sflag:s29], $0x1000  }
0xbd: {  	[sflag:s29] =	ssyncset.done $0x0  }
0xbe: {  	[sflag:s29] =	ssyncadd.s32 $0xFFFFF000  }
.LBB2_11:
0xbf: {  	_ =	swait.ge [sflag:s30], $0x2000  }
0xc0: {  	[sflag:s30] =	ssyncset.done $0x0  }
0xc1: {  	[sflag:s30] =	ssyncadd.s32 $0xFFFFE000  }
.LBB2_12:
0xc2: {  	s11 =	simm.s32 $0x7040  }
0xc3: {  	v1 =	vld [tilespmem:s11+$0x20];
	_ =	sdelay $0x1  }
0xc4: {  	v2 =	vld [tilespmem:s11+$0xFFFFFFE0]  }
0xc5: {  	v3 =	vld [tilespmem:s11+$0xFFFFFFC0];
	_ =	sdelay $0x1  }
0xc6: {  	s10 =	simm.s32 $0xD080;
	v4 =	vunpack.i.l.bf16.f32 v1  }
0xc7: {  	v5 =	vld [tilespmem:s11+$0x0];
	v1 =	vunpack.i.u.bf16.f32 v1;
	[tilespmem:s10+$0x40] =	vst v4  }
0xc8: {  	v4 =	vunpack.i.l.bf16.f32 v2;
	[tilespmem:s10+$0x50] =	vst v1  }
0xc9: {  	v1 =	vunpack.i.l.bf16.f32 v3;
	[tilespmem:s10+$0xFFFFFFC0] =	vst v4  }
0xca: {  	v3 =	vunpack.i.u.bf16.f32 v3;
	v4 =	vld [tilespmem:s11+$0x30];
	[tilespmem:s10+$0xFFFFFF80] =	vst v1  }
0xcb: {  	v1 =	vunpack.i.u.bf16.f32 v2;
	[tilespmem:s10+$0xFFFFFF90] =	vst v3  }
0xcc: {  	v2 =	vunpack.i.l.bf16.f32 v5;
	[tilespmem:s10+$0xFFFFFFD0] =	vst v1;
	v3 =	vld [tilespmem:s11+$0xFFFFFFD0]  }
0xcd: {  	v1 =	vunpack.i.u.bf16.f32 v5;
	[tilespmem:s10+$0x0] =	vst v2;
	v2 =	vld [tilespmem:s11+$0xFFFFFFF0]  }
0xce: {  	[tilespmem:s10+$0x10] =	vst v1  }
0xcf: {  	v1 =	vld [tilespmem:s11+$0x10];
	v5 =	vunpack.i.u.bf16.f32 v4  }
0xd0: {  	s12 =	simm.s32 $0x0;
	s24 =	simm.s32 $0x70C0;
	s11 =	simm.s32 $0xD080;
	v4 =	vunpack.i.l.bf16.f32 v4;
	[tilespmem:s10+$0x70] =	vst v5  }
.LBB2_13:
0xd1: {  	v5 =	vld [tilespmem:s24+$0x20];
	v6 =	vunpack.i.u.bf16.f32 v3;
	v3 =	vunpack.i.l.bf16.f32 v3;
	[tilespmem:s10+$0x60] =	vst v4  }
0xd2: {  	s12 =	sadd.s32 $0x4, s12;
	v4 =	vld [tilespmem:s24+$0xFFFFFFE0];
	[tilespmem:s10+$0xFFFFFFA0] =	vst v3;
	v3 =	vunpack.i.u.bf16.f32 v2;
	v2 =	vunpack.i.l.bf16.f32 v2  }
0xd3: {  	p2 =	slt.u32 s12, $0x7C;
	v7 =	vld [tilespmem:s24+$0x0];
	[tilespmem:s10+$0xFFFFFFB0] =	vst v6  }
0xd4: {  	v6 =	vld [tilespmem:s24+$0xFFFFFFC0];
	[tilespmem:s10+$0xFFFFFFE0] =	vst v2;
	v8 =	vunpack.i.u.bf16.f32 v1;
	v1 =	vunpack.i.l.bf16.f32 v1  }
0xd5: {  	[tilespmem:s10+$0xFFFFFFF0] =	vst v3  }
0xd6: {  	s10 =	sadd.s32 $0x100, s10;
	v2 =	vunpack.i.l.bf16.f32 v5;
	[tilespmem:s11+$0x20] =	vst v1  }
0xd7: {  	v1 =	vunpack.i.u.bf16.f32 v4;
	v3 =	vunpack.i.l.bf16.f32 v4;
	v4 =	vunpack.i.u.bf16.f32 v5;
	[tilespmem:s10+$0x40] =	vst v2  }
0xd8: {  	v5 =	vunpack.i.u.bf16.f32 v7;
	v7 =	vunpack.i.l.bf16.f32 v7;
	[tilespmem:s10+$0x50] =	vst v4  }
0xd9: {  	v2 =	vunpack.i.u.bf16.f32 v6;
	v4 =	vunpack.i.l.bf16.f32 v6;
	[tilespmem:s10+$0xFFFFFFC0] =	vst v3;
	v6 =	vld [tilespmem:s24+$0x30]  }
0xda: {  	[tilespmem:s10+$0xFFFFFF80] =	vst v4  }
0xdb: {  	[tilespmem:s10+$0xFFFFFF90] =	vst v2  }
.Ltmp8:
0xdc: {  	v3 =	vld [tilespmem:s24+$0xFFFFFFD0];
	[tilespmem:s10+$0xFFFFFFD0] =	vst v1;
	(pc) =	sbr.rel @p2 .LBB2_13-.Ltmp8, $4  }
0xdd: {  	v2 =	vld [tilespmem:s24+$0xFFFFFFF0];
	[tilespmem:s10+$0x0] =	vst v7  }
0xde: {  	[tilespmem:s10+$0x10] =	vst v5;
	v5 =	vunpack.i.u.bf16.f32 v6;
	v4 =	vunpack.i.l.bf16.f32 v6  }
0xdf: {  	v1 =	vld [tilespmem:s24+$0x10];
	[tilespmem:s10+$0x70] =	vst v5  }
0xe0: {  	s24 =	sadd.s32 $0x80, s24;
	[tilespmem:s11+$0x30] =	vst v8;
	s11 =	smov.u32 s10  }
0xe1: {  	v5 =	vunpack.i.l.bf16.f32 v3;
	[tilespmem:s10+$0x60] =	vst v4  }
0xe2: {  	v3 =	vunpack.i.u.bf16.f32 v3;
	[tilespmem:s10+$0xFFFFFFA0] =	vst v5  }
0xe3: {  	v63 =	vunpack.i.l.bf16.f32 v2;
	[tilespmem:s10+$0xFFFFFFB0] =	vst v3  }
.Ltmp9:
0xe4: {  	v2 =	vunpack.i.u.bf16.f32 v2;
	[tilespmem:s10+$0xFFFFFFE0] =	vst v63;
	(pc) =	sbr.rel @p1 .LBB2_16-.Ltmp9, $4  }
0xe5: {  	[tilespmem:s10+$0xFFFFFFF0] =	vst v2;
	v3 =	vunpack.i.l.bf16.f32 v1  }
0xe6: {  	v1 =	vunpack.i.u.bf16.f32 v1;
	[tilespmem:s11+$0x20] =	vst v3  }
0xe7: {  	s24 =	sadd.s32 $0x2900, s8;
	[tilespmem:s11+$0x30] =	vst v1  }
0xe8: {  	[spmem:s3] =	stream.indirect.scatter.add.f32 [tilespmem:s31], [sflag:$0x8], $0x40, s24, s17, $0xb8;
	[tilespmem:$0x1D000] =	vst v63  }
.Ltmp10:
0xe9: {  	(pc) =	sbr.rel .LBB2_17-.Ltmp10, $4  }
0xea: {  	_ = 	snop  }
0xeb: {  	_ =	swait.ge [sflag:s2], $0x1000  }
0xec: {  	[sflag:s2] =	ssyncset.done $0x0  }
0xed: {  	[sflag:s2] =	ssyncadd.s32 $0xFFFFF000  }
.LBB2_16:
.Ltmp11:
0xee: {  	s10 =	sadd.s32 $0x280, s8;
	(pc) =	sbr.rel @p0 .LBB2_18-.Ltmp11, $4  }
0xef: {  	[tilespmem:s19], [sflag:$0x3] =	stream.indirect.gather [hbm4b:s1+s17], $0x20, s10, s17, $0xb8;
	[tilespmem:$0x1D000] =	vst v63  }
0xf0: {  	_ =	swait.ge [sflag:s2], $0x1000  }
0xf1: {  	[sflag:s2] =	ssyncset.done $0x0  }
0xf2: {  	[sflag:s2] =	ssyncadd.s32 $0xFFFFF000  }
.LBB2_17:
0xf3: {  	_ =	swait.ge [sflag:s13], $0x2000  }
0xf4: {  	[sflag:s13] =	ssyncset.done $0x0  }
0xf5: {  	[sflag:s13] =	ssyncadd.s32 $0xFFFFE000  }
.LBB2_18:
0xf6: {  	s11 =	simm.s32 $0x8040  }
0xf7: {  	v1 =	vld [tilespmem:s11+$0x20];
	_ =	sdelay $0x1  }
0xf8: {  	v2 =	vld [tilespmem:s11+$0xFFFFFFE0]  }
0xf9: {  	v3 =	vld [tilespmem:s11+$0xFFFFFFC0];
	_ =	sdelay $0x1  }
0xfa: {  	s10 =	simm.s32 $0xF080;
	v4 =	vunpack.i.l.bf16.f32 v1  }
0xfb: {  	v5 =	vld [tilespmem:s11+$0x0];
	v1 =	vunpack.i.u.bf16.f32 v1;
	[tilespmem:s10+$0x40] =	vst v4  }
0xfc: {  	v4 =	vunpack.i.l.bf16.f32 v2;
	[tilespmem:s10+$0x50] =	vst v1  }
0xfd: {  	v1 =	vunpack.i.l.bf16.f32 v3;
	[tilespmem:s10+$0xFFFFFFC0] =	vst v4  }
0xfe: {  	v3 =	vunpack.i.u.bf16.f32 v3;
	v4 =	vld [tilespmem:s11+$0x30];
	[tilespmem:s10+$0xFFFFFF80] =	vst v1  }
0xff: {  	v1 =	vunpack.i.u.bf16.f32 v2;
	[tilespmem:s10+$0xFFFFFF90] =	vst v3  }
0x100: {  	v2 =	vunpack.i.l.bf16.f32 v5;
	[tilespmem:s10+$0xFFFFFFD0] =	vst v1;
	v3 =	vld [tilespmem:s11+$0xFFFFFFD0]  }
0x101: {  	v1 =	vunpack.i.u.bf16.f32 v5;
	[tilespmem:s10+$0x0] =	vst v2;
	v2 =	vld [tilespmem:s11+$0xFFFFFFF0]  }
0x102: {  	[tilespmem:s10+$0x10] =	vst v1  }
0x103: {  	v1 =	vld [tilespmem:s11+$0x10];
	v5 =	vunpack.i.u.bf16.f32 v4  }
0x104: {  	s12 =	simm.s32 $0x0;
	s24 =	simm.s32 $0x80C0;
	s11 =	simm.s32 $0xF080;
	v4 =	vunpack.i.l.bf16.f32 v4;
	[tilespmem:s10+$0x70] =	vst v5  }
.LBB2_19:
0x105: {  	v5 =	vld [tilespmem:s24+$0x20];
	v6 =	vunpack.i.u.bf16.f32 v3;
	v3 =	vunpack.i.l.bf16.f32 v3;
	[tilespmem:s10+$0x60] =	vst v4  }
0x106: {  	s12 =	sadd.s32 $0x4, s12;
	v4 =	vld [tilespmem:s24+$0xFFFFFFE0];
	[tilespmem:s10+$0xFFFFFFA0] =	vst v3;
	v3 =	vunpack.i.u.bf16.f32 v2;
	v2 =	vunpack.i.l.bf16.f32 v2  }
0x107: {  	p0 =	slt.u32 s12, $0x7C;
	v7 =	vld [tilespmem:s24+$0x0];
	[tilespmem:s10+$0xFFFFFFB0] =	vst v6  }
0x108: {  	v6 =	vld [tilespmem:s24+$0xFFFFFFC0];
	[tilespmem:s10+$0xFFFFFFE0] =	vst v2;
	v8 =	vunpack.i.u.bf16.f32 v1;
	v1 =	vunpack.i.l.bf16.f32 v1  }
0x109: {  	[tilespmem:s10+$0xFFFFFFF0] =	vst v3  }
0x10a: {  	s10 =	sadd.s32 $0x100, s10;
	v2 =	vunpack.i.l.bf16.f32 v5;
	[tilespmem:s11+$0x20] =	vst v1  }
0x10b: {  	v1 =	vunpack.i.u.bf16.f32 v4;
	v3 =	vunpack.i.l.bf16.f32 v4;
	v4 =	vunpack.i.u.bf16.f32 v5;
	[tilespmem:s10+$0x40] =	vst v2  }
0x10c: {  	v5 =	vunpack.i.u.bf16.f32 v7;
	v7 =	vunpack.i.l.bf16.f32 v7;
	[tilespmem:s10+$0x50] =	vst v4  }
0x10d: {  	v2 =	vunpack.i.u.bf16.f32 v6;
	v4 =	vunpack.i.l.bf16.f32 v6;
	[tilespmem:s10+$0xFFFFFFC0] =	vst v3;
	v6 =	vld [tilespmem:s24+$0x30]  }
0x10e: {  	[tilespmem:s10+$0xFFFFFF80] =	vst v4  }
0x10f: {  	[tilespmem:s10+$0xFFFFFF90] =	vst v2  }
.Ltmp12:
0x110: {  	v3 =	vld [tilespmem:s24+$0xFFFFFFD0];
	[tilespmem:s10+$0xFFFFFFD0] =	vst v1;
	(pc) =	sbr.rel @p0 .LBB2_19-.Ltmp12, $4  }
0x111: {  	v2 =	vld [tilespmem:s24+$0xFFFFFFF0];
	[tilespmem:s10+$0x0] =	vst v7  }
0x112: {  	[tilespmem:s10+$0x10] =	vst v5;
	v5 =	vunpack.i.u.bf16.f32 v6;
	v4 =	vunpack.i.l.bf16.f32 v6  }
0x113: {  	v1 =	vld [tilespmem:s24+$0x10];
	[tilespmem:s10+$0x70] =	vst v5  }
0x114: {  	s24 =	sadd.s32 $0x80, s24;
	[tilespmem:s11+$0x30] =	vst v8;
	s11 =	smov.u32 s10  }
0x115: {  	v5 =	vunpack.i.l.bf16.f32 v3;
	[tilespmem:s10+$0x60] =	vst v4  }
0x116: {  	v3 =	vunpack.i.u.bf16.f32 v3;
	[tilespmem:s10+$0xFFFFFFA0] =	vst v5  }
0x117: {  	p0 =	seq.s32 s6, $0x13;
	v63 =	vunpack.i.l.bf16.f32 v2;
	[tilespmem:s10+$0xFFFFFFB0] =	vst v3  }
.Ltmp13:
0x118: {  	v2 =	vunpack.i.u.bf16.f32 v2;
	[tilespmem:s10+$0xFFFFFFE0] =	vst v63;
	(pc) =	sbr.rel @p0 .LBB2_22-.Ltmp13, $4  }
0x119: {  	[tilespmem:s10+$0xFFFFFFF0] =	vst v2;
	v3 =	vunpack.i.l.bf16.f32 v1  }
0x11a: {  	v1 =	vunpack.i.u.bf16.f32 v1;
	[tilespmem:s11+$0x20] =	vst v3  }
0x11b: {  	s9 =	sadd.s32 $0x2800, s9;
	[tilespmem:s11+$0x30] =	vst v1  }
0x11c: {  	[spmem:s3] =	stream.indirect.scatter.add.f32 [tilespmem:s20], [sflag:$0x9], $0x40, s9, s17, $0xb8;
	[tilespmem:$0x1D000] =	vst v63  }
.Ltmp14:
0x11d: {  	(pc) =	sbr.rel .LBB2_4-.Ltmp14, $3  }
0x11e: {  	_ =	sdelay $0x1  }
0x11f: {  	s8 =	sadd.s32 $0x300, s8;
	s6 =	sadd.s32 $0x1, s6  }
0x120: {  	[tilespmem:s21], [sflag:$0x4] =	stream.indirect.gather [hbm4b:s1+s17], $0x20, s8, s17, $0xb8;
	[tilespmem:$0x1D000] =	vst v63  }
.LBB2_23:
0x121: {  	_ =	sfence.sel $0x180000  }
0x122: {  	[bflag:$0x0] =	sbarrier.arrive $0xFFFF  }
0x123: {  	_ =	strace $0x9000004A  }
0x124: {  	s0 =	stileid.u32;
	[bflag:$0x2] =	sbarrier.arrive $0xFFFF  }
0x125: {  	p0 =	sne.s32 s0, $0x0;
	s0 =	rddreg [dreg:$0x3]  }
0x126: {  	s0 =	sadd.s32 @!p0 $0x100000, s0  }
0x127: {  	[sflag:s0] =	ssyncadd.tile.s32 @!p0 $0x1;
	_ =	shalt  }
.Lfunc_end2:
_tile_overlayer_lowered:
.L_overlay_start_2:
0x128: {  	(tag) =	ssettag $0x2  }
0x129: {  	s0 =	rddreg [dreg:$0x0];
	s2 =	stileid.u32  }
0x12a: {  	s1 =	rddreg [dreg:$0x1];
	p0 =	sne.s32 s2, $0x0  }
0x12b: {  	s3 =	rddreg [dreg:$0x2];
	[bflag:$0x3] =	sbarrier.arrive $0xFFFF;
	s2 =	simm.s32 @!p0 $0x1C0A  }
0x12c: {  	[timem:s3], [sflag:s2] =	dma.local @!p0 [hbm:s0], s1  }
0x12d: {  	s0 =	simm.s32 @!p0 $0xA  }
0x12e: {  	_ =	swait.ge @!p0 [sflag:s0], s1  }
0x12f: {  	s1 =	ssub.s32 @!p0 $0x0, s1;
	[sflag:s0] =	ssyncset.done @!p0 $0x0  }
0x130: {  	[sflag:s0] =	ssyncadd.s32 @!p0 s1  }
0x131: {  	[bflag:$0x3] =	sbarrier.arrive $0xFFFF  }
0x132: {  	_ =	shalt  }

// kernel: kernel.7.cloned.1.call-start
scs
__scs_entry_jumppad:
0x0: {  	(pc) =	sbr.rel $0x88, $3  }
0x1: {  	(tag) =	ssettag $0x0;
	lr =	simm.s32 $0x1  }
0x2: {  	[smem:$0x3F99] =	sst lr;
	_ =	strace $0xD0000000  }
0x3: {  	_ = 	snop  }
0x4: {  	_ = 	snop  }
0x5: {  	_ = 	snop  }
0x6: {  	_ = 	snop  }
0x7: {  	_ = 	snop  }
__scs_overlays_trampoline_lowered:
0x8: {  	[smem:$0x3FA8] =	sst s0  }
0x9: {  	[smem:$0x3FA9] =	sst s1  }
0xa: {  	[smem:$0x3FAA] =	sst s2  }
0xb: {  	[smem:$0x3FAB] =	sst s3  }
0xc: {  	[smem:$0x3FAC] =	sst s4  }
0xd: {  	[smem:$0x3FAD] =	sst s5  }
0xe: {  	[smem:$0x3FAE] =	sst s6  }
0xf: {  	[smem:$0x3FAF] =	sst s7  }
0x10: {  	[smem:$0x3FB0] =	sst s8  }
0x11: {  	[smem:$0x3FB1] =	sst s9;
	s0 =	simm.s32 @!p0 $0x0  }
0x12: {  	s1 =	sld [smem:$0x3F97];
	s0 =	simm.s32 @p0 $0x1  }
0x13: {  	[smem:$0x3FB2] =	sst s0;
	s0 =	simm.s32 @!p1 $0x0  }
0x14: {  	s2 =	sld [smem:$0x3F96];
	s0 =	simm.s32 @p1 $0x1  }
0x15: {  	[smem:$0x3FB3] =	sst s0;
	s0 =	simm.s32 @!p2 $0x0  }
0x16: {  	s3 =	sld [smem:$0x3FDB];
	s0 =	simm.s32 @p2 $0x1  }
0x17: {  	s4 =	simm.s32 $0x1BF5;
	[smem:$0x3FB5] =	sst s0  }
0x18: {  	s0 =	sld [smem:$0x3F98];
	_ =	swait.ge [sflag:s4], $0x0  }
0x19: {  	s7 =	sld [smem:$0x3F99]  }
0x1a: {  	s8 =	sadd.s32 $0xFFFFE003, lr  }
0x1b: {  	s9 =	sadd.s32 $0xFFFFFEF7, lr;
	s5 =	simm.s32 $0xFFFFFFFF;
	p2 =	slt.u32 s8, $0xFFFFF086  }
0x1c: {  	p1 =	slt.u32 s9, $0xF7A;
	s5 =	simm.s32 @!p2 $0x0  }
0x1d: {  	s5 =	simm.s32 @p1 $0x1;
	p0 =	seq.s32 s7, s2  }
0x1e: {  	s7 =	smul.u32 @!p0 $0xF7A, s2;
	p2 =	seq.s32 @!p0 s5, $0x0  }
0x1f: {  	s9 =	smul.u32 $0xF7A, s1;
	s8 =	simm.s32 @!p0 $0x1BF5;
	p2 =	por !p2, p0  }
0x20: {  	[sflag:s8] =	ssyncset.s32 @!p0 $0xFFFFF086;
	s6 =	sadd.s32 @!p0 s3, s7;
	s7 =	simm.s32 @!p0 $0x108  }
0x21: {  	s3 =	sadd.s32 s3, s9;
	s6 =	sadd.s32 @!p0 $0x88, s6;
	s7 =	simm.s32 @p2 $0x1082  }
0x22: {  	[simem:s7], [sflag:s8] =	dma.local @!p0 [hbm:s6], $0xF7A  }
0x23: {  	s9 =	sor.u32 $0xD0000000, s2;
	s6 =	simm.s32 $0x108;
	_ =	swait.ge @!p0 [sflag:s8], $0x0  }
0x24: {  	s3 =	sadd.s32 $0x88, s3;
	s6 =	simm.s32 @!p1 $0x1082;
	[sflag:s4] =	ssyncset.s32 $0xFFFFF086  }
0x25: {  	[simem:s6], [sflag:s4] =	dma.local [hbm:s3], $0xF7A  }
0x26: {  	[smem:$0x3F99] =	sst s1;
	(tag) =	ssettag s2;
	_ =	strace s9  }
0x27: {  	s1 =	sld [smem:$0x3FA9]  }
0x28: {  	s2 =	sld [smem:$0x3FAA]  }
0x29: {  	s4 =	sld [smem:$0x3FAC]  }
0x2a: {  	p0 =	seq.s32 s5, $0x0;
	s5 =	sld [smem:$0x3FAD]  }
0x2b: {  	s6 =	sld [smem:$0x3FAE]  }
0x2c: {  	s7 =	sld [smem:$0x3FAF]  }
0x2d: {  	s3 =	simm.s32 $0x108;
	s8 =	sld [smem:$0x3FB0]  }
0x2e: {  	s3 =	simm.s32 @!p0 $0x1082;
	s9 =	sld [smem:$0x3FB1]  }
0x2f: {  	lr =	sadd.s32 s0, s3;
	s0 =	sld [smem:$0x3FA8]  }
0x30: {  	s3 =	sld [smem:$0x3FAB]  }
0x31: {  	[smem:$0x3FB4] =	sst s10  }
0x32: {  	s10 =	sld [smem:$0x3FB2];
	_ =	sdelay $0x3  }
0x33: {  	p0 =	seq.s32 s10, $0x1;
	s10 =	sld [smem:$0x3FB4];
	_ =	sdelay $0x3  }
0x34: {  	[smem:$0x3FB4] =	sst s10  }
0x35: {  	s10 =	sld [smem:$0x3FB3];
	_ =	sdelay $0x3  }
0x36: {  	p1 =	seq.s32 s10, $0x1;
	s10 =	sld [smem:$0x3FB4];
	_ =	sdelay $0x3  }
0x37: {  	[smem:$0x3FB4] =	sst s10  }
0x38: {  	s10 =	sld [smem:$0x3FB5]  }
0x39: {  	_ = 	snop;
	(pc) =	sbr.ind lr, $3  }
0x3a: {  	_ = 	snop  }
0x3b: {  	_ = 	snop  }
0x3c: {  	p2 =	seq.s32 s10, $0x1;
	s10 =	sld [smem:$0x3FB4]  }
0x3d: {  	_ =	shalt  }
0x3e: {  	_ =	shalt  }
0x3f: {  	_ =	shalt  }
0x40: {  	_ =	shalt  }
0x41: {  	_ =	shalt  }
0x42: {  	_ =	shalt  }
0x43: {  	_ =	shalt  }
0x44: {  	_ =	shalt  }
0x45: {  	_ =	shalt  }
0x46: {  	_ =	shalt  }
0x47: {  	_ =	shalt  }
0x48: {  	_ =	shalt  }
0x49: {  	_ =	shalt  }
0x4a: {  	_ =	shalt  }
0x4b: {  	_ =	shalt  }
0x4c: {  	_ =	shalt  }
0x4d: {  	_ =	shalt  }
0x4e: {  	_ =	shalt  }
0x4f: {  	_ =	shalt  }
0x50: {  	_ =	shalt  }
0x51: {  	_ =	shalt  }
0x52: {  	_ =	shalt  }
0x53: {  	_ =	shalt  }
0x54: {  	_ =	shalt  }
0x55: {  	_ =	shalt  }
0x56: {  	_ =	shalt  }
0x57: {  	_ =	shalt  }
0x58: {  	_ =	shalt  }
0x59: {  	_ =	shalt  }
0x5a: {  	_ =	shalt  }
0x5b: {  	_ =	shalt  }
0x5c: {  	_ =	shalt  }
0x5d: {  	_ =	shalt  }
0x5e: {  	_ =	shalt  }
0x5f: {  	_ =	shalt  }
0x60: {  	_ =	shalt  }
0x61: {  	_ =	shalt  }
0x62: {  	_ =	shalt  }
0x63: {  	_ =	shalt  }
0x64: {  	_ =	shalt  }
0x65: {  	_ =	shalt  }
0x66: {  	_ =	shalt  }
0x67: {  	_ =	shalt  }
0x68: {  	_ =	shalt  }
0x69: {  	_ =	shalt  }
0x6a: {  	_ =	shalt  }
0x6b: {  	_ =	shalt  }
0x6c: {  	_ =	shalt  }
0x6d: {  	_ =	shalt  }
0x6e: {  	_ =	shalt  }
0x6f: {  	_ =	shalt  }
0x70: {  	_ =	shalt  }
0x71: {  	_ =	shalt  }
0x72: {  	_ =	shalt  }
0x73: {  	_ =	shalt  }
0x74: {  	_ =	shalt  }
0x75: {  	_ =	shalt  }
0x76: {  	_ =	shalt  }
0x77: {  	_ =	shalt  }
0x78: {  	_ =	shalt  }
0x79: {  	_ =	shalt  }
0x7a: {  	_ =	shalt  }
0x7b: {  	_ =	shalt  }
0x7c: {  	_ =	shalt  }
0x7d: {  	_ =	shalt  }
0x7e: {  	_ =	shalt  }
0x7f: {  	_ =	shalt  }
0x80: {  	_ =	shalt  }
0x81: {  	_ =	shalt  }
0x82: {  	_ =	shalt  }
0x83: {  	_ =	shalt  }
0x84: {  	_ =	shalt  }
0x85: {  	_ =	shalt  }
0x86: {  	_ =	shalt  }
0x87: {  	_ =	shalt  }
.Lfunc_end0:
.L_simem_size_0:
called_computation_lowered:
.L_overlay_start_0:
0x88: {  	s2 =	sld [smem:$0x3FD9]  }
0x89: {  	s3 =	sld [smem:$0x3FFE];
	_ =	sdelay $0x1  }
0x8a: {  	s1 =	srdreg.scid  }
0x8b: {  	s0 =	sand.u32 $0x1, s1  }
0x8c: {  	s16 =	sshll.u32 s0, $0xA;
	s2 =	sadd.s32 s3, s2  }
0x8d: {  	s2 =	sadd.s32 s2, s16  }
0x8e: {  	[smem:$0x3FC0] =	sst s2  }
0x8f: {  	_ = 	snop  }
0x90: {  	(tm) =	ssettm $0x1  }
0x91: {  	s17 =	sld [smem:$0x3FFB];
	_ =	sdelay $0x3  }
0x92: {  	_ =	strace s17  }
0x93: {  	s2 =	sld [smem:$0x3FFC];
	_ =	sdelay $0x3  }
0x94: {  	_ =	strace s2  }
0x95: {  	s2 =	sld [smem:$0x3FFD];
	_ =	sdelay $0x3  }
0x96: {  	_ =	strace s2  }
0x97: {  	_ =	strace $0x8FFFFFFF  }
0x98: {  	s18 =	sld [smem:$0x3FDB];
	_ =	sdelay $0x1  }
0x99: {  	s19 =	simm.s32 $_scs_section_size  }
0x9a: {  	s4 =	simm.s32 $_size__tile_overlayer_lowered;
	s5 =	simm.s32 $_tile_overlayer_lowered  }
0x9b: {  	s22 =	simm.s32 $0x1BFF;
	s21 =	sshll.u32 s5, $0x1;
	s2 =	sadd.s32 s19, s18  }
0x9c: {  	s6 =	simm.s32 $0x0;
	s20 =	sshll.u32 s4, $0x1;
	s4 =	sadd.s32 s21, s2  }
0x9d: {  	[timem:s6], [sflag:s22] =	dma.local [hbm:s4], s20  }
0x9e: {  	_ =	swait.ge [sflag:s22], s20  }
0x9f: {  	s3 =	ssub.s32 $0x0, s20;
	[sflag:s22] =	ssyncset.done $0x0  }
0xa0: {  	[sflag:s22] =	ssyncadd.s32 s3;
	_ =	sdelay $0x1  }
0xa1: {  	s23 =	simm.s32 $0x1B8B  }
0xa2: {  	_ =	swait.ge [sflag:s23], $0x1  }
0xa3: {  	[sflag:s23] =	ssyncset.done $0x0  }
0xa4: {  	s25 =	simm.s32 $0x1B8E;
	s24 =	sld [smem:$0x3FFE];
	[sflag:s23] =	ssyncadd.s32 $0xFFFFFFFF  }
0xa5: {  	s26 =	simm.s32 $execute0_lowered;
	[smem:$0x3FD2] =	sst s25  }
0xa6: {  	s4 =	sshll.u32 s26, $0x1;
	_ =	strace $0x80000046;
	[dreg:$0x1] =	wrdreg $0xFFFFFFFF  }
0xa7: {  	s28 =	simm.s32 $_size_execute0_lowered;
	s2 =	sadd.s32 s2, s4;
	[dreg:$0x0] =	wrdreg $0x0  }
0xa8: {  	s4 =	sshll.u32 s28, $0x1;
	[dreg:$0x2] =	wrdreg s2  }
0xa9: {  	[dreg:$0x3] =	wrdreg s4  }
0xaa: {  	[dreg:$0x4] =	wrdreg $0xC0  }
0xab: {  	_ =	task [dreg:s6], $0x5FFFF  }
0xac: {  	[dreg:$0x1] =	wrdreg $0xFFFFFFFF  }
0xad: {  	[dreg:$0x0] =	wrdreg $0x60  }
0xae: {  	[dreg:$0x2] =	wrdreg s24  }
0xaf: {  	[dreg:$0x3] =	wrdreg $0x158000  }
0xb0: {  	[dreg:$0x4] =	wrdreg $0x9  }
0xb1: {  	_ =	task.clear_ibuf [dreg:s6], $0x5FFFF;
	_ =	strace $0x90000046  }
0xb2: {  	s29 =	simm.s32 $0x9;
	_ =	strace $0x80000048  }
0xb3: {  	_ =	swait.ge [sflag:s29], $0x1  }
0xb4: {  	[sflag:s29] =	ssyncadd.s32 $0xFFFFFFFF  }
0xb5: {  	_ =	strace $0x90000048  }
0xb6: {  	_ =	sfence  }
0xb7: {  	s30 =	sld [smem:$0x0];
	_ =	sdelay $0x2  }
0xb8: {  	s31 =	sshll.u32 s1, $0xD;
	s1 =	sshrl.u32 s1, $0x2  }
0xb9: {  	s3 =	sand.u32 $0x4000, s31;
	s1 =	sadd.s32 s1, s30  }
0xba: {  	s0 =	sor.u32 s3, s0;
	s1 =	sshll.u32 s1, $0x11  }
0xbb: {  	s0 =	sor.u32 s1, s0  }
0xbc: {  	s0 =	sadd.s32 $0x8F2B, s0  }
0xbd: {  	[sflag:s0] =	ssyncadd.remote.s32 $0x1  }
0xbe: {  	_ =	sfence.sel $0xFFFF  }
0xbf: {  	[dreg:$0x0] =	wrdreg $0xFFFFFFFF;
	(pc) =	sbr.abs _section_cstart, $3  }
0xc0: {  	[dreg:$0x1] =	wrdreg $0xFFFFFFFF  }
0xc1: {  	_ =	task.clear_ibuf [dreg:s6], $0x2FFFF;
	_ =	strace $0x9FFFFFFF  }
0xc2: {  	(tm) =	ssettm $0x7FFFFFFF  }
0xc3: {  	_ =	shalt  }
tec
execute0_lowered:
.L_overlay_start_1:
0x0: {  	(tag) =	ssettag $0x1  }
0x1: {  	s0 =	srdreg.scid  }
0x2: {  	s8 =	stileid.u32;
	s1 =	rddreg [dreg:$0x0]  }
0x3: {  	s2 =	rddreg [dreg:$0x1];
	s10 =	simm.s32 $0x0;
	s14 =	simm.s32 $0x13800  }
0x4: {  	s15 =	simm.s32 $0xA;
	s16 =	simm.s32 $0x1;
	s17 =	simm.s32 $0x80  }
0x5: {  	s28 =	simm.s32 $0x8000;
	s29 =	simm.s32 $0x3;
	s30 =	simm.s32 $0xB000  }
0x6: {  	s31 =	simm.s32 $0x4;
	s13 =	simm.s32 $0xD000;
	s7 =	smul.u32 $0x28000, s8  }
0x7: {  	s0 =	sand.u32 $0x1, s0;
	s3 =	sshll.u32 s8, $0x1;
	s19 =	smul.u32 $0xA000, s8  }
0x8: {  	[smem:$0x7FF] =	sst s10;
	s4 =	sadd.s32 $0x1800, s1;
	s24 =	smul.u32 $0x500, s8  }
0x9: {  	s8 =	simm.s32 $0x7;
	s3 =	sor.u32 s0, s3;
	s5 =	smul.u32 $0x14000, s0  }
0xa: {  	_ =	strace $0x80000047;
	s6 =	smul.u32 $0x5000, s0;
	s0 =	ssub.s32 $0x2, s0  }
0xb: {  	s3 =	smul.u32 $0x500, s3;
	s18 =	sshrl.u32 s0, $0x1;
	s7 =	sshrl.u32 s7, $0x2  }
0xc: {  	s5 =	sadd.s32 s5, s1;
	s0 =	ssub.s32 s0, s18;
	s20 =	sadd.s32 s7, s2  }
0xd: {  	s7 =	sadd.s32 s19, s2;
	s18 =	simm.s32 $0x5000;
	s3 =	sadd.s32 s3, s1  }
0xe: {  	s1 =	sadd.s32 s6, s1;
	s21 =	sadd.s32 $0x2000, s20;
	s22 =	sadd.s32 $0x4000, s20  }
0xf: {  	s23 =	sadd.s32 $0x6000, s20;
	s5 =	sadd.s32 $0x1F600, s5;
	[dreg:$0x5] =	wrdreg s21  }
0x10: {  	s6 =	sshrl.u32 s19, $0x3;
	s0 =	smax.u32 s0, $0x1;
	[dreg:$0x6] =	wrdreg s22  }
0x11: {  	s19 =	simm.s32 $0x6000;
	s9 =	sadd.s32 $0xB600, s3;
	[dreg:$0x7] =	wrdreg s23  }
0x12: {  	s3 =	sadd.s32 $0x15600, s3;
	s1 =	sadd.s32 $0x47600, s1;
	[dreg:$0x9] =	wrdreg s0  }
0x13: {  	s21 =	simm.s32 $0x7000;
	s23 =	simm.s32 $0x2;
	s26 =	sadd.s32 s6, s5  }
.Ltmp0:
0x14: {  	s0 =	simm.s32 $0x9;
	[dreg:$0x3] =	wrdreg s9;
	(pc) =	sbr.rel .LBB2_1-.Ltmp0, $4  }
0x15: {  	s5 =	simm.s32 $0xF000;
	[dreg:$0x4] =	wrdreg s3;
	s3 =	sadd.s32 $0x8000, s20  }
0x16: {  	s25 =	sadd.s32 s24, s1;
	[dreg:$0xb] =	wrdreg s26;
	s26 =	simm.s32 $0x11000  }
0x17: {  	s1 =	simm.s32 $0x8;
	s20 =	simm.s32 $0x5;
	[dreg:$0x8] =	wrdreg s3  }
0x18: {  	v0 =	vimm.f32 $0.0e+00;
	v1 =	vimm.f32 $1.000000000e+00;
	s9 =	simm.s32 $0x0;
	[dreg:$0xa] =	wrdreg s25;
	s25 =	simm.s32 $0x9000  }
.LBB2_24:
0x19: {  	s3 =	simm.s32 $0x6  }
0x1a: {  	_ =	swait.ge [sflag:s3], $0x2000  }
0x1b: {  	[sflag:s3] =	ssyncset.done $0x0  }
0x1c: {  	[sflag:s3] =	ssyncadd.s32 $0xFFFFE000  }
0x1d: {  	_ =	swait.ge [sflag:s8], $0x2000  }
0x1e: {  	[sflag:s8] =	ssyncset.done $0x0  }
0x1f: {  	[sflag:s8] =	ssyncadd.s32 $0xFFFFE000  }
0x20: {  	_ =	swait.ge [sflag:s1], $0x2000  }
0x21: {  	[sflag:s1] =	ssyncset.done $0x0  }
0x22: {  	[sflag:s1] =	ssyncadd.s32 $0xFFFFE000  }
0x23: {  	_ =	swait.ge [sflag:s0], $0x2000  }
0x24: {  	[sflag:s0] =	ssyncset.done $0x0  }
0x25: {  	s10 =	simm.s32 $0x0;
	s12 =	rddreg [dreg:$0xa];
	[sflag:s0] =	ssyncadd.s32 $0xFFFFE000  }
0x26: {  	[hbm4b:s12+s10] =	stream.linear.scatter [tilespmem:s26], [sflag:$0xA], $0x2800, $0x38;
	[tilespmem:$0x1F800] =	vst v63  }
0x27: {  	_ =	swait.ge [sflag:s15], $0x2800  }
0x28: {  	[sflag:s15] =	ssyncset.done $0x0  }
0x29: {  	s22 =	stileid.u32;
	[sflag:s15] =	ssyncadd.s32 $0xFFFFD800  }
0x2a: {  	s3 =	sshll.u32 s22, $0x6;
	[bflag:$0x0] =	sbarrier.arrive $0xFFFF  }
0x2b: {  	s6 =	sshrl.u32 s7, $0x3;
	s3 =	sor.u32 $0x1C0A, s3;
	s11 =	rddreg [dreg:$0xb]  }
0x2c: {  	[hbm:s11], [sflag:s3] =	dma.local [spmem:s6], $0x1400  }
0x2d: {  	_ =	swait.ge [sflag:s15], $0x1400  }
0x2e: {  	s9 =	sadd.s32 $0x1, s9;
	s24 =	rddreg [dreg:$0x9]  }
0x2f: {  	p0 =	sne.s32 s9, s24  }
.Ltmp1:
0x30: {  	_ = 	snop;
	(pc) =	sbr.rel @!p0 .LBB2_25-.Ltmp1, $3  }
0x31: {  	_ =	sdelay $0x1  }
0x32: {  	[sflag:s15] =	ssyncset.done $0x0  }
0x33: {  	[sflag:s15] =	ssyncadd.s32 $0xFFFFEC00  }
.LBB2_1:
0x34: {  	s3 =	rddreg [dreg:$0x3]  }
0x35: {  	[tilespmem:s10], [sflag:$0x1] =	stream.linear.gather [hbm4b:s3+s10], $0x2800, $0x38;
	[tilespmem:$0x1F800] =	vst v63  }
0x36: {  	s24 =	rddreg [dreg:$0x4];
	s6 =	simm.s32 $0x2800;
	s3 =	simm.s32 $0x0  }
0x37: {  	[tilespmem:s6], [sflag:$0x1] =	stream.linear.gather [hbm4b:s24+s10], $0x2800, $0x38;
	[tilespmem:$0x1F800] =	vst v63  }
.LBB2_2:
0x38: {  	p0 =	sne.s32 s3, $0x7F00  }
.Ltmp2:
0x39: {  	s6 =	sshra.s32 s3, $0x2;
	(pc) =	sbr.rel @p0 .LBB2_2-.Ltmp2, $4  }
0x3a: {  	[tilespmem:s6+$0x13800] =	vst v0  }
0x3b: {  	[tilespmem:s6+$0x13810] =	vst v0  }
0x3c: {  	[tilespmem:s6+$0x13820] =	vst v0  }
0x3d: {  	s3 =	sadd.s32 $0x100, s3;
	[tilespmem:s6+$0x13830] =	vst v0  }
0x3e: {  	s3 =	simm.s32 $0x40;
	s6 =	simm.s32 $0x0  }
.LBB2_4:
0x3f: {  	p0 =	sne.s32 s3, $0x9FC0;
	[tilespmem:s6+$0x11000] =	vst v0;
	s6 =	smov.u32 s3;
	s3 =	sadd.s32 $0x40, s3  }
.Ltmp3:
0x40: {  	(pc) =	sbr.rel @p0 .LBB2_4-.Ltmp3, $2  }
0x41: {  	_ =	sdelay $0x2  }
0x42: {  	s6 =	sshra.s32 s6, $0x2  }
0x43: {  	[tilespmem:s6+$0x11000] =	vst v0  }
0x44: {  	[spmem:s7] =	stream.linear.scatter [tilespmem:s14], [sflag:$0xA], $0x2000, $0x38;
	[tilespmem:$0x1F800] =	vst v63  }
0x45: {  	_ =	swait.ge [sflag:s15], $0x2000  }
0x46: {  	[sflag:s15] =	ssyncset.done $0x0  }
0x47: {  	s3 =	rddreg [dreg:$0x5];
	[sflag:s15] =	ssyncadd.s32 $0xFFFFE000  }
0x48: {  	[spmem:s3] =	stream.linear.scatter [tilespmem:s14], [sflag:$0xA], $0x2000, $0x38;
	[tilespmem:$0x1F800] =	vst v63  }
0x49: {  	_ =	swait.ge [sflag:s15], $0x2000  }
0x4a: {  	[sflag:s15] =	ssyncset.done $0x0  }
0x4b: {  	s11 =	rddreg [dreg:$0x6];
	[sflag:s15] =	ssyncadd.s32 $0xFFFFE000  }
0x4c: {  	[spmem:s11] =	stream.linear.scatter [tilespmem:s14], [sflag:$0xA], $0x2000, $0x38;
	[tilespmem:$0x1F800] =	vst v63  }
0x4d: {  	_ =	swait.ge [sflag:s15], $0x2000  }
0x4e: {  	[sflag:s15] =	ssyncset.done $0x0  }
0x4f: {  	s12 =	rddreg [dreg:$0x7];
	[sflag:s15] =	ssyncadd.s32 $0xFFFFE000  }
0x50: {  	[spmem:s12] =	stream.linear.scatter [tilespmem:s14], [sflag:$0xA], $0x2000, $0x38;
	[tilespmem:$0x1F800] =	vst v63  }
0x51: {  	_ =	swait.ge [sflag:s15], $0x2000  }
0x52: {  	[sflag:s15] =	ssyncset.done $0x0  }
0x53: {  	s22 =	rddreg [dreg:$0x8];
	[sflag:s15] =	ssyncadd.s32 $0xFFFFE000  }
0x54: {  	[spmem:s22] =	stream.linear.scatter [tilespmem:s14], [sflag:$0xA], $0x2000, $0x38;
	[tilespmem:$0x1F800] =	vst v63  }
0x55: {  	_ =	swait.ge [sflag:s15], $0x2000  }
0x56: {  	[sflag:s15] =	ssyncset.done $0x0  }
0x57: {  	[sflag:s15] =	ssyncadd.s32 $0xFFFFE000  }
0x58: {  	[bflag:$0x0] =	sbarrier.arrive $0xFFFF  }
0x59: {  	_ =	swait.ge [sflag:s16], $0x2800  }
0x5a: {  	[sflag:s16] =	ssyncset.done $0x0  }
0x5b: {  	[sflag:s16] =	ssyncadd.s32 $0xFFFFD800  }
0x5c: {  	_ =	swait.ge [sflag:s16], $0x2800  }
0x5d: {  	[sflag:s16] =	ssyncset.done $0x0  }
0x5e: {  	s10 =	simm.s32 $0x0;
	[sflag:s16] =	ssyncadd.s32 $0xFFFFD800  }
0x5f: {  	[tilespmem:s18], [sflag:$0x2] =	stream.indirect.gather [hbm4b:s4+s17], $0x20, s10, s17, $0xb8;
	[tilespmem:$0x1F800] =	vst v63  }
0x60: {  	_ = 	snop  }
0x61: {  	[tilespmem:s19], [sflag:$0x3] =	stream.indirect.gather [hbm4b:s4+s17], $0x20, s17, s17, $0xb8;
	[tilespmem:$0x1F800] =	vst v63  }
0x62: {  	s24 =	simm.s32 $0x100  }
0x63: {  	[tilespmem:s21], [sflag:$0x4] =	stream.indirect.gather [hbm4b:s4+s17], $0x20, s24, s17, $0xb8;
	[tilespmem:$0x1F800] =	vst v63  }
.LBB2_6:
0x64: {  	_ =	swait.ge [sflag:s23], $0x1000  }
0x65: {  	p0 =	seq.s32 s10, $0x0;
	[sflag:s23] =	ssyncset.done $0x0  }
0x66: {  	s3 =	simm.s32 @!p0 $0x6;
	[sflag:s23] =	ssyncadd.s32 $0xFFFFF000  }
0x67: {  	_ =	swait.ge @!p0 [sflag:s3], $0x2000  }
0x68: {  	[sflag:s3] =	ssyncset.done @!p0 $0x0  }
0x69: {  	s22 =	simm.s32 $0x5040;
	[sflag:s3] =	ssyncadd.s32 @!p0 $0xFFFFE000  }
0x6a: {  	v2 =	vld [tilespmem:s22+$0x20];
	_ =	sdelay $0x1  }
0x6b: {  	v3 =	vld [tilespmem:s22+$0xFFFFFFE0]  }
0x6c: {  	v4 =	vld [tilespmem:s22+$0xFFFFFFC0];
	_ =	sdelay $0x1  }
0x6d: {  	s11 =	simm.s32 $0x9080;
	v5 =	vunpack.i.l.bf16.f32 v2  }
0x6e: {  	v6 =	vld [tilespmem:s22+$0x0];
	v2 =	vunpack.i.u.bf16.f32 v2;
	[tilespmem:s11+$0x40] =	vst v5  }
0x6f: {  	v5 =	vunpack.i.l.bf16.f32 v3;
	[tilespmem:s11+$0x50] =	vst v2  }
0x70: {  	v2 =	vunpack.i.l.bf16.f32 v4;
	[tilespmem:s11+$0xFFFFFFC0] =	vst v5  }
0x71: {  	v4 =	vunpack.i.u.bf16.f32 v4;
	v5 =	vld [tilespmem:s22+$0x30];
	[tilespmem:s11+$0xFFFFFF80] =	vst v2  }
0x72: {  	v2 =	vunpack.i.u.bf16.f32 v3;
	[tilespmem:s11+$0xFFFFFF90] =	vst v4  }
0x73: {  	v3 =	vunpack.i.l.bf16.f32 v6;
	[tilespmem:s11+$0xFFFFFFD0] =	vst v2;
	v4 =	vld [tilespmem:s22+$0xFFFFFFD0]  }
0x74: {  	v2 =	vunpack.i.u.bf16.f32 v6;
	[tilespmem:s11+$0x0] =	vst v3;
	v3 =	vld [tilespmem:s22+$0xFFFFFFF0]  }
0x75: {  	[tilespmem:s11+$0x10] =	vst v2  }
0x76: {  	s12 =	sshll.u32 s10, $0xB;
	v2 =	vld [tilespmem:s22+$0x10];
	v6 =	vunpack.i.u.bf16.f32 v5  }
0x77: {  	s24 =	simm.s32 $0x0;
	s3 =	simm.s32 $0x50C0;
	s22 =	simm.s32 $0x9080;
	v5 =	vunpack.i.l.bf16.f32 v5;
	[tilespmem:s11+$0x70] =	vst v6  }
.LBB2_7:
0x78: {  	v6 =	vld [tilespmem:s3+$0x20];
	v7 =	vunpack.i.u.bf16.f32 v4;
	v4 =	vunpack.i.l.bf16.f32 v4;
	[tilespmem:s11+$0x60] =	vst v5  }
0x79: {  	s24 =	sadd.s32 $0x4, s24;
	v5 =	vld [tilespmem:s3+$0xFFFFFFE0];
	[tilespmem:s11+$0xFFFFFFA0] =	vst v4;
	v4 =	vunpack.i.u.bf16.f32 v3;
	v3 =	vunpack.i.l.bf16.f32 v3  }
0x7a: {  	p1 =	slt.u32 s24, $0x7C;
	v8 =	vld [tilespmem:s3+$0x0];
	[tilespmem:s11+$0xFFFFFFB0] =	vst v7  }
0x7b: {  	v7 =	vld [tilespmem:s3+$0xFFFFFFC0];
	[tilespmem:s11+$0xFFFFFFE0] =	vst v3;
	v9 =	vunpack.i.u.bf16.f32 v2;
	v2 =	vunpack.i.l.bf16.f32 v2  }
0x7c: {  	[tilespmem:s11+$0xFFFFFFF0] =	vst v4  }
0x7d: {  	s11 =	sadd.s32 $0x100, s11;
	v3 =	vunpack.i.l.bf16.f32 v6;
	[tilespmem:s22+$0x20] =	vst v2  }
0x7e: {  	v2 =	vunpack.i.u.bf16.f32 v5;
	v4 =	vunpack.i.l.bf16.f32 v5;
	v5 =	vunpack.i.u.bf16.f32 v6;
	[tilespmem:s11+$0x40] =	vst v3  }
0x7f: {  	v6 =	vunpack.i.u.bf16.f32 v8;
	v8 =	vunpack.i.l.bf16.f32 v8;
	[tilespmem:s11+$0x50] =	vst v5  }
0x80: {  	v3 =	vunpack.i.u.bf16.f32 v7;
	v5 =	vunpack.i.l.bf16.f32 v7;
	[tilespmem:s11+$0xFFFFFFC0] =	vst v4;
	v7 =	vld [tilespmem:s3+$0x30]  }
0x81: {  	[tilespmem:s11+$0xFFFFFF80] =	vst v5  }
0x82: {  	[tilespmem:s11+$0xFFFFFF90] =	vst v3  }
.Ltmp4:
0x83: {  	v4 =	vld [tilespmem:s3+$0xFFFFFFD0];
	[tilespmem:s11+$0xFFFFFFD0] =	vst v2;
	(pc) =	sbr.rel @p1 .LBB2_7-.Ltmp4, $4  }
0x84: {  	v3 =	vld [tilespmem:s3+$0xFFFFFFF0];
	[tilespmem:s11+$0x0] =	vst v8  }
0x85: {  	[tilespmem:s11+$0x10] =	vst v6;
	v6 =	vunpack.i.u.bf16.f32 v7;
	v5 =	vunpack.i.l.bf16.f32 v7  }
0x86: {  	v2 =	vld [tilespmem:s3+$0x10];
	[tilespmem:s11+$0x70] =	vst v6  }
0x87: {  	s3 =	sadd.s32 $0x80, s3;
	[tilespmem:s22+$0x30] =	vst v9;
	s22 =	smov.u32 s11  }
0x88: {  	v6 =	vunpack.i.l.bf16.f32 v4;
	[tilespmem:s11+$0x60] =	vst v5  }
0x89: {  	v4 =	vunpack.i.u.bf16.f32 v4;
	[tilespmem:s11+$0xFFFFFFA0] =	vst v6  }
0x8a: {  	v5 =	vunpack.i.l.bf16.f32 v3;
	[tilespmem:s11+$0xFFFFFFB0] =	vst v4  }
0x8b: {  	v3 =	vunpack.i.u.bf16.f32 v3;
	[tilespmem:s11+$0xFFFFFFE0] =	vst v5  }
0x8c: {  	[tilespmem:s11+$0xFFFFFFF0] =	vst v3;
	v4 =	vunpack.i.l.bf16.f32 v2  }
0x8d: {  	s11 =	sshra.s32 s12, $0x2;
	v2 =	vunpack.i.u.bf16.f32 v2;
	[tilespmem:s22+$0x20] =	vst v4  }
0x8e: {  	s3 =	sadd.s32 $0x2800, s11;
	[tilespmem:s22+$0x30] =	vst v2  }
0x8f: {  	[spmem:s2] =	stream.indirect.scatter.add.f32 [tilespmem:s25], [sflag:$0x6], $0x40, s3, s17, $0xb8;
	[tilespmem:$0x1F800] =	vst v63  }
0x90: {  	v2 =	vld [tilespmem:s11+$0x2800];
	_ =	sdelay $0x7  }
0x91: {  	[tilespmem:v2+s26+$0x0] =	vst.idx.add.f32.msk $0xffff, v1  }
0x92: {  	v2 =	vld [tilespmem:s11+$0x2810];
	_ =	sdelay $0x7  }
0x93: {  	[tilespmem:v2+s26+$0x0] =	vst.idx.add.f32.msk $0xffff, v1  }
0x94: {  	v2 =	vld [tilespmem:s11+$0x2820];
	_ =	sdelay $0x7  }
0x95: {  	[tilespmem:v2+s26+$0x0] =	vst.idx.add.f32.msk $0xffff, v1  }
0x96: {  	v2 =	vld [tilespmem:s11+$0x2830];
	_ =	sdelay $0x7  }
0x97: {  	[tilespmem:v2+s26+$0x0] =	vst.idx.add.f32.msk $0xffff, v1  }
0x98: {  	v2 =	vld [tilespmem:s11+$0x2840];
	_ =	sdelay $0x7  }
0x99: {  	[tilespmem:v2+s26+$0x0] =	vst.idx.add.f32.msk $0xffff, v1  }
0x9a: {  	v2 =	vld [tilespmem:s11+$0x2850];
	_ =	sdelay $0x7  }
0x9b: {  	[tilespmem:v2+s26+$0x0] =	vst.idx.add.f32.msk $0xffff, v1  }
0x9c: {  	v2 =	vld [tilespmem:s11+$0x2860];
	_ =	sdelay $0x7  }
0x9d: {  	[tilespmem:v2+s26+$0x0] =	vst.idx.add.f32.msk $0xffff, v1  }
0x9e: {  	v2 =	vld [tilespmem:s11+$0x2870];
	_ =	sdelay $0x6  }
0x9f: {  	s24 =	sor.u32 $0x600, s12  }
0xa0: {  	s12 =	sshra.s32 s24, $0x2;
	[tilespmem:v2+s26+$0x0] =	vst.idx.add.f32.msk $0xffff, v1  }
0xa1: {  	[tilespmem:s28], [sflag:$0x5] =	stream.indirect.gather [hbm4b:s4+s17], $0x20, s12, s17, $0xb8;
	[tilespmem:$0x1F800] =	vst v63  }
0xa2: {  	_ =	swait.ge [sflag:s29], $0x1000  }
0xa3: {  	[sflag:s29] =	ssyncset.done $0x0  }
0xa4: {  	s3 =	simm.s32 @!p0 $0x7;
	[sflag:s29] =	ssyncadd.s32 $0xFFFFF000  }
0xa5: {  	_ =	swait.ge @!p0 [sflag:s3], $0x2000  }
0xa6: {  	[sflag:s3] =	ssyncset.done @!p0 $0x0  }
0xa7: {  	s6 =	simm.s32 $0x6040;
	[sflag:s3] =	ssyncadd.s32 @!p0 $0xFFFFE000  }
0xa8: {  	v2 =	vld [tilespmem:s6+$0x20];
	_ =	sdelay $0x1  }
0xa9: {  	v3 =	vld [tilespmem:s6+$0xFFFFFFE0]  }
0xaa: {  	v4 =	vld [tilespmem:s6+$0xFFFFFFC0];
	_ =	sdelay $0x1  }
0xab: {  	s22 =	simm.s32 $0xB080;
	v5 =	vunpack.i.l.bf16.f32 v2  }
0xac: {  	v6 =	vld [tilespmem:s6+$0x0];
	v2 =	vunpack.i.u.bf16.f32 v2;
	[tilespmem:s22+$0x40] =	vst v5  }
0xad: {  	v5 =	vunpack.i.l.bf16.f32 v3;
	[tilespmem:s22+$0x50] =	vst v2  }
0xae: {  	v2 =	vunpack.i.l.bf16.f32 v4;
	[tilespmem:s22+$0xFFFFFFC0] =	vst v5  }
0xaf: {  	v4 =	vunpack.i.u.bf16.f32 v4;
	v5 =	vld [tilespmem:s6+$0x30];
	[tilespmem:s22+$0xFFFFFF80] =	vst v2  }
0xb0: {  	v2 =	vunpack.i.u.bf16.f32 v3;
	[tilespmem:s22+$0xFFFFFF90] =	vst v4  }
0xb1: {  	v3 =	vunpack.i.l.bf16.f32 v6;
	[tilespmem:s22+$0xFFFFFFD0] =	vst v2;
	v4 =	vld [tilespmem:s6+$0xFFFFFFD0]  }
0xb2: {  	v2 =	vunpack.i.u.bf16.f32 v6;
	[tilespmem:s22+$0x0] =	vst v3;
	v3 =	vld [tilespmem:s6+$0xFFFFFFF0]  }
0xb3: {  	[tilespmem:s22+$0x10] =	vst v2  }
0xb4: {  	v2 =	vld [tilespmem:s6+$0x10];
	v6 =	vunpack.i.u.bf16.f32 v5  }
0xb5: {  	s24 =	simm.s32 $0xB080;
	s3 =	simm.s32 $0x0;
	s6 =	simm.s32 $0x60C0;
	v5 =	vunpack.i.l.bf16.f32 v5;
	[tilespmem:s22+$0x70] =	vst v6  }
.LBB2_9:
0xb6: {  	v6 =	vld [tilespmem:s6+$0x20];
	v7 =	vunpack.i.u.bf16.f32 v4;
	v4 =	vunpack.i.l.bf16.f32 v4;
	[tilespmem:s22+$0x60] =	vst v5  }
0xb7: {  	s3 =	sadd.s32 $0x4, s3;
	v5 =	vld [tilespmem:s6+$0xFFFFFFE0];
	[tilespmem:s22+$0xFFFFFFA0] =	vst v4;
	v4 =	vunpack.i.u.bf16.f32 v3;
	v3 =	vunpack.i.l.bf16.f32 v3  }
0xb8: {  	p1 =	slt.u32 s3, $0x7C;
	v8 =	vld [tilespmem:s6+$0x0];
	[tilespmem:s22+$0xFFFFFFB0] =	vst v7  }
0xb9: {  	v7 =	vld [tilespmem:s6+$0xFFFFFFC0];
	[tilespmem:s22+$0xFFFFFFE0] =	vst v3;
	v9 =	vunpack.i.u.bf16.f32 v2;
	v2 =	vunpack.i.l.bf16.f32 v2  }
0xba: {  	[tilespmem:s22+$0xFFFFFFF0] =	vst v4  }
0xbb: {  	s22 =	sadd.s32 $0x100, s22;
	v3 =	vunpack.i.l.bf16.f32 v6;
	[tilespmem:s24+$0x20] =	vst v2  }
0xbc: {  	v2 =	vunpack.i.u.bf16.f32 v5;
	v4 =	vunpack.i.l.bf16.f32 v5;
	v5 =	vunpack.i.u.bf16.f32 v6;
	[tilespmem:s22+$0x40] =	vst v3  }
0xbd: {  	v6 =	vunpack.i.u.bf16.f32 v8;
	v8 =	vunpack.i.l.bf16.f32 v8;
	[tilespmem:s22+$0x50] =	vst v5  }
0xbe: {  	v3 =	vunpack.i.u.bf16.f32 v7;
	v5 =	vunpack.i.l.bf16.f32 v7;
	[tilespmem:s22+$0xFFFFFFC0] =	vst v4;
	v7 =	vld [tilespmem:s6+$0x30]  }
0xbf: {  	[tilespmem:s22+$0xFFFFFF80] =	vst v5  }
0xc0: {  	[tilespmem:s22+$0xFFFFFF90] =	vst v3  }
.Ltmp5:
0xc1: {  	v4 =	vld [tilespmem:s6+$0xFFFFFFD0];
	[tilespmem:s22+$0xFFFFFFD0] =	vst v2;
	(pc) =	sbr.rel @p1 .LBB2_9-.Ltmp5, $4  }
0xc2: {  	v3 =	vld [tilespmem:s6+$0xFFFFFFF0];
	[tilespmem:s22+$0x0] =	vst v8  }
0xc3: {  	[tilespmem:s22+$0x10] =	vst v6;
	v6 =	vunpack.i.u.bf16.f32 v7;
	v5 =	vunpack.i.l.bf16.f32 v7  }
0xc4: {  	v2 =	vld [tilespmem:s6+$0x10];
	[tilespmem:s22+$0x70] =	vst v6  }
0xc5: {  	s6 =	sadd.s32 $0x80, s6;
	[tilespmem:s24+$0x30] =	vst v9;
	s24 =	smov.u32 s22  }
0xc6: {  	v6 =	vunpack.i.l.bf16.f32 v4;
	[tilespmem:s22+$0x60] =	vst v5  }
0xc7: {  	v61 =	vunpack.i.u.bf16.f32 v4;
	[tilespmem:s22+$0xFFFFFFA0] =	vst v6  }
0xc8: {  	v62 =	vunpack.i.l.bf16.f32 v3;
	[tilespmem:s22+$0xFFFFFFB0] =	vst v61  }
0xc9: {  	v3 =	vunpack.i.u.bf16.f32 v3;
	[tilespmem:s22+$0xFFFFFFE0] =	vst v62  }
0xca: {  	[tilespmem:s22+$0xFFFFFFF0] =	vst v3;
	v63 =	vunpack.i.l.bf16.f32 v2  }
0xcb: {  	v2 =	vunpack.i.u.bf16.f32 v2;
	[tilespmem:s24+$0x20] =	vst v63  }
0xcc: {  	s3 =	sadd.s32 $0x2880, s11;
	[tilespmem:s24+$0x30] =	vst v2  }
0xcd: {  	[spmem:s2] =	stream.indirect.scatter.add.f32 [tilespmem:s30], [sflag:$0x7], $0x40, s3, s17, $0xb8;
	[tilespmem:$0x1F800] =	vst v63  }
0xce: {  	v2 =	vld [tilespmem:s11+$0x2880];
	_ =	sdelay $0x7  }
0xcf: {  	[tilespmem:v2+s26+$0x0] =	vst.idx.add.f32.msk $0xffff, v1  }
0xd0: {  	v2 =	vld [tilespmem:s11+$0x2890];
	_ =	sdelay $0x7  }
0xd1: {  	[tilespmem:v2+s26+$0x0] =	vst.idx.add.f32.msk $0xffff, v1  }
0xd2: {  	v2 =	vld [tilespmem:s11+$0x28A0];
	_ =	sdelay $0x7  }
0xd3: {  	[tilespmem:v2+s26+$0x0] =	vst.idx.add.f32.msk $0xffff, v1  }
0xd4: {  	v2 =	vld [tilespmem:s11+$0x28B0];
	_ =	sdelay $0x7  }
0xd5: {  	[tilespmem:v2+s26+$0x0] =	vst.idx.add.f32.msk $0xffff, v1  }
0xd6: {  	v2 =	vld [tilespmem:s11+$0x28C0];
	_ =	sdelay $0x7  }
0xd7: {  	[tilespmem:v2+s26+$0x0] =	vst.idx.add.f32.msk $0xffff, v1  }
0xd8: {  	v2 =	vld [tilespmem:s11+$0x28D0];
	_ =	sdelay $0x7  }
0xd9: {  	[tilespmem:v2+s26+$0x0] =	vst.idx.add.f32.msk $0xffff, v1  }
0xda: {  	v2 =	vld [tilespmem:s11+$0x28E0];
	_ =	sdelay $0x7  }
0xdb: {  	[tilespmem:v2+s26+$0x0] =	vst.idx.add.f32.msk $0xffff, v1  }
0xdc: {  	v2 =	vld [tilespmem:s11+$0x28F0];
	_ =	sdelay $0x2  }
0xdd: {  	p1 =	sne.s32 s10, $0x13  }
.Ltmp6:
0xde: {  	_ = 	snop;
	(pc) =	sbr.rel @p1 .LBB2_12-.Ltmp6, $2  }
0xdf: {  	_ =	sdelay $0x2  }
0xe0: {  	[tilespmem:v2+s26+$0x0] =	vst.idx.add.f32.msk $0xffff, v1  }
.Ltmp7:
0xe1: {  	(pc) =	sbr.rel .LBB2_13-.Ltmp7, $4  }
0xe2: {  	_ = 	snop  }
0xe3: {  	_ =	swait.ge [sflag:s31], $0x1000  }
0xe4: {  	[sflag:s31] =	ssyncset.done $0x0  }
0xe5: {  	[sflag:s31] =	ssyncadd.s32 $0xFFFFF000  }
.LBB2_12:
.Ltmp8:
0xe6: {  	s3 =	sadd.s32 $0x200, s11;
	(pc) =	sbr.rel @p0 .LBB2_14-.Ltmp8, $4  }
0xe7: {  	[tilespmem:s18], [sflag:$0x2] =	stream.indirect.gather [hbm4b:s4+s17], $0x20, s3, s17, $0xb8;
	[tilespmem:$0x1F800] =	vst v63  }
0xe8: {  	_ =	swait.ge [sflag:s31], $0x1000  }
0xe9: {  	[sflag:s31] =	ssyncset.done $0x0  }
0xea: {  	[sflag:s31] =	ssyncadd.s32 $0xFFFFF000  }
.LBB2_13:
0xeb: {  	_ =	swait.ge [sflag:s1], $0x2000  }
0xec: {  	[sflag:s1] =	ssyncset.done $0x0  }
0xed: {  	[sflag:s1] =	ssyncadd.s32 $0xFFFFE000  }
.LBB2_14:
0xee: {  	s6 =	simm.s32 $0x7040  }
0xef: {  	v2 =	vld [tilespmem:s6+$0x20];
	_ =	sdelay $0x1  }
0xf0: {  	v3 =	vld [tilespmem:s6+$0xFFFFFFE0]  }
0xf1: {  	v4 =	vld [tilespmem:s6+$0xFFFFFFC0];
	_ =	sdelay $0x1  }
0xf2: {  	s22 =	simm.s32 $0xD080;
	v5 =	vunpack.i.l.bf16.f32 v2  }
0xf3: {  	v6 =	vld [tilespmem:s6+$0x0];
	v2 =	vunpack.i.u.bf16.f32 v2;
	[tilespmem:s22+$0x40] =	vst v5  }
0xf4: {  	v5 =	vunpack.i.l.bf16.f32 v3;
	[tilespmem:s22+$0x50] =	vst v2  }
0xf5: {  	v2 =	vunpack.i.l.bf16.f32 v4;
	[tilespmem:s22+$0xFFFFFFC0] =	vst v5  }
0xf6: {  	v4 =	vunpack.i.u.bf16.f32 v4;
	v5 =	vld [tilespmem:s6+$0x30];
	[tilespmem:s22+$0xFFFFFF80] =	vst v2  }
0xf7: {  	v2 =	vunpack.i.u.bf16.f32 v3;
	[tilespmem:s22+$0xFFFFFF90] =	vst v4  }
0xf8: {  	v3 =	vunpack.i.l.bf16.f32 v6;
	[tilespmem:s22+$0xFFFFFFD0] =	vst v2;
	v4 =	vld [tilespmem:s6+$0xFFFFFFD0]  }
0xf9: {  	v2 =	vunpack.i.u.bf16.f32 v6;
	[tilespmem:s22+$0x0] =	vst v3;
	v3 =	vld [tilespmem:s6+$0xFFFFFFF0]  }
0xfa: {  	[tilespmem:s22+$0x10] =	vst v2  }
0xfb: {  	v2 =	vld [tilespmem:s6+$0x10];
	v6 =	vunpack.i.u.bf16.f32 v5  }
0xfc: {  	s3 =	simm.s32 $0x0;
	s24 =	simm.s32 $0xD080;
	s6 =	simm.s32 $0x70C0;
	v5 =	vunpack.i.l.bf16.f32 v5;
	[tilespmem:s22+$0x70] =	vst v6  }
.LBB2_15:
0xfd: {  	v6 =	vld [tilespmem:s6+$0x20];
	v7 =	vunpack.i.u.bf16.f32 v4;
	v4 =	vunpack.i.l.bf16.f32 v4;
	[tilespmem:s22+$0x60] =	vst v5  }
0xfe: {  	s3 =	sadd.s32 $0x4, s3;
	v5 =	vld [tilespmem:s6+$0xFFFFFFE0];
	[tilespmem:s22+$0xFFFFFFA0] =	vst v4;
	v4 =	vunpack.i.u.bf16.f32 v3;
	v3 =	vunpack.i.l.bf16.f32 v3  }
0xff: {  	p2 =	slt.u32 s3, $0x7C;
	v8 =	vld [tilespmem:s6+$0x0];
	[tilespmem:s22+$0xFFFFFFB0] =	vst v7  }
0x100: {  	v7 =	vld [tilespmem:s6+$0xFFFFFFC0];
	[tilespmem:s22+$0xFFFFFFE0] =	vst v3;
	v9 =	vunpack.i.u.bf16.f32 v2;
	v2 =	vunpack.i.l.bf16.f32 v2  }
0x101: {  	[tilespmem:s22+$0xFFFFFFF0] =	vst v4  }
0x102: {  	s22 =	sadd.s32 $0x100, s22;
	v3 =	vunpack.i.l.bf16.f32 v6;
	[tilespmem:s24+$0x20] =	vst v2  }
0x103: {  	v2 =	vunpack.i.u.bf16.f32 v5;
	v4 =	vunpack.i.l.bf16.f32 v5;
	v5 =	vunpack.i.u.bf16.f32 v6;
	[tilespmem:s22+$0x40] =	vst v3  }
0x104: {  	v6 =	vunpack.i.u.bf16.f32 v8;
	v8 =	vunpack.i.l.bf16.f32 v8;
	[tilespmem:s22+$0x50] =	vst v5  }
0x105: {  	v3 =	vunpack.i.u.bf16.f32 v7;
	v5 =	vunpack.i.l.bf16.f32 v7;
	[tilespmem:s22+$0xFFFFFFC0] =	vst v4;
	v7 =	vld [tilespmem:s6+$0x30]  }
0x106: {  	[tilespmem:s22+$0xFFFFFF80] =	vst v5  }
0x107: {  	[tilespmem:s22+$0xFFFFFF90] =	vst v3  }
.Ltmp9:
0x108: {  	v4 =	vld [tilespmem:s6+$0xFFFFFFD0];
	[tilespmem:s22+$0xFFFFFFD0] =	vst v2;
	(pc) =	sbr.rel @p2 .LBB2_15-.Ltmp9, $4  }
0x109: {  	v3 =	vld [tilespmem:s6+$0xFFFFFFF0];
	[tilespmem:s22+$0x0] =	vst v8  }
0x10a: {  	[tilespmem:s22+$0x10] =	vst v6;
	v6 =	vunpack.i.u.bf16.f32 v7;
	v5 =	vunpack.i.l.bf16.f32 v7  }
0x10b: {  	v2 =	vld [tilespmem:s6+$0x10];
	[tilespmem:s22+$0x70] =	vst v6  }
0x10c: {  	s6 =	sadd.s32 $0x80, s6;
	[tilespmem:s24+$0x30] =	vst v9;
	s24 =	smov.u32 s22  }
0x10d: {  	v6 =	vunpack.i.l.bf16.f32 v4;
	[tilespmem:s22+$0x60] =	vst v5  }
0x10e: {  	v61 =	vunpack.i.u.bf16.f32 v4;
	[tilespmem:s22+$0xFFFFFFA0] =	vst v6  }
0x10f: {  	v62 =	vunpack.i.l.bf16.f32 v3;
	[tilespmem:s22+$0xFFFFFFB0] =	vst v61  }
0x110: {  	v3 =	vunpack.i.u.bf16.f32 v3;
	[tilespmem:s22+$0xFFFFFFE0] =	vst v62  }
0x111: {  	[tilespmem:s22+$0xFFFFFFF0] =	vst v3;
	v63 =	vunpack.i.l.bf16.f32 v2  }
0x112: {  	v2 =	vunpack.i.u.bf16.f32 v2;
	[tilespmem:s24+$0x20] =	vst v63  }
0x113: {  	s3 =	sadd.s32 $0x2900, s11;
	[tilespmem:s24+$0x30] =	vst v2  }
0x114: {  	[spmem:s2] =	stream.indirect.scatter.add.f32 [tilespmem:s13], [sflag:$0x8], $0x40, s3, s17, $0xb8;
	[tilespmem:$0x1F800] =	vst v63  }
0x115: {  	v2 =	vld [tilespmem:s11+$0x2900];
	_ =	sdelay $0x7  }
0x116: {  	[tilespmem:v2+s26+$0x0] =	vst.idx.add.f32.msk $0xffff, v1  }
0x117: {  	v2 =	vld [tilespmem:s11+$0x2910];
	_ =	sdelay $0x7  }
0x118: {  	[tilespmem:v2+s26+$0x0] =	vst.idx.add.f32.msk $0xffff, v1  }
0x119: {  	v2 =	vld [tilespmem:s11+$0x2920];
	_ =	sdelay $0x7  }
0x11a: {  	[tilespmem:v2+s26+$0x0] =	vst.idx.add.f32.msk $0xffff, v1  }
0x11b: {  	v2 =	vld [tilespmem:s11+$0x2930];
	_ =	sdelay $0x7  }
0x11c: {  	[tilespmem:v2+s26+$0x0] =	vst.idx.add.f32.msk $0xffff, v1  }
0x11d: {  	v2 =	vld [tilespmem:s11+$0x2940];
	_ =	sdelay $0x7  }
0x11e: {  	[tilespmem:v2+s26+$0x0] =	vst.idx.add.f32.msk $0xffff, v1  }
0x11f: {  	v2 =	vld [tilespmem:s11+$0x2950];
	_ =	sdelay $0x7  }
0x120: {  	[tilespmem:v2+s26+$0x0] =	vst.idx.add.f32.msk $0xffff, v1  }
0x121: {  	v2 =	vld [tilespmem:s11+$0x2960];
	_ =	sdelay $0x7  }
0x122: {  	[tilespmem:v2+s26+$0x0] =	vst.idx.add.f32.msk $0xffff, v1  }
0x123: {  	v2 =	vld [tilespmem:s11+$0x2970];
	_ =	sdelay $0x3  }
.Ltmp10:
0x124: {  	_ = 	snop;
	(pc) =	sbr.rel @p1 .LBB2_18-.Ltmp10, $2  }
0x125: {  	_ =	sdelay $0x2  }
0x126: {  	[tilespmem:v2+s26+$0x0] =	vst.idx.add.f32.msk $0xffff, v1  }
.Ltmp11:
0x127: {  	(pc) =	sbr.rel .LBB2_19-.Ltmp11, $4  }
0x128: {  	_ = 	snop  }
0x129: {  	_ =	swait.ge [sflag:s20], $0x1000  }
0x12a: {  	[sflag:s20] =	ssyncset.done $0x0  }
0x12b: {  	[sflag:s20] =	ssyncadd.s32 $0xFFFFF000  }
.LBB2_18:
.Ltmp12:
0x12c: {  	s3 =	sadd.s32 $0x280, s11;
	(pc) =	sbr.rel @p0 .LBB2_20-.Ltmp12, $4  }
0x12d: {  	[tilespmem:s19], [sflag:$0x3] =	stream.indirect.gather [hbm4b:s4+s17], $0x20, s3, s17, $0xb8;
	[tilespmem:$0x1F800] =	vst v63  }
0x12e: {  	_ =	swait.ge [sflag:s20], $0x1000  }
0x12f: {  	[sflag:s20] =	ssyncset.done $0x0  }
0x130: {  	[sflag:s20] =	ssyncadd.s32 $0xFFFFF000  }
.LBB2_19:
0x131: {  	_ =	swait.ge [sflag:s0], $0x2000  }
0x132: {  	[sflag:s0] =	ssyncset.done $0x0  }
0x133: {  	[sflag:s0] =	ssyncadd.s32 $0xFFFFE000  }
.LBB2_20:
0x134: {  	s6 =	simm.s32 $0x8040  }
0x135: {  	v2 =	vld [tilespmem:s6+$0x20];
	_ =	sdelay $0x1  }
0x136: {  	v3 =	vld [tilespmem:s6+$0xFFFFFFE0]  }
0x137: {  	v4 =	vld [tilespmem:s6+$0xFFFFFFC0];
	_ =	sdelay $0x1  }
0x138: {  	s22 =	simm.s32 $0xF080;
	v5 =	vunpack.i.l.bf16.f32 v2  }
0x139: {  	v6 =	vld [tilespmem:s6+$0x0];
	v2 =	vunpack.i.u.bf16.f32 v2;
	[tilespmem:s22+$0x40] =	vst v5  }
0x13a: {  	v5 =	vunpack.i.l.bf16.f32 v3;
	[tilespmem:s22+$0x50] =	vst v2  }
0x13b: {  	v2 =	vunpack.i.l.bf16.f32 v4;
	[tilespmem:s22+$0xFFFFFFC0] =	vst v5  }
0x13c: {  	v4 =	vunpack.i.u.bf16.f32 v4;
	v5 =	vld [tilespmem:s6+$0x30];
	[tilespmem:s22+$0xFFFFFF80] =	vst v2  }
0x13d: {  	v2 =	vunpack.i.u.bf16.f32 v3;
	[tilespmem:s22+$0xFFFFFF90] =	vst v4  }
0x13e: {  	v3 =	vunpack.i.l.bf16.f32 v6;
	[tilespmem:s22+$0xFFFFFFD0] =	vst v2;
	v4 =	vld [tilespmem:s6+$0xFFFFFFD0]  }
0x13f: {  	v2 =	vunpack.i.u.bf16.f32 v6;
	[tilespmem:s22+$0x0] =	vst v3;
	v3 =	vld [tilespmem:s6+$0xFFFFFFF0]  }
0x140: {  	[tilespmem:s22+$0x10] =	vst v2  }
0x141: {  	v2 =	vld [tilespmem:s6+$0x10];
	v6 =	vunpack.i.u.bf16.f32 v5  }
0x142: {  	s3 =	simm.s32 $0x0;
	s24 =	simm.s32 $0xF080;
	s6 =	simm.s32 $0x80C0;
	v5 =	vunpack.i.l.bf16.f32 v5;
	[tilespmem:s22+$0x70] =	vst v6  }
.LBB2_21:
0x143: {  	v6 =	vld [tilespmem:s6+$0x20];
	v7 =	vunpack.i.u.bf16.f32 v4;
	v4 =	vunpack.i.l.bf16.f32 v4;
	[tilespmem:s22+$0x60] =	vst v5  }
0x144: {  	s3 =	sadd.s32 $0x4, s3;
	v5 =	vld [tilespmem:s6+$0xFFFFFFE0];
	[tilespmem:s22+$0xFFFFFFA0] =	vst v4;
	v4 =	vunpack.i.u.bf16.f32 v3;
	v3 =	vunpack.i.l.bf16.f32 v3  }
0x145: {  	p0 =	slt.u32 s3, $0x7C;
	v8 =	vld [tilespmem:s6+$0x0];
	[tilespmem:s22+$0xFFFFFFB0] =	vst v7  }
0x146: {  	v7 =	vld [tilespmem:s6+$0xFFFFFFC0];
	[tilespmem:s22+$0xFFFFFFE0] =	vst v3;
	v9 =	vunpack.i.u.bf16.f32 v2;
	v2 =	vunpack.i.l.bf16.f32 v2  }
0x147: {  	[tilespmem:s22+$0xFFFFFFF0] =	vst v4  }
0x148: {  	s22 =	sadd.s32 $0x100, s22;
	v3 =	vunpack.i.l.bf16.f32 v6;
	[tilespmem:s24+$0x20] =	vst v2  }
0x149: {  	v2 =	vunpack.i.u.bf16.f32 v5;
	v4 =	vunpack.i.l.bf16.f32 v5;
	v5 =	vunpack.i.u.bf16.f32 v6;
	[tilespmem:s22+$0x40] =	vst v3  }
0x14a: {  	v6 =	vunpack.i.u.bf16.f32 v8;
	v8 =	vunpack.i.l.bf16.f32 v8;
	[tilespmem:s22+$0x50] =	vst v5  }
0x14b: {  	v3 =	vunpack.i.u.bf16.f32 v7;
	v5 =	vunpack.i.l.bf16.f32 v7;
	[tilespmem:s22+$0xFFFFFFC0] =	vst v4;
	v7 =	vld [tilespmem:s6+$0x30]  }
0x14c: {  	[tilespmem:s22+$0xFFFFFF80] =	vst v5  }
0x14d: {  	[tilespmem:s22+$0xFFFFFF90] =	vst v3  }
.Ltmp13:
0x14e: {  	v4 =	vld [tilespmem:s6+$0xFFFFFFD0];
	[tilespmem:s22+$0xFFFFFFD0] =	vst v2;
	(pc) =	sbr.rel @p0 .LBB2_21-.Ltmp13, $4  }
0x14f: {  	v3 =	vld [tilespmem:s6+$0xFFFFFFF0];
	[tilespmem:s22+$0x0] =	vst v8  }
0x150: {  	[tilespmem:s22+$0x10] =	vst v6;
	v6 =	vunpack.i.u.bf16.f32 v7;
	v5 =	vunpack.i.l.bf16.f32 v7  }
0x151: {  	v2 =	vld [tilespmem:s6+$0x10];
	[tilespmem:s22+$0x70] =	vst v6  }
0x152: {  	s6 =	sadd.s32 $0x80, s6;
	[tilespmem:s24+$0x30] =	vst v9;
	s24 =	smov.u32 s22  }
0x153: {  	v6 =	vunpack.i.l.bf16.f32 v4;
	[tilespmem:s22+$0x60] =	vst v5  }
0x154: {  	v61 =	vunpack.i.u.bf16.f32 v4;
	[tilespmem:s22+$0xFFFFFFA0] =	vst v6  }
0x155: {  	v62 =	vunpack.i.l.bf16.f32 v3;
	[tilespmem:s22+$0xFFFFFFB0] =	vst v61  }
0x156: {  	v3 =	vunpack.i.u.bf16.f32 v3;
	[tilespmem:s22+$0xFFFFFFE0] =	vst v62  }
0x157: {  	[tilespmem:s22+$0xFFFFFFF0] =	vst v3;
	v63 =	vunpack.i.l.bf16.f32 v2  }
0x158: {  	v2 =	vunpack.i.u.bf16.f32 v2;
	[tilespmem:s24+$0x20] =	vst v63  }
0x159: {  	s3 =	sadd.s32 $0x2800, s12;
	[tilespmem:s24+$0x30] =	vst v2  }
0x15a: {  	[spmem:s2] =	stream.indirect.scatter.add.f32 [tilespmem:s5], [sflag:$0x9], $0x40, s3, s17, $0xb8;
	[tilespmem:$0x1F800] =	vst v63  }
0x15b: {  	v2 =	vld [tilespmem:s12+$0x2800];
	_ =	sdelay $0x7  }
0x15c: {  	[tilespmem:v2+s26+$0x0] =	vst.idx.add.f32.msk $0xffff, v1  }
0x15d: {  	v2 =	vld [tilespmem:s12+$0x2810];
	_ =	sdelay $0x7  }
0x15e: {  	[tilespmem:v2+s26+$0x0] =	vst.idx.add.f32.msk $0xffff, v1  }
0x15f: {  	v2 =	vld [tilespmem:s12+$0x2820];
	_ =	sdelay $0x7  }
0x160: {  	[tilespmem:v2+s26+$0x0] =	vst.idx.add.f32.msk $0xffff, v1  }
0x161: {  	v2 =	vld [tilespmem:s12+$0x2830];
	_ =	sdelay $0x7  }
0x162: {  	[tilespmem:v2+s26+$0x0] =	vst.idx.add.f32.msk $0xffff, v1  }
0x163: {  	v2 =	vld [tilespmem:s12+$0x2840];
	_ =	sdelay $0x7  }
0x164: {  	[tilespmem:v2+s26+$0x0] =	vst.idx.add.f32.msk $0xffff, v1  }
0x165: {  	v2 =	vld [tilespmem:s12+$0x2850];
	_ =	sdelay $0x7  }
0x166: {  	[tilespmem:v2+s26+$0x0] =	vst.idx.add.f32.msk $0xffff, v1  }
0x167: {  	v2 =	vld [tilespmem:s12+$0x2860];
	_ =	sdelay $0x7  }
0x168: {  	[tilespmem:v2+s26+$0x0] =	vst.idx.add.f32.msk $0xffff, v1  }
0x169: {  	v2 =	vld [tilespmem:s12+$0x2870];
	_ =	sdelay $0x2  }
0x16a: {  	p0 =	seq.s32 s10, $0x13  }
.Ltmp14:
0x16b: {  	_ = 	snop;
	(pc) =	sbr.rel @p0 .LBB2_24-.Ltmp14, $2  }
0x16c: {  	_ =	sdelay $0x2  }
0x16d: {  	[tilespmem:v2+s26+$0x0] =	vst.idx.add.f32.msk $0xffff, v1  }
.Ltmp15:
0x16e: {  	(pc) =	sbr.rel .LBB2_6-.Ltmp15, $3  }
0x16f: {  	_ =	sdelay $0x1  }
0x170: {  	s3 =	sadd.s32 $0x300, s11;
	s10 =	sadd.s32 $0x1, s10  }
0x171: {  	[tilespmem:s21], [sflag:$0x4] =	stream.indirect.gather [hbm4b:s4+s17], $0x20, s3, s17, $0xb8;
	[tilespmem:$0x1F800] =	vst v63  }
.LBB2_25:
0x172: {  	_ =	sfence.sel $0x180000  }
0x173: {  	[bflag:$0x0] =	sbarrier.arrive $0xFFFF  }
0x174: {  	_ =	strace $0x90000047  }
0x175: {  	s0 =	stileid.u32;
	[bflag:$0x2] =	sbarrier.arrive $0xFFFF  }
0x176: {  	p0 =	sne.s32 s0, $0x0;
	s0 =	rddreg [dreg:$0x2]  }
0x177: {  	s0 =	sadd.s32 @!p0 $0x100000, s0  }
0x178: {  	[sflag:s0] =	ssyncadd.tile.s32 @!p0 $0x1;
	_ =	shalt  }
.Lfunc_end2:
_tile_overlayer_lowered:
.L_overlay_start_2:
0x179: {  	(tag) =	ssettag $0x2  }
0x17a: {  	s0 =	rddreg [dreg:$0x0];
	s2 =	stileid.u32  }
0x17b: {  	s1 =	rddreg [dreg:$0x1];
	p0 =	sne.s32 s2, $0x0  }
0x17c: {  	s3 =	rddreg [dreg:$0x2];
	[bflag:$0x3] =	sbarrier.arrive $0xFFFF;
	s2 =	simm.s32 @!p0 $0x1C0A  }
0x17d: {  	[timem:s3], [sflag:s2] =	dma.local @!p0 [hbm:s0], s1  }
0x17e: {  	s0 =	simm.s32 @!p0 $0xA  }
0x17f: {  	_ =	swait.ge @!p0 [sflag:s0], s1  }
0x180: {  	s1 =	ssub.s32 @!p0 $0x0, s1;
	[sflag:s0] =	ssyncset.done @!p0 $0x0  }
0x181: {  	[sflag:s0] =	ssyncadd.s32 @!p0 s1  }
0x182: {  	[bflag:$0x3] =	sbarrier.arrive $0xFFFF  }
0x183: {  	_ =	shalt  }

</sc_bundles>
